<compile_context>
chip_gen: v7x
topology: tpu7x:2x2x1
jax: 0.10.2.dev20260603
libtpu: 0.0.44.dev20260713+nightly
codegen_flags: <defaults>
</compile_context>

<pallas_src>
import functools

import jax
import jax.numpy as jnp
from jax import lax
from jax.experimental import pallas as pl
from jax.experimental.pallas import tpu as pltpu
from jax.experimental.pallas import tpu_sc as plsc

BATCH = 16384
HIST = 50
EMB = 32

NC = 2
NS = 16
NW = NC * NS
B_PER_W = BATCH // NW
NBUF = 2
LANES = 16
NBLK = B_PER_W // LANES

_mesh = plsc.VectorSubcoreMesh(core_axis_name="c", subcore_axis_name="s")


@functools.partial(
    pl.kernel,
    mesh=_mesh,
    out_type=jax.ShapeDtypeStruct((HIST, EMB, BATCH), jnp.float32),
    scratch_types=(
        [pltpu.VMEM((HIST, B_PER_W), jnp.int32)]
        + [pltpu.VMEM((B_PER_W, EMB), jnp.float32) for _ in range(NBUF)]
        + [pltpu.VMEM((EMB, B_PER_W + 1), jnp.float32) for _ in range(NBUF)]
        + [pltpu.SemaphoreType.DMA for _ in range(2 * NBUF)]
    ),
    compiler_params=pltpu.CompilerParams(
        use_tc_tiling_on_sc=False, needs_layout_passes=False
    ),
)
def _emb_gather(xt_hbm, table_hbm, out_hbm, idx_v, *rest):
    gbuf = rest[:NBUF]
    tbuf = rest[NBUF:2 * NBUF]
    gsem = rest[2 * NBUF:3 * NBUF]
    ssem = rest[3 * NBUF:]
    wid = lax.axis_index("s") * NC + lax.axis_index("c")
    b0 = wid * B_PER_W
    pltpu.sync_copy(xt_hbm.at[:, pl.ds(b0, B_PER_W)], idx_v)

    def start_gather(h, b):
        pltpu.async_copy(table_hbm.at[idx_v.at[h]], gbuf[b], gsem[b])

    def wait_gather(b):
        pltpu.make_async_copy(table_hbm.at[pl.ds(0, B_PER_W)], gbuf[b], gsem[b]).wait()

    def start_store(h, b):
        pltpu.async_copy(
            tbuf[b].at[:, pl.ds(0, B_PER_W)],
            out_hbm.at[h, :, pl.ds(b0, B_PER_W)],
            ssem[b],
        )

    def wait_store(b):
        pltpu.make_async_copy(
            tbuf[b].at[:, pl.ds(0, B_PER_W)],
            out_hbm.at[0, :, pl.ds(b0, B_PER_W)],
            ssem[b],
        ).wait()

    def transpose(b):
        iota = lax.broadcasted_iota(jnp.int32, (LANES,), 0)

        def blk_body(blk, carry):
            rbase = blk * LANES
            for half in range(EMB // LANES):
                c_vec = half * LANES + iota
                for k in range(LANES):
                    v = gbuf[b][rbase + k, pl.ds(half * LANES, LANES)]
                    r_vec = jnp.full((LANES,), rbase + k, jnp.int32)
                    plsc.store_scatter(tbuf[b], [c_vec, r_vec], v)
            return carry

        lax.fori_loop(0, NBLK, blk_body, 0)

    for b in range(NBUF):
        start_gather(b, b)

    def body(h2, carry):
        for b in range(NBUF):
            h = h2 * NBUF + b
            wait_gather(b)
            wait_store(b)
            transpose(b)
            start_store(h, b)
            start_gather(h + NBUF, b)
        return carry

    for b in range(NBUF):
        pltpu.async_copy(
            tbuf[b].at[:, pl.ds(0, B_PER_W)],
            out_hbm.at[HIST - 1, :, pl.ds(b0, B_PER_W)],
            ssem[b],
        )

    lax.fori_loop(0, HIST // NBUF - 1, body, 0)

    for b in range(NBUF):
        h = HIST - NBUF + b
        wait_gather(b)
        wait_store(b)
        transpose(b)
        start_store(h, b)
    for b in range(NBUF):
        wait_store(b)


def kernel(x, table):
    out_t = _emb_gather(x.T, table)
    return out_t.transpose(2, 0, 1)

# --- scband reference (transcript-rebuilt; emitter-appended) ---
"""Pipeline reference for scband-token-emb-59210419143193 (READ-ONLY COPY).

The authoritative reference and input builder live on the scoring server;
editing this copy changes nothing except your own understanding.
"""

import jax, jax.numpy as jnp
import numpy as np

NUM_EMB = 1000000
EMB_DIM = 32
RARE_ID = 0
BATCH = 16384
HIST = 50


def setup_inputs(seed: int = 0) -> dict:
    key = jax.random.key(seed)
    k1, k2 = jax.random.split(key)
    x = jax.random.randint(k1, (BATCH, HIST), 0, NUM_EMB, dtype=jnp.int32)
    # Embedding table, initialized like init_params(): uniform(-0.1, 0.1), row 0 = 0
    table = jax.random.uniform(k2, (NUM_EMB, EMB_DIM), minval=-0.1, maxval=0.1, dtype=jnp.float32)
    table = table.at[0].set(0.0)
    return {"x": x, "table": table}


def reference(x, table):
    numembs = table.shape[0]
    # TokenEmb.forward: OOV ids (>= num_embeddings) are remapped to rare_id
    unkmask = x >= numembs
    x = jnp.where(unkmask, RARE_ID, x)
    # unkmask buffer is None (rare_token_ids=None), adapter is None (adapt_dims=None)
    ret = jnp.take(table, x, axis=0)
    return ret

if __name__ == "__main__":
    import jax
    _d = setup_inputs()
    print(jax.jit(kernel)(*tuple(_d.values())))

</pallas_src>

<mosaic_0001>
#map = affine_map<(d0, d1) -> (0, 0)>
#map1 = affine_map<(d0, d1) -> (0, 0, 0)>
module attributes {stable_mosaic.version = 14 : i64} {
  func.func @_emb_gather(%arg0: i32, %arg1: i32, %arg2: memref<50x16384xi32, #tpu.memory_space<hbm>>, %arg3: memref<1000000x32xf32, #tpu.memory_space<hbm>>, %arg4: memref<50x32x16384xf32, #tpu.memory_space<hbm>>, %arg5: memref<50x512xi32, #tpu.memory_space<vmem>>, %arg6: memref<512x32xf32, #tpu.memory_space<vmem>>, %arg7: memref<512x32xf32, #tpu.memory_space<vmem>>, %arg8: memref<32x513xf32, #tpu.memory_space<vmem>>, %arg9: memref<32x513xf32, #tpu.memory_space<vmem>>, %arg10: memref<!tpu.dma_semaphore, #tpu.memory_space<semaphore_mem>>, %arg11: memref<!tpu.dma_semaphore, #tpu.memory_space<semaphore_mem>>, %arg12: memref<!tpu.dma_semaphore, #tpu.memory_space<semaphore_mem>>, %arg13: memref<!tpu.dma_semaphore, #tpu.memory_space<semaphore_mem>>) attributes {dimension_semantics = [#tpu.dimension_semantics<core_parallel>, #tpu.dimension_semantics<subcore_parallel>], iteration_bounds = array<i64: 2, 16>, scalar_prefetch = 0 : i64, scratch_operands = 9 : i64, tpu.core_type = #tpu.core_type<sc_vector_subcore>, window_params = [{transform_indices = #map}, {transform_indices = #map}, {transform_indices = #map1}]} {
    %mul3A = arith.constant 2 : i32
    %mul3A_0 = arith.muli %arg1, %mul3A : i32
    %add3A = arith.addi %mul3A_0, %arg0 : i32
    %mul3A_1 = arith.constant 512 : i32
    %mul3A_2 = arith.muli %add3A, %mul3A_1 : i32
    "tpu.region"() ({
      %run_scoped3A = tpu.sem_alloc : memref<!tpu.dma_semaphore, #tpu.memory_space<semaphore_mem>>
      %dma_start3A_149 = arith.constant 0 : i32
      %dma_start3A_150 = tpu.memref_slice %arg2[%dma_start3A_149, %mul3A_2] : memref<50x16384xi32, #tpu.memory_space<hbm>> -> memref<50x512xi32, #tpu.memory_space<hbm>>
      %dma_start3A_151 = arith.constant 0 : i32
      %dma_start3A_152 = tpu.memref_slice %arg2[%dma_start3A_151, %mul3A_2] : memref<50x16384xi32, #tpu.memory_space<hbm>> -> memref<50x512xi32, #tpu.memory_space<hbm>>
      tpu.enqueue_dma source(%dma_start3A_152 : memref<50x512xi32, #tpu.memory_space<hbm>>) target(%arg5 : memref<50x512xi32, #tpu.memory_space<vmem>>) target_semaphore(%run_scoped3A : memref<!tpu.dma_semaphore, #tpu.memory_space<semaphore_mem>>)
      %dma_wait3A_153 = arith.constant 0 : i32
      %dma_wait3A_154 = tpu.memref_slice %arg2[%dma_wait3A_153, %mul3A_2] : memref<50x16384xi32, #tpu.memory_space<hbm>> -> memref<50x512xi32, #tpu.memory_space<hbm>>
      %dma_wait3A_155 = arith.constant 0 : i32
      %dma_wait3A_156 = tpu.memref_slice %arg2[%dma_wait3A_155, %mul3A_2] : memref<50x16384xi32, #tpu.memory_space<hbm>> -> memref<50x512xi32, #tpu.memory_space<hbm>>
      tpu.wait_dma2 semaphore(%run_scoped3A : memref<!tpu.dma_semaphore, #tpu.memory_space<semaphore_mem>>) src(%dma_wait3A_156 : memref<50x512xi32, #tpu.memory_space<hbm>>) dst(%arg5 : memref<50x512xi32, #tpu.memory_space<vmem>>)
      tpu.yield
    }) : () -> ()
    %dma_start3A = arith.constant 0 : i32
    %dma_start3A_3 = arith.constant 0 : i32
    %dma_start3A_4 = tpu.memref_slice %arg5[%dma_start3A, %dma_start3A_3] : memref<50x512xi32, #tpu.memory_space<vmem>> -> memref<1x512xi32, #tpu.memory_space<vmem>>
    %dma_start3A_5 = tpu.memref_squeeze %dma_start3A_4 : memref<1x512xi32, #tpu.memory_space<vmem>> -> memref<512xi32, #tpu.memory_space<vmem>>
    %dma_start3A_6 = arith.constant 0 : i32
    %dma_start3A_7 = arith.constant 0 : i32
    %dma_start3A_8 = tpu.memref_slice %arg3[%dma_start3A_6, %dma_start3A_7] : memref<1000000x32xf32, #tpu.memory_space<hbm>> -> memref<1000000x32xf32, #tpu.memory_space<hbm>>
    tpu.enqueue_indirect_dma source(%dma_start3A_8 : memref<1000000x32xf32, #tpu.memory_space<hbm>>) target(%arg6 : memref<512x32xf32, #tpu.memory_space<vmem>>) offsets(%dma_start3A_5 : memref<512xi32, #tpu.memory_space<vmem>>) semaphore(%arg10 : memref<!tpu.dma_semaphore, #tpu.memory_space<semaphore_mem>>)
    %dma_start3A_9 = arith.constant 1 : i32
    %dma_start3A_10 = arith.constant 0 : i32
    %dma_start3A_11 = tpu.memref_slice %arg5[%dma_start3A_9, %dma_start3A_10] : memref<50x512xi32, #tpu.memory_space<vmem>> -> memref<1x512xi32, #tpu.memory_space<vmem>>
    %dma_start3A_12 = tpu.memref_squeeze %dma_start3A_11 : memref<1x512xi32, #tpu.memory_space<vmem>> -> memref<512xi32, #tpu.memory_space<vmem>>
    %dma_start3A_13 = arith.constant 0 : i32
    %dma_start3A_14 = arith.constant 0 : i32
    %dma_start3A_15 = tpu.memref_slice %arg3[%dma_start3A_13, %dma_start3A_14] : memref<1000000x32xf32, #tpu.memory_space<hbm>> -> memref<1000000x32xf32, #tpu.memory_space<hbm>>
    tpu.enqueue_indirect_dma source(%dma_start3A_15 : memref<1000000x32xf32, #tpu.memory_space<hbm>>) target(%arg7 : memref<512x32xf32, #tpu.memory_space<vmem>>) offsets(%dma_start3A_12 : memref<512xi32, #tpu.memory_space<vmem>>) semaphore(%arg11 : memref<!tpu.dma_semaphore, #tpu.memory_space<semaphore_mem>>)
    %dma_start3A_16 = arith.constant 49 : i32
    %dma_start3A_17 = arith.constant 0 : i32
    %dma_start3A_18 = arith.constant 0 : i32
    %dma_start3A_19 = tpu.memref_slice %arg8[%dma_start3A_17, %dma_start3A_18] : memref<32x513xf32, #tpu.memory_space<vmem>> -> memref<32x512xf32, #tpu.memory_space<vmem>>
    %dma_start3A_20 = arith.constant 0 : i32
    %dma_start3A_21 = tpu.memref_slice %arg4[%dma_start3A_16, %dma_start3A_20, %mul3A_2] : memref<50x32x16384xf32, #tpu.memory_space<hbm>> -> memref<1x32x512xf32, #tpu.memory_space<hbm>>
    %dma_start3A_22 = tpu.memref_squeeze %dma_start3A_21 : memref<1x32x512xf32, #tpu.memory_space<hbm>> -> memref<32x512xf32, #tpu.memory_space<hbm>>
    %dma_start3A_23 = arith.constant 0 : i32
    %dma_start3A_24 = tpu.memref_slice %arg4[%dma_start3A_16, %dma_start3A_23, %mul3A_2] : memref<50x32x16384xf32, #tpu.memory_space<hbm>> -> memref<1x32x512xf32, #tpu.memory_space<hbm>>
    %dma_start3A_25 = tpu.memref_squeeze %dma_start3A_24 : memref<1x32x512xf32, #tpu.memory_space<hbm>> -> memref<32x512xf32, #tpu.memory_space<hbm>>
    %dma_start3A_26 = arith.constant 0 : i32
    %dma_start3A_27 = arith.constant 0 : i32
    %dma_start3A_28 = tpu.memref_slice %arg8[%dma_start3A_26, %dma_start3A_27] : memref<32x513xf32, #tpu.memory_space<vmem>> -> memref<32x512xf32, #tpu.memory_space<vmem>>
    tpu.enqueue_dma source(%dma_start3A_28 : memref<32x512xf32, #tpu.memory_space<vmem>>) target(%dma_start3A_25 : memref<32x512xf32, #tpu.memory_space<hbm>>) target_semaphore(%arg12 : memref<!tpu.dma_semaphore, #tpu.memory_space<semaphore_mem>>)
    %dma_start3A_29 = arith.constant 49 : i32
    %dma_start3A_30 = arith.constant 0 : i32
    %dma_start3A_31 = arith.constant 0 : i32
    %dma_start3A_32 = tpu.memref_slice %arg9[%dma_start3A_30, %dma_start3A_31] : memref<32x513xf32, #tpu.memory_space<vmem>> -> memref<32x512xf32, #tpu.memory_space<vmem>>
    %dma_start3A_33 = arith.constant 0 : i32
    %dma_start3A_34 = tpu.memref_slice %arg4[%dma_start3A_29, %dma_start3A_33, %mul3A_2] : memref<50x32x16384xf32, #tpu.memory_space<hbm>> -> memref<1x32x512xf32, #tpu.memory_space<hbm>>
    %dma_start3A_35 = tpu.memref_squeeze %dma_start3A_34 : memref<1x32x512xf32, #tpu.memory_space<hbm>> -> memref<32x512xf32, #tpu.memory_space<hbm>>
    %dma_start3A_36 = arith.constant 0 : i32
    %dma_start3A_37 = tpu.memref_slice %arg4[%dma_start3A_29, %dma_start3A_36, %mul3A_2] : memref<50x32x16384xf32, #tpu.memory_space<hbm>> -> memref<1x32x512xf32, #tpu.memory_space<hbm>>
    %dma_start3A_38 = tpu.memref_squeeze %dma_start3A_37 : memref<1x32x512xf32, #tpu.memory_space<hbm>> -> memref<32x512xf32, #tpu.memory_space<hbm>>
    %dma_start3A_39 = arith.constant 0 : i32
    %dma_start3A_40 = arith.constant 0 : i32
    %dma_start3A_41 = tpu.memref_slice %arg9[%dma_start3A_39, %dma_start3A_40] : memref<32x513xf32, #tpu.memory_space<vmem>> -> memref<32x512xf32, #tpu.memory_space<vmem>>
    tpu.enqueue_dma source(%dma_start3A_41 : memref<32x512xf32, #tpu.memory_space<vmem>>) target(%dma_start3A_38 : memref<32x512xf32, #tpu.memory_space<hbm>>) target_semaphore(%arg13 : memref<!tpu.dma_semaphore, #tpu.memory_space<semaphore_mem>>)
    %scan3A = arith.constant 0 : i32
    %scan3A_42 = arith.constant 0 : i32
    %scan3A_43 = arith.constant 24 : i32
    %scan3A_44 = arith.addi %scan3A_42, %scan3A_43 : i32
    %scan3A_45 = arith.constant 1 : i32
    scf.for %scan3A_149 = %scan3A_42 to %scan3A_44 step %scan3A_45  : i32 {
      %mul3A_150 = arith.constant 2 : i32
      %mul3A_151 = arith.muli %scan3A_149, %mul3A_150 : i32
      %add3A_152 = arith.constant 0 : i32
      %add3A_153 = arith.addi %mul3A_151, %add3A_152 : i32
      %dma_wait3A_154 = arith.constant 0 : i32
      %dma_wait3A_155 = arith.constant 0 : i32
      %dma_wait3A_156 = tpu.memref_slice %arg3[%dma_wait3A_154, %dma_wait3A_155] : memref<1000000x32xf32, #tpu.memory_space<hbm>> -> memref<512x32xf32, #tpu.memory_space<hbm>>
      %dma_wait3A_157 = arith.constant 0 : i32
      %dma_wait3A_158 = arith.constant 0 : i32
      %dma_wait3A_159 = tpu.memref_slice %arg3[%dma_wait3A_157, %dma_wait3A_158] : memref<1000000x32xf32, #tpu.memory_space<hbm>> -> memref<512x32xf32, #tpu.memory_space<hbm>>
      tpu.wait_dma2 semaphore(%arg10 : memref<!tpu.dma_semaphore, #tpu.memory_space<semaphore_mem>>) src(%dma_wait3A_159 : memref<512x32xf32, #tpu.memory_space<hbm>>) dst(%arg6 : memref<512x32xf32, #tpu.memory_space<vmem>>)
      %dma_wait3A_160 = arith.constant 0 : i32
      %dma_wait3A_161 = arith.constant 0 : i32
      %dma_wait3A_162 = arith.constant 0 : i32
      %dma_wait3A_163 = tpu.memref_slice %arg8[%dma_wait3A_161, %dma_wait3A_162] : memref<32x513xf32, #tpu.memory_space<vmem>> -> memref<32x512xf32, #tpu.memory_space<vmem>>
      %dma_wait3A_164 = arith.constant 0 : i32
      %dma_wait3A_165 = tpu.memref_slice %arg4[%dma_wait3A_160, %dma_wait3A_164, %mul3A_2] : memref<50x32x16384xf32, #tpu.memory_space<hbm>> -> memref<1x32x512xf32, #tpu.memory_space<hbm>>
      %dma_wait3A_166 = tpu.memref_squeeze %dma_wait3A_165 : memref<1x32x512xf32, #tpu.memory_space<hbm>> -> memref<32x512xf32, #tpu.memory_space<hbm>>
      %dma_wait3A_167 = arith.constant 0 : i32
      %dma_wait3A_168 = tpu.memref_slice %arg4[%dma_wait3A_160, %dma_wait3A_167, %mul3A_2] : memref<50x32x16384xf32, #tpu.memory_space<hbm>> -> memref<1x32x512xf32, #tpu.memory_space<hbm>>
      %dma_wait3A_169 = tpu.memref_squeeze %dma_wait3A_168 : memref<1x32x512xf32, #tpu.memory_space<hbm>> -> memref<32x512xf32, #tpu.memory_space<hbm>>
      %dma_wait3A_170 = arith.constant 0 : i32
      %dma_wait3A_171 = arith.constant 0 : i32
      %dma_wait3A_172 = tpu.memref_slice %arg8[%dma_wait3A_170, %dma_wait3A_171] : memref<32x513xf32, #tpu.memory_space<vmem>> -> memref<32x512xf32, #tpu.memory_space<vmem>>
      tpu.wait_dma2 semaphore(%arg12 : memref<!tpu.dma_semaphore, #tpu.memory_space<semaphore_mem>>) src(%dma_wait3A_172 : memref<32x512xf32, #tpu.memory_space<vmem>>) dst(%dma_wait3A_169 : memref<32x512xf32, #tpu.memory_space<hbm>>)
      %iota3A_173 = tpu.iota {dimensions = array<i32: 0>} : vector<16xi32>
      %scan3A_174 = arith.constant 0 : i32
      %scan3A_175 = arith.constant 0 : i32
      %scan3A_176 = arith.constant 32 : i32
      %scan3A_177 = arith.addi %scan3A_175, %scan3A_176 : i32
      %scan3A_178 = arith.constant 1 : i32
      scf.for %scan3A_250 = %scan3A_175 to %scan3A_177 step %scan3A_178  : i32 {
        %mul3A_251 = arith.constant 16 : i32
        %mul3A_252 = arith.muli %scan3A_250, %mul3A_251 : i32
        %add3A_253 = arith.constant 0 : i32
        %add3A_254 = vector.broadcast %add3A_253 : i32 to vector<16xi32>
        %add3A_255 = arith.addi %add3A_254, %iota3A_173 : vector<16xi32>
        %add3A_256 = arith.constant 0 : i32
        %add3A_257 = arith.addi %mul3A_252, %add3A_256 : i32
        %get3A = arith.index_cast %add3A_257 : i32 to index
        %get3A_258 = arith.constant 0 : index
        %get3A_259 = tpu.vector_load %arg6[%get3A, %get3A_258] {strides = array<i32>} : memref<512x32xf32, #tpu.memory_space<vmem>>, vector<16xf32>,
        %add3A_260 = arith.constant 0 : i32
        %add3A_261 = arith.addi %mul3A_252, %add3A_260 : i32
        %broadcast_in_dim3A = vector.broadcast %add3A_261 : i32 to vector<16xi32>
        tpu.vector_store_idx %arg8[%add3A_255, %broadcast_in_dim3A], %get3A_259 : memref<32x513xf32, #tpu.memory_space<vmem>>[vector<16xi32>, vector<16xi32>], vector<16xf32>,
        %add3A_262 = arith.constant 1 : i32
        %add3A_263 = arith.addi %mul3A_252, %add3A_262 : i32
        %get3A_264 = arith.index_cast %add3A_263 : i32 to index
        %get3A_265 = arith.constant 0 : index
        %get3A_266 = tpu.vector_load %arg6[%get3A_264, %get3A_265] {strides = array<i32>} : memref<512x32xf32, #tpu.memory_space<vmem>>, vector<16xf32>,
        %add3A_267 = arith.constant 1 : i32
        %add3A_268 = arith.addi %mul3A_252, %add3A_267 : i32
        %broadcast_in_dim3A_269 = vector.broadcast %add3A_268 : i32 to vector<16xi32>
        tpu.vector_store_idx %arg8[%add3A_255, %broadcast_in_dim3A_269], %get3A_266 : memref<32x513xf32, #tpu.memory_space<vmem>>[vector<16xi32>, vector<16xi32>], vector<16xf32>,
        %add3A_270 = arith.constant 2 : i32
        %add3A_271 = arith.addi %mul3A_252, %add3A_270 : i32
        %get3A_272 = arith.index_cast %add3A_271 : i32 to index
        %get3A_273 = arith.constant 0 : index
        %get3A_274 = tpu.vector_load %arg6[%get3A_272, %get3A_273] {strides = array<i32>} : memref<512x32xf32, #tpu.memory_space<vmem>>, vector<16xf32>,
        %add3A_275 = arith.constant 2 : i32
        %add3A_276 = arith.addi %mul3A_252, %add3A_275 : i32
        %broadcast_in_dim3A_277 = vector.broadcast %add3A_276 : i32 to vector<16xi32>
        tpu.vector_store_idx %arg8[%add3A_255, %broadcast_in_dim3A_277], %get3A_274 : memref<32x513xf32, #tpu.memory_space<vmem>>[vector<16xi32>, vector<16xi32>], vector<16xf32>,
        %add3A_278 = arith.constant 3 : i32
        %add3A_279 = arith.addi %mul3A_252, %add3A_278 : i32
        %get3A_280 = arith.index_cast %add3A_279 : i32 to index
        %get3A_281 = arith.constant 0 : index
        %get3A_282 = tpu.vector_load %arg6[%get3A_280, %get3A_281] {strides = array<i32>} : memref<512x32xf32, #tpu.memory_space<vmem>>, vector<16xf32>,
        %add3A_283 = arith.constant 3 : i32
        %add3A_284 = arith.addi %mul3A_252, %add3A_283 : i32
        %broadcast_in_dim3A_285 = vector.broadcast %add3A_284 : i32 to vector<16xi32>
        tpu.vector_store_idx %arg8[%add3A_255, %broadcast_in_dim3A_285], %get3A_282 : memref<32x513xf32, #tpu.memory_space<vmem>>[vector<16xi32>, vector<16xi32>], vector<16xf32>,
        %add3A_286 = arith.constant 4 : i32
        %add3A_287 = arith.addi %mul3A_252, %add3A_286 : i32
        %get3A_288 = arith.index_cast %add3A_287 : i32 to index
        %get3A_289 = arith.constant 0 : index
        %get3A_290 = tpu.vector_load %arg6[%get3A_288, %get3A_289] {strides = array<i32>} : memref<512x32xf32, #tpu.memory_space<vmem>>, vector<16xf32>,
        %add3A_291 = arith.constant 4 : i32
        %add3A_292 = arith.addi %mul3A_252, %add3A_291 : i32
        %broadcast_in_dim3A_293 = vector.broadcast %add3A_292 : i32 to vector<16xi32>
        tpu.vector_store_idx %arg8[%add3A_255, %broadcast_in_dim3A_293], %get3A_290 : memref<32x513xf32, #tpu.memory_space<vmem>>[vector<16xi32>, vector<16xi32>], vector<16xf32>,
        %add3A_294 = arith.constant 5 : i32
        %add3A_295 = arith.addi %mul3A_252, %add3A_294 : i32
        %get3A_296 = arith.index_cast %add3A_295 : i32 to index
        %get3A_297 = arith.constant 0 : index
        %get3A_298 = tpu.vector_load %arg6[%get3A_296, %get3A_297] {strides = array<i32>} : memref<512x32xf32, #tpu.memory_space<vmem>>, vector<16xf32>,
        %add3A_299 = arith.constant 5 : i32
        %add3A_300 = arith.addi %mul3A_252, %add3A_299 : i32
        %broadcast_in_dim3A_301 = vector.broadcast %add3A_300 : i32 to vector<16xi32>
        tpu.vector_store_idx %arg8[%add3A_255, %broadcast_in_dim3A_301], %get3A_298 : memref<32x513xf32, #tpu.memory_space<vmem>>[vector<16xi32>, vector<16xi32>], vector<16xf32>,
        %add3A_302 = arith.constant 6 : i32
        %add3A_303 = arith.addi %mul3A_252, %add3A_302 : i32
        %get3A_304 = arith.index_cast %add3A_303 : i32 to index
        %get3A_305 = arith.constant 0 : index
        %get3A_306 = tpu.vector_load %arg6[%get3A_304, %get3A_305] {strides = array<i32>} : memref<512x32xf32, #tpu.memory_space<vmem>>, vector<16xf32>,
        %add3A_307 = arith.constant 6 : i32
        %add3A_308 = arith.addi %mul3A_252, %add3A_307 : i32
        %broadcast_in_dim3A_309 = vector.broadcast %add3A_308 : i32 to vector<16xi32>
        tpu.vector_store_idx %arg8[%add3A_255, %broadcast_in_dim3A_309], %get3A_306 : memref<32x513xf32, #tpu.memory_space<vmem>>[vector<16xi32>, vector<16xi32>], vector<16xf32>,
        %add3A_310 = arith.constant 7 : i32
        %add3A_311 = arith.addi %mul3A_252, %add3A_310 : i32
        %get3A_312 = arith.index_cast %add3A_311 : i32 to index
        %get3A_313 = arith.constant 0 : index
        %get3A_314 = tpu.vector_load %arg6[%get3A_312, %get3A_313] {strides = array<i32>} : memref<512x32xf32, #tpu.memory_space<vmem>>, vector<16xf32>,
        %add3A_315 = arith.constant 7 : i32
        %add3A_316 = arith.addi %mul3A_252, %add3A_315 : i32
        %broadcast_in_dim3A_317 = vector.broadcast %add3A_316 : i32 to vector<16xi32>
        tpu.vector_store_idx %arg8[%add3A_255, %broadcast_in_dim3A_317], %get3A_314 : memref<32x513xf32, #tpu.memory_space<vmem>>[vector<16xi32>, vector<16xi32>], vector<16xf32>,
        %add3A_318 = arith.constant 8 : i32
        %add3A_319 = arith.addi %mul3A_252, %add3A_318 : i32
        %get3A_320 = arith.index_cast %add3A_319 : i32 to index
        %get3A_321 = arith.constant 0 : index
        %get3A_322 = tpu.vector_load %arg6[%get3A_320, %get3A_321] {strides = array<i32>} : memref<512x32xf32, #tpu.memory_space<vmem>>, vector<16xf32>,
        %add3A_323 = arith.constant 8 : i32
        %add3A_324 = arith.addi %mul3A_252, %add3A_323 : i32
        %broadcast_in_dim3A_325 = vector.broadcast %add3A_324 : i32 to vector<16xi32>
        tpu.vector_store_idx %arg8[%add3A_255, %broadcast_in_dim3A_325], %get3A_322 : memref<32x513xf32, #tpu.memory_space<vmem>>[vector<16xi32>, vector<16xi32>], vector<16xf32>,
        %add3A_326 = arith.constant 9 : i32
        %add3A_327 = arith.addi %mul3A_252, %add3A_326 : i32
        %get3A_328 = arith.index_cast %add3A_327 : i32 to index
        %get3A_329 = arith.constant 0 : index
        %get3A_330 = tpu.vector_load %arg6[%get3A_328, %get3A_329] {strides = array<i32>} : memref<512x32xf32, #tpu.memory_space<vmem>>, vector<16xf32>,
        %add3A_331 = arith.constant 9 : i32
        %add3A_332 = arith.addi %mul3A_252, %add3A_331 : i32
        %broadcast_in_dim3A_333 = vector.broadcast %add3A_332 : i32 to vector<16xi32>
        tpu.vector_store_idx %arg8[%add3A_255, %broadcast_in_dim3A_333], %get3A_330 : memref<32x513xf32, #tpu.memory_space<vmem>>[vector<16xi32>, vector<16xi32>], vector<16xf32>,
        %add3A_334 = arith.constant 10 : i32
        %add3A_335 = arith.addi %mul3A_252, %add3A_334 : i32
        %get3A_336 = arith.index_cast %add3A_335 : i32 to index
        %get3A_337 = arith.constant 0 : index
        %get3A_338 = tpu.vector_load %arg6[%get3A_336, %get3A_337] {strides = array<i32>} : memref<512x32xf32, #tpu.memory_space<vmem>>, vector<16xf32>,
        %add3A_339 = arith.constant 10 : i32
        %add3A_340 = arith.addi %mul3A_252, %add3A_339 : i32
        %broadcast_in_dim3A_341 = vector.broadcast %add3A_340 : i32 to vector<16xi32>
        tpu.vector_store_idx %arg8[%add3A_255, %broadcast_in_dim3A_341], %get3A_338 : memref<32x513xf32, #tpu.memory_space<vmem>>[vector<16xi32>, vector<16xi32>], vector<16xf32>,
        %add3A_342 = arith.constant 11 : i32
        %add3A_343 = arith.addi %mul3A_252, %add3A_342 : i32
        %get3A_344 = arith.index_cast %add3A_343 : i32 to index
        %get3A_345 = arith.constant 0 : index
        %get3A_346 = tpu.vector_load %arg6[%get3A_344, %get3A_345] {strides = array<i32>} : memref<512x32xf32, #tpu.memory_space<vmem>>, vector<16xf32>,
        %add3A_347 = arith.constant 11 : i32
        %add3A_348 = arith.addi %mul3A_252, %add3A_347 : i32
        %broadcast_in_dim3A_349 = vector.broadcast %add3A_348 : i32 to vector<16xi32>
        tpu.vector_store_idx %arg8[%add3A_255, %broadcast_in_dim3A_349], %get3A_346 : memref<32x513xf32, #tpu.memory_space<vmem>>[vector<16xi32>, vector<16xi32>], vector<16xf32>,
        %add3A_350 = arith.constant 12 : i32
        %add3A_351 = arith.addi %mul3A_252, %add3A_350 : i32
        %get3A_352 = arith.index_cast %add3A_351 : i32 to index
        %get3A_353 = arith.constant 0 : index
        %get3A_354 = tpu.vector_load %arg6[%get3A_352, %get3A_353] {strides = array<i32>} : memref<512x32xf32, #tpu.memory_space<vmem>>, vector<16xf32>,
        %add3A_355 = arith.constant 12 : i32
        %add3A_356 = arith.addi %mul3A_252, %add3A_355 : i32
        %broadcast_in_dim3A_357 = vector.broadcast %add3A_356 : i32 to vector<16xi32>
        tpu.vector_store_idx %arg8[%add3A_255, %broadcast_in_dim3A_357], %get3A_354 : memref<32x513xf32, #tpu.memory_space<vmem>>[vector<16xi32>, vector<16xi32>], vector<16xf32>,
        %add3A_358 = arith.constant 13 : i32
        %add3A_359 = arith.addi %mul3A_252, %add3A_358 : i32
        %get3A_360 = arith.index_cast %add3A_359 : i32 to index
        %get3A_361 = arith.constant 0 : index
        %get3A_362 = tpu.vector_load %arg6[%get3A_360, %get3A_361] {strides = array<i32>} : memref<512x32xf32, #tpu.memory_space<vmem>>, vector<16xf32>,
        %add3A_363 = arith.constant 13 : i32
        %add3A_364 = arith.addi %mul3A_252, %add3A_363 : i32
        %broadcast_in_dim3A_365 = vector.broadcast %add3A_364 : i32 to vector<16xi32>
        tpu.vector_store_idx %arg8[%add3A_255, %broadcast_in_dim3A_365], %get3A_362 : memref<32x513xf32, #tpu.memory_space<vmem>>[vector<16xi32>, vector<16xi32>], vector<16xf32>,
        %add3A_366 = arith.constant 14 : i32
        %add3A_367 = arith.addi %mul3A_252, %add3A_366 : i32
        %get3A_368 = arith.index_cast %add3A_367 : i32 to index
        %get3A_369 = arith.constant 0 : index
        %get3A_370 = tpu.vector_load %arg6[%get3A_368, %get3A_369] {strides = array<i32>} : memref<512x32xf32, #tpu.memory_space<vmem>>, vector<16xf32>,
        %add3A_371 = arith.constant 14 : i32
        %add3A_372 = arith.addi %mul3A_252, %add3A_371 : i32
        %broadcast_in_dim3A_373 = vector.broadcast %add3A_372 : i32 to vector<16xi32>
        tpu.vector_store_idx %arg8[%add3A_255, %broadcast_in_dim3A_373], %get3A_370 : memref<32x513xf32, #tpu.memory_space<vmem>>[vector<16xi32>, vector<16xi32>], vector<16xf32>,
        %add3A_374 = arith.constant 15 : i32
        %add3A_375 = arith.addi %mul3A_252, %add3A_374 : i32
        %get3A_376 = arith.index_cast %add3A_375 : i32 to index
        %get3A_377 = arith.constant 0 : index
        %get3A_378 = tpu.vector_load %arg6[%get3A_376, %get3A_377] {strides = array<i32>} : memref<512x32xf32, #tpu.memory_space<vmem>>, vector<16xf32>,
        %add3A_379 = arith.constant 15 : i32
        %add3A_380 = arith.addi %mul3A_252, %add3A_379 : i32
        %broadcast_in_dim3A_381 = vector.broadcast %add3A_380 : i32 to vector<16xi32>
        tpu.vector_store_idx %arg8[%add3A_255, %broadcast_in_dim3A_381], %get3A_378 : memref<32x513xf32, #tpu.memory_space<vmem>>[vector<16xi32>, vector<16xi32>], vector<16xf32>,
        %add3A_382 = arith.constant 16 : i32
        %add3A_383 = vector.broadcast %add3A_382 : i32 to vector<16xi32>
        %add3A_384 = arith.addi %add3A_383, %iota3A_173 : vector<16xi32>
        %add3A_385 = arith.constant 0 : i32
        %add3A_386 = arith.addi %mul3A_252, %add3A_385 : i32
        %get3A_387 = arith.index_cast %add3A_386 : i32 to index
        %get3A_388 = arith.constant 16 : index
        %get3A_389 = tpu.vector_load %arg6[%get3A_387, %get3A_388] {strides = array<i32>} : memref<512x32xf32, #tpu.memory_space<vmem>>, vector<16xf32>,
        %add3A_390 = arith.constant 0 : i32
        %add3A_391 = arith.addi %mul3A_252, %add3A_390 : i32
        %broadcast_in_dim3A_392 = vector.broadcast %add3A_391 : i32 to vector<16xi32>
        tpu.vector_store_idx %arg8[%add3A_384, %broadcast_in_dim3A_392], %get3A_389 : memref<32x513xf32, #tpu.memory_space<vmem>>[vector<16xi32>, vector<16xi32>], vector<16xf32>,
        %add3A_393 = arith.constant 1 : i32
        %add3A_394 = arith.addi %mul3A_252, %add3A_393 : i32
        %get3A_395 = arith.index_cast %add3A_394 : i32 to index
        %get3A_396 = arith.constant 16 : index
        %get3A_397 = tpu.vector_load %arg6[%get3A_395, %get3A_396] {strides = array<i32>} : memref<512x32xf32, #tpu.memory_space<vmem>>, vector<16xf32>,
        %add3A_398 = arith.constant 1 : i32
        %add3A_399 = arith.addi %mul3A_252, %add3A_398 : i32
        %broadcast_in_dim3A_400 = vector.broadcast %add3A_399 : i32 to vector<16xi32>
        tpu.vector_store_idx %arg8[%add3A_384, %broadcast_in_dim3A_400], %get3A_397 : memref<32x513xf32, #tpu.memory_space<vmem>>[vector<16xi32>, vector<16xi32>], vector<16xf32>,
        %add3A_401 = arith.constant 2 : i32
        %add3A_402 = arith.addi %mul3A_252, %add3A_401 : i32
        %get3A_403 = arith.index_cast %add3A_402 : i32 to index
        %get3A_404 = arith.constant 16 : index
        %get3A_405 = tpu.vector_load %arg6[%get3A_403, %get3A_404] {strides = array<i32>} : memref<512x32xf32, #tpu.memory_space<vmem>>, vector<16xf32>,
        %add3A_406 = arith.constant 2 : i32
        %add3A_407 = arith.addi %mul3A_252, %add3A_406 : i32
        %broadcast_in_dim3A_408 = vector.broadcast %add3A_407 : i32 to vector<16xi32>
        tpu.vector_store_idx %arg8[%add3A_384, %broadcast_in_dim3A_408], %get3A_405 : memref<32x513xf32, #tpu.memory_space<vmem>>[vector<16xi32>, vector<16xi32>], vector<16xf32>,
        %add3A_409 = arith.constant 3 : i32
        %add3A_410 = arith.addi %mul3A_252, %add3A_409 : i32
        %get3A_411 = arith.index_cast %add3A_410 : i32 to index
        %get3A_412 = arith.constant 16 : index
        %get3A_413 = tpu.vector_load %arg6[%get3A_411, %get3A_412] {strides = array<i32>} : memref<512x32xf32, #tpu.memory_space<vmem>>, vector<16xf32>,
        %add3A_414 = arith.constant 3 : i32
        %add3A_415 = arith.addi %mul3A_252, %add3A_414 : i32
        %broadcast_in_dim3A_416 = vector.broadcast %add3A_415 : i32 to vector<16xi32>
        tpu.vector_store_idx %arg8[%add3A_384, %broadcast_in_dim3A_416], %get3A_413 : memref<32x513xf32, #tpu.memory_space<vmem>>[vector<16xi32>, vector<16xi32>], vector<16xf32>,
        %add3A_417 = arith.constant 4 : i32
        %add3A_418 = arith.addi %mul3A_252, %add3A_417 : i32
        %get3A_419 = arith.index_cast %add3A_418 : i32 to index
        %get3A_420 = arith.constant 16 : index
        %get3A_421 = tpu.vector_load %arg6[%get3A_419, %get3A_420] {strides = array<i32>} : memref<512x32xf32, #tpu.memory_space<vmem>>, vector<16xf32>,
        %add3A_422 = arith.constant 4 : i32
        %add3A_423 = arith.addi %mul3A_252, %add3A_422 : i32
        %broadcast_in_dim3A_424 = vector.broadcast %add3A_423 : i32 to vector<16xi32>
        tpu.vector_store_idx %arg8[%add3A_384, %broadcast_in_dim3A_424], %get3A_421 : memref<32x513xf32, #tpu.memory_space<vmem>>[vector<16xi32>, vector<16xi32>], vector<16xf32>,
        %add3A_425 = arith.constant 5 : i32
        %add3A_426 = arith.addi %mul3A_252, %add3A_425 : i32
        %get3A_427 = arith.index_cast %add3A_426 : i32 to index
        %get3A_428 = arith.constant 16 : index
        %get3A_429 = tpu.vector_load %arg6[%get3A_427, %get3A_428] {strides = array<i32>} : memref<512x32xf32, #tpu.memory_space<vmem>>, vector<16xf32>,
        %add3A_430 = arith.constant 5 : i32
        %add3A_431 = arith.addi %mul3A_252, %add3A_430 : i32
        %broadcast_in_dim3A_432 = vector.broadcast %add3A_431 : i32 to vector<16xi32>
        tpu.vector_store_idx %arg8[%add3A_384, %broadcast_in_dim3A_432], %get3A_429 : memref<32x513xf32, #tpu.memory_space<vmem>>[vector<16xi32>, vector<16xi32>], vector<16xf32>,
        %add3A_433 = arith.constant 6 : i32
        %add3A_434 = arith.addi %mul3A_252, %add3A_433 : i32
        %get3A_435 = arith.index_cast %add3A_434 : i32 to index
        %get3A_436 = arith.constant 16 : index
        %get3A_437 = tpu.vector_load %arg6[%get3A_435, %get3A_436] {strides = array<i32>} : memref<512x32xf32, #tpu.memory_space<vmem>>, vector<16xf32>,
        %add3A_438 = arith.constant 6 : i32
        %add3A_439 = arith.addi %mul3A_252, %add3A_438 : i32
        %broadcast_in_dim3A_440 = vector.broadcast %add3A_439 : i32 to vector<16xi32>
        tpu.vector_store_idx %arg8[%add3A_384, %broadcast_in_dim3A_440], %get3A_437 : memref<32x513xf32, #tpu.memory_space<vmem>>[vector<16xi32>, vector<16xi32>], vector<16xf32>,
        %add3A_441 = arith.constant 7 : i32
        %add3A_442 = arith.addi %mul3A_252, %add3A_441 : i32
        %get3A_443 = arith.index_cast %add3A_442 : i32 to index
        %get3A_444 = arith.constant 16 : index
        %get3A_445 = tpu.vector_load %arg6[%get3A_443, %get3A_444] {strides = array<i32>} : memref<512x32xf32, #tpu.memory_space<vmem>>, vector<16xf32>,
        %add3A_446 = arith.constant 7 : i32
        %add3A_447 = arith.addi %mul3A_252, %add3A_446 : i32
        %broadcast_in_dim3A_448 = vector.broadcast %add3A_447 : i32 to vector<16xi32>
        tpu.vector_store_idx %arg8[%add3A_384, %broadcast_in_dim3A_448], %get3A_445 : memref<32x513xf32, #tpu.memory_space<vmem>>[vector<16xi32>, vector<16xi32>], vector<16xf32>,
        %add3A_449 = arith.constant 8 : i32
        %add3A_450 = arith.addi %mul3A_252, %add3A_449 : i32
        %get3A_451 = arith.index_cast %add3A_450 : i32 to index
        %get3A_452 = arith.constant 16 : index
        %get3A_453 = tpu.vector_load %arg6[%get3A_451, %get3A_452] {strides = array<i32>} : memref<512x32xf32, #tpu.memory_space<vmem>>, vector<16xf32>,
        %add3A_454 = arith.constant 8 : i32
        %add3A_455 = arith.addi %mul3A_252, %add3A_454 : i32
        %broadcast_in_dim3A_456 = vector.broadcast %add3A_455 : i32 to vector<16xi32>
        tpu.vector_store_idx %arg8[%add3A_384, %broadcast_in_dim3A_456], %get3A_453 : memref<32x513xf32, #tpu.memory_space<vmem>>[vector<16xi32>, vector<16xi32>], vector<16xf32>,
        %add3A_457 = arith.constant 9 : i32
        %add3A_458 = arith.addi %mul3A_252, %add3A_457 : i32
        %get3A_459 = arith.index_cast %add3A_458 : i32 to index
        %get3A_460 = arith.constant 16 : index
        %get3A_461 = tpu.vector_load %arg6[%get3A_459, %get3A_460] {strides = array<i32>} : memref<512x32xf32, #tpu.memory_space<vmem>>, vector<16xf32>,
        %add3A_462 = arith.constant 9 : i32
        %add3A_463 = arith.addi %mul3A_252, %add3A_462 : i32
        %broadcast_in_dim3A_464 = vector.broadcast %add3A_463 : i32 to vector<16xi32>
        tpu.vector_store_idx %arg8[%add3A_384, %broadcast_in_dim3A_464], %get3A_461 : memref<32x513xf32, #tpu.memory_space<vmem>>[vector<16xi32>, vector<16xi32>], vector<16xf32>,
        %add3A_465 = arith.constant 10 : i32
        %add3A_466 = arith.addi %mul3A_252, %add3A_465 : i32
        %get3A_467 = arith.index_cast %add3A_466 : i32 to index
        %get3A_468 = arith.constant 16 : index
        %get3A_469 = tpu.vector_load %arg6[%get3A_467, %get3A_468] {strides = array<i32>} : memref<512x32xf32, #tpu.memory_space<vmem>>, vector<16xf32>,
        %add3A_470 = arith.constant 10 : i32
        %add3A_471 = arith.addi %mul3A_252, %add3A_470 : i32
        %broadcast_in_dim3A_472 = vector.broadcast %add3A_471 : i32 to vector<16xi32>
        tpu.vector_store_idx %arg8[%add3A_384, %broadcast_in_dim3A_472], %get3A_469 : memref<32x513xf32, #tpu.memory_space<vmem>>[vector<16xi32>, vector<16xi32>], vector<16xf32>,
        %add3A_473 = arith.constant 11 : i32
        %add3A_474 = arith.addi %mul3A_252, %add3A_473 : i32
        %get3A_475 = arith.index_cast %add3A_474 : i32 to index
        %get3A_476 = arith.constant 16 : index
        %get3A_477 = tpu.vector_load %arg6[%get3A_475, %get3A_476] {strides = array<i32>} : memref<512x32xf32, #tpu.memory_space<vmem>>, vector<16xf32>,
        %add3A_478 = arith.constant 11 : i32
        %add3A_479 = arith.addi %mul3A_252, %add3A_478 : i32
        %broadcast_in_dim3A_480 = vector.broadcast %add3A_479 : i32 to vector<16xi32>
        tpu.vector_store_idx %arg8[%add3A_384, %broadcast_in_dim3A_480], %get3A_477 : memref<32x513xf32, #tpu.memory_space<vmem>>[vector<16xi32>, vector<16xi32>], vector<16xf32>,
        %add3A_481 = arith.constant 12 : i32
        %add3A_482 = arith.addi %mul3A_252, %add3A_481 : i32
        %get3A_483 = arith.index_cast %add3A_482 : i32 to index
        %get3A_484 = arith.constant 16 : index
        %get3A_485 = tpu.vector_load %arg6[%get3A_483, %get3A_484] {strides = array<i32>} : memref<512x32xf32, #tpu.memory_space<vmem>>, vector<16xf32>,
        %add3A_486 = arith.constant 12 : i32
        %add3A_487 = arith.addi %mul3A_252, %add3A_486 : i32
        %broadcast_in_dim3A_488 = vector.broadcast %add3A_487 : i32 to vector<16xi32>
        tpu.vector_store_idx %arg8[%add3A_384, %broadcast_in_dim3A_488], %get3A_485 : memref<32x513xf32, #tpu.memory_space<vmem>>[vector<16xi32>, vector<16xi32>], vector<16xf32>,
        %add3A_489 = arith.constant 13 : i32
        %add3A_490 = arith.addi %mul3A_252, %add3A_489 : i32
        %get3A_491 = arith.index_cast %add3A_490 : i32 to index
        %get3A_492 = arith.constant 16 : index
        %get3A_493 = tpu.vector_load %arg6[%get3A_491, %get3A_492] {strides = array<i32>} : memref<512x32xf32, #tpu.memory_space<vmem>>, vector<16xf32>,
        %add3A_494 = arith.constant 13 : i32
        %add3A_495 = arith.addi %mul3A_252, %add3A_494 : i32
        %broadcast_in_dim3A_496 = vector.broadcast %add3A_495 : i32 to vector<16xi32>
        tpu.vector_store_idx %arg8[%add3A_384, %broadcast_in_dim3A_496], %get3A_493 : memref<32x513xf32, #tpu.memory_space<vmem>>[vector<16xi32>, vector<16xi32>], vector<16xf32>,
        %add3A_497 = arith.constant 14 : i32
        %add3A_498 = arith.addi %mul3A_252, %add3A_497 : i32
        %get3A_499 = arith.index_cast %add3A_498 : i32 to index
        %get3A_500 = arith.constant 16 : index
        %get3A_501 = tpu.vector_load %arg6[%get3A_499, %get3A_500] {strides = array<i32>} : memref<512x32xf32, #tpu.memory_space<vmem>>, vector<16xf32>,
        %add3A_502 = arith.constant 14 : i32
        %add3A_503 = arith.addi %mul3A_252, %add3A_502 : i32
        %broadcast_in_dim3A_504 = vector.broadcast %add3A_503 : i32 to vector<16xi32>
        tpu.vector_store_idx %arg8[%add3A_384, %broadcast_in_dim3A_504], %get3A_501 : memref<32x513xf32, #tpu.memory_space<vmem>>[vector<16xi32>, vector<16xi32>], vector<16xf32>,
        %add3A_505 = arith.constant 15 : i32
        %add3A_506 = arith.addi %mul3A_252, %add3A_505 : i32
        %get3A_507 = arith.index_cast %add3A_506 : i32 to index
        %get3A_508 = arith.constant 16 : index
        %get3A_509 = tpu.vector_load %arg6[%get3A_507, %get3A_508] {strides = array<i32>} : memref<512x32xf32, #tpu.memory_space<vmem>>, vector<16xf32>,
        %add3A_510 = arith.constant 15 : i32
        %add3A_511 = arith.addi %mul3A_252, %add3A_510 : i32
        %broadcast_in_dim3A_512 = vector.broadcast %add3A_511 : i32 to vector<16xi32>
        tpu.vector_store_idx %arg8[%add3A_384, %broadcast_in_dim3A_512], %get3A_509 : memref<32x513xf32, #tpu.memory_space<vmem>>[vector<16xi32>, vector<16xi32>], vector<16xf32>,
      }
      %scan3A_179 = arith.constant 32 : i32
      %dma_start3A_180 = arith.constant 0 : i32
      %dma_start3A_181 = arith.constant 0 : i32
      %dma_start3A_182 = tpu.memref_slice %arg8[%dma_start3A_180, %dma_start3A_181] : memref<32x513xf32, #tpu.memory_space<vmem>> -> memref<32x512xf32, #tpu.memory_space<vmem>>
      %dma_start3A_183 = arith.constant 0 : i32
      %dma_start3A_184 = tpu.memref_slice %arg4[%add3A_153, %dma_start3A_183, %mul3A_2] : memref<50x32x16384xf32, #tpu.memory_space<hbm>> -> memref<1x32x512xf32, #tpu.memory_space<hbm>>
      %dma_start3A_185 = tpu.memref_squeeze %dma_start3A_184 : memref<1x32x512xf32, #tpu.memory_space<hbm>> -> memref<32x512xf32, #tpu.memory_space<hbm>>
      %dma_start3A_186 = arith.constant 0 : i32
      %dma_start3A_187 = tpu.memref_slice %arg4[%add3A_153, %dma_start3A_186, %mul3A_2] : memref<50x32x16384xf32, #tpu.memory_space<hbm>> -> memref<1x32x512xf32, #tpu.memory_space<hbm>>
      %dma_start3A_188 = tpu.memref_squeeze %dma_start3A_187 : memref<1x32x512xf32, #tpu.memory_space<hbm>> -> memref<32x512xf32, #tpu.memory_space<hbm>>
      %dma_start3A_189 = arith.constant 0 : i32
      %dma_start3A_190 = arith.constant 0 : i32
      %dma_start3A_191 = tpu.memref_slice %arg8[%dma_start3A_189, %dma_start3A_190] : memref<32x513xf32, #tpu.memory_space<vmem>> -> memref<32x512xf32, #tpu.memory_space<vmem>>
      tpu.enqueue_dma source(%dma_start3A_191 : memref<32x512xf32, #tpu.memory_space<vmem>>) target(%dma_start3A_188 : memref<32x512xf32, #tpu.memory_space<hbm>>) target_semaphore(%arg12 : memref<!tpu.dma_semaphore, #tpu.memory_space<semaphore_mem>>)
      %add3A_192 = arith.constant 2 : i32
      %add3A_193 = arith.addi %add3A_153, %add3A_192 : i32
      %dma_start3A_194 = arith.constant 0 : i32
      %dma_start3A_195 = tpu.memref_slice %arg5[%add3A_193, %dma_start3A_194] : memref<50x512xi32, #tpu.memory_space<vmem>> -> memref<1x512xi32, #tpu.memory_space<vmem>>
      %dma_start3A_196 = tpu.memref_squeeze %dma_start3A_195 : memref<1x512xi32, #tpu.memory_space<vmem>> -> memref<512xi32, #tpu.memory_space<vmem>>
      %dma_start3A_197 = arith.constant 0 : i32
      %dma_start3A_198 = arith.constant 0 : i32
      %dma_start3A_199 = tpu.memref_slice %arg3[%dma_start3A_197, %dma_start3A_198] : memref<1000000x32xf32, #tpu.memory_space<hbm>> -> memref<1000000x32xf32, #tpu.memory_space<hbm>>
      tpu.enqueue_indirect_dma source(%dma_start3A_199 : memref<1000000x32xf32, #tpu.memory_space<hbm>>) target(%arg6 : memref<512x32xf32, #tpu.memory_space<vmem>>) offsets(%dma_start3A_196 : memref<512xi32, #tpu.memory_space<vmem>>) semaphore(%arg10 : memref<!tpu.dma_semaphore, #tpu.memory_space<semaphore_mem>>)
      %mul3A_200 = arith.constant 2 : i32
      %mul3A_201 = arith.muli %scan3A_149, %mul3A_200 : i32
      %add3A_202 = arith.constant 1 : i32
      %add3A_203 = arith.addi %mul3A_201, %add3A_202 : i32
      %dma_wait3A_204 = arith.constant 0 : i32
      %dma_wait3A_205 = arith.constant 0 : i32
      %dma_wait3A_206 = tpu.memref_slice %arg3[%dma_wait3A_204, %dma_wait3A_205] : memref<1000000x32xf32, #tpu.memory_space<hbm>> -> memref<512x32xf32, #tpu.memory_space<hbm>>
      %dma_wait3A_207 = arith.constant 0 : i32
      %dma_wait3A_208 = arith.constant 0 : i32
      %dma_wait3A_209 = tpu.memref_slice %arg3[%dma_wait3A_207, %dma_wait3A_208] : memref<1000000x32xf32, #tpu.memory_space<hbm>> -> memref<512x32xf32, #tpu.memory_space<hbm>>
      tpu.wait_dma2 semaphore(%arg11 : memref<!tpu.dma_semaphore, #tpu.memory_space<semaphore_mem>>) src(%dma_wait3A_209 : memref<512x32xf32, #tpu.memory_space<hbm>>) dst(%arg7 : memref<512x32xf32, #tpu.memory_space<vmem>>)
      %dma_wait3A_210 = arith.constant 0 : i32
      %dma_wait3A_211 = arith.constant 0 : i32
      %dma_wait3A_212 = arith.constant 0 : i32
      %dma_wait3A_213 = tpu.memref_slice %arg9[%dma_wait3A_211, %dma_wait3A_212] : memref<32x513xf32, #tpu.memory_space<vmem>> -> memref<32x512xf32, #tpu.memory_space<vmem>>
      %dma_wait3A_214 = arith.constant 0 : i32
      %dma_wait3A_215 = tpu.memref_slice %arg4[%dma_wait3A_210, %dma_wait3A_214, %mul3A_2] : memref<50x32x16384xf32, #tpu.memory_space<hbm>> -> memref<1x32x512xf32, #tpu.memory_space<hbm>>
      %dma_wait3A_216 = tpu.memref_squeeze %dma_wait3A_215 : memref<1x32x512xf32, #tpu.memory_space<hbm>> -> memref<32x512xf32, #tpu.memory_space<hbm>>
      %dma_wait3A_217 = arith.constant 0 : i32
      %dma_wait3A_218 = tpu.memref_slice %arg4[%dma_wait3A_210, %dma_wait3A_217, %mul3A_2] : memref<50x32x16384xf32, #tpu.memory_space<hbm>> -> memref<1x32x512xf32, #tpu.memory_space<hbm>>
      %dma_wait3A_219 = tpu.memref_squeeze %dma_wait3A_218 : memref<1x32x512xf32, #tpu.memory_space<hbm>> -> memref<32x512xf32, #tpu.memory_space<hbm>>
      %dma_wait3A_220 = arith.constant 0 : i32
      %dma_wait3A_221 = arith.constant 0 : i32
      %dma_wait3A_222 = tpu.memref_slice %arg9[%dma_wait3A_220, %dma_wait3A_221] : memref<32x513xf32, #tpu.memory_space<vmem>> -> memref<32x512xf32, #tpu.memory_space<vmem>>
      tpu.wait_dma2 semaphore(%arg13 : memref<!tpu.dma_semaphore, #tpu.memory_space<semaphore_mem>>) src(%dma_wait3A_222 : memref<32x512xf32, #tpu.memory_space<vmem>>) dst(%dma_wait3A_219 : memref<32x512xf32, #tpu.memory_space<hbm>>)
      %iota3A_223 = tpu.iota {dimensions = array<i32: 0>} : vector<16xi32>
      %scan3A_224 = arith.constant 0 : i32
      %scan3A_225 = arith.constant 0 : i32
      %scan3A_226 = arith.constant 32 : i32
      %scan3A_227 = arith.addi %scan3A_225, %scan3A_226 : i32
      %scan3A_228 = arith.constant 1 : i32
      scf.for %scan3A_250 = %scan3A_225 to %scan3A_227 step %scan3A_228  : i32 {
        %mul3A_251 = arith.constant 16 : i32
        %mul3A_252 = arith.muli %scan3A_250, %mul3A_251 : i32
        %add3A_253 = arith.constant 0 : i32
        %add3A_254 = vector.broadcast %add3A_253 : i32 to vector<16xi32>
        %add3A_255 = arith.addi %add3A_254, %iota3A_223 : vector<16xi32>
        %add3A_256 = arith.constant 0 : i32
        %add3A_257 = arith.addi %mul3A_252, %add3A_256 : i32
        %get3A = arith.index_cast %add3A_257 : i32 to index
        %get3A_258 = arith.constant 0 : index
        %get3A_259 = tpu.vector_load %arg7[%get3A, %get3A_258] {strides = array<i32>} : memref<512x32xf32, #tpu.memory_space<vmem>>, vector<16xf32>,
        %add3A_260 = arith.constant 0 : i32
        %add3A_261 = arith.addi %mul3A_252, %add3A_260 : i32
        %broadcast_in_dim3A = vector.broadcast %add3A_261 : i32 to vector<16xi32>
        tpu.vector_store_idx %arg9[%add3A_255, %broadcast_in_dim3A], %get3A_259 : memref<32x513xf32, #tpu.memory_space<vmem>>[vector<16xi32>, vector<16xi32>], vector<16xf32>,
        %add3A_262 = arith.constant 1 : i32
        %add3A_263 = arith.addi %mul3A_252, %add3A_262 : i32
        %get3A_264 = arith.index_cast %add3A_263 : i32 to index
        %get3A_265 = arith.constant 0 : index
        %get3A_266 = tpu.vector_load %arg7[%get3A_264, %get3A_265] {strides = array<i32>} : memref<512x32xf32, #tpu.memory_space<vmem>>, vector<16xf32>,
        %add3A_267 = arith.constant 1 : i32
        %add3A_268 = arith.addi %mul3A_252, %add3A_267 : i32
        %broadcast_in_dim3A_269 = vector.broadcast %add3A_268 : i32 to vector<16xi32>
        tpu.vector_store_idx %arg9[%add3A_255, %broadcast_in_dim3A_269], %get3A_266 : memref<32x513xf32, #tpu.memory_space<vmem>>[vector<16xi32>, vector<16xi32>], vector<16xf32>,
        %add3A_270 = arith.constant 2 : i32
        %add3A_271 = arith.addi %mul3A_252, %add3A_270 : i32
        %get3A_272 = arith.index_cast %add3A_271 : i32 to index
        %get3A_273 = arith.constant 0 : index
        %get3A_274 = tpu.vector_load %arg7[%get3A_272, %get3A_273] {strides = array<i32>} : memref<512x32xf32, #tpu.memory_space<vmem>>, vector<16xf32>,
        %add3A_275 = arith.constant 2 : i32
        %add3A_276 = arith.addi %mul3A_252, %add3A_275 : i32
        %broadcast_in_dim3A_277 = vector.broadcast %add3A_276 : i32 to vector<16xi32>
        tpu.vector_store_idx %arg9[%add3A_255, %broadcast_in_dim3A_277], %get3A_274 : memref<32x513xf32, #tpu.memory_space<vmem>>[vector<16xi32>, vector<16xi32>], vector<16xf32>,
        %add3A_278 = arith.constant 3 : i32
        %add3A_279 = arith.addi %mul3A_252, %add3A_278 : i32
        %get3A_280 = arith.index_cast %add3A_279 : i32 to index
        %get3A_281 = arith.constant 0 : index
        %get3A_282 = tpu.vector_load %arg7[%get3A_280, %get3A_281] {strides = array<i32>} : memref<512x32xf32, #tpu.memory_space<vmem>>, vector<16xf32>,
        %add3A_283 = arith.constant 3 : i32
        %add3A_284 = arith.addi %mul3A_252, %add3A_283 : i32
        %broadcast_in_dim3A_285 = vector.broadcast %add3A_284 : i32 to vector<16xi32>
        tpu.vector_store_idx %arg9[%add3A_255, %broadcast_in_dim3A_285], %get3A_282 : memref<32x513xf32, #tpu.memory_space<vmem>>[vector<16xi32>, vector<16xi32>], vector<16xf32>,
        %add3A_286 = arith.constant 4 : i32
        %add3A_287 = arith.addi %mul3A_252, %add3A_286 : i32
        %get3A_288 = arith.index_cast %add3A_287 : i32 to index
        %get3A_289 = arith.constant 0 : index
        %get3A_290 = tpu.vector_load %arg7[%get3A_288, %get3A_289] {strides = array<i32>} : memref<512x32xf32, #tpu.memory_space<vmem>>, vector<16xf32>,
        %add3A_291 = arith.constant 4 : i32
        %add3A_292 = arith.addi %mul3A_252, %add3A_291 : i32
        %broadcast_in_dim3A_293 = vector.broadcast %add3A_292 : i32 to vector<16xi32>
        tpu.vector_store_idx %arg9[%add3A_255, %broadcast_in_dim3A_293], %get3A_290 : memref<32x513xf32, #tpu.memory_space<vmem>>[vector<16xi32>, vector<16xi32>], vector<16xf32>,
        %add3A_294 = arith.constant 5 : i32
        %add3A_295 = arith.addi %mul3A_252, %add3A_294 : i32
        %get3A_296 = arith.index_cast %add3A_295 : i32 to index
        %get3A_297 = arith.constant 0 : index
        %get3A_298 = tpu.vector_load %arg7[%get3A_296, %get3A_297] {strides = array<i32>} : memref<512x32xf32, #tpu.memory_space<vmem>>, vector<16xf32>,
        %add3A_299 = arith.constant 5 : i32
        %add3A_300 = arith.addi %mul3A_252, %add3A_299 : i32
        %broadcast_in_dim3A_301 = vector.broadcast %add3A_300 : i32 to vector<16xi32>
        tpu.vector_store_idx %arg9[%add3A_255, %broadcast_in_dim3A_301], %get3A_298 : memref<32x513xf32, #tpu.memory_space<vmem>>[vector<16xi32>, vector<16xi32>], vector<16xf32>,
        %add3A_302 = arith.constant 6 : i32
        %add3A_303 = arith.addi %mul3A_252, %add3A_302 : i32
        %get3A_304 = arith.index_cast %add3A_303 : i32 to index
        %get3A_305 = arith.constant 0 : index
        %get3A_306 = tpu.vector_load %arg7[%get3A_304, %get3A_305] {strides = array<i32>} : memref<512x32xf32, #tpu.memory_space<vmem>>, vector<16xf32>,
        %add3A_307 = arith.constant 6 : i32
        %add3A_308 = arith.addi %mul3A_252, %add3A_307 : i32
        %broadcast_in_dim3A_309 = vector.broadcast %add3A_308 : i32 to vector<16xi32>
        tpu.vector_store_idx %arg9[%add3A_255, %broadcast_in_dim3A_309], %get3A_306 : memref<32x513xf32, #tpu.memory_space<vmem>>[vector<16xi32>, vector<16xi32>], vector<16xf32>,
        %add3A_310 = arith.constant 7 : i32
        %add3A_311 = arith.addi %mul3A_252, %add3A_310 : i32
        %get3A_312 = arith.index_cast %add3A_311 : i32 to index
        %get3A_313 = arith.constant 0 : index
        %get3A_314 = tpu.vector_load %arg7[%get3A_312, %get3A_313] {strides = array<i32>} : memref<512x32xf32, #tpu.memory_space<vmem>>, vector<16xf32>,
        %add3A_315 = arith.constant 7 : i32
        %add3A_316 = arith.addi %mul3A_252, %add3A_315 : i32
        %broadcast_in_dim3A_317 = vector.broadcast %add3A_316 : i32 to vector<16xi32>
        tpu.vector_store_idx %arg9[%add3A_255, %broadcast_in_dim3A_317], %get3A_314 : memref<32x513xf32, #tpu.memory_space<vmem>>[vector<16xi32>, vector<16xi32>], vector<16xf32>,
        %add3A_318 = arith.constant 8 : i32
        %add3A_319 = arith.addi %mul3A_252, %add3A_318 : i32
        %get3A_320 = arith.index_cast %add3A_319 : i32 to index
        %get3A_321 = arith.constant 0 : index
        %get3A_322 = tpu.vector_load %arg7[%get3A_320, %get3A_321] {strides = array<i32>} : memref<512x32xf32, #tpu.memory_space<vmem>>, vector<16xf32>,
        %add3A_323 = arith.constant 8 : i32
        %add3A_324 = arith.addi %mul3A_252, %add3A_323 : i32
        %broadcast_in_dim3A_325 = vector.broadcast %add3A_324 : i32 to vector<16xi32>
        tpu.vector_store_idx %arg9[%add3A_255, %broadcast_in_dim3A_325], %get3A_322 : memref<32x513xf32, #tpu.memory_space<vmem>>[vector<16xi32>, vector<16xi32>], vector<16xf32>,
        %add3A_326 = arith.constant 9 : i32
        %add3A_327 = arith.addi %mul3A_252, %add3A_326 : i32
        %get3A_328 = arith.index_cast %add3A_327 : i32 to index
        %get3A_329 = arith.constant 0 : index
        %get3A_330 = tpu.vector_load %arg7[%get3A_328, %get3A_329] {strides = array<i32>} : memref<512x32xf32, #tpu.memory_space<vmem>>, vector<16xf32>,
        %add3A_331 = arith.constant 9 : i32
        %add3A_332 = arith.addi %mul3A_252, %add3A_331 : i32
        %broadcast_in_dim3A_333 = vector.broadcast %add3A_332 : i32 to vector<16xi32>
        tpu.vector_store_idx %arg9[%add3A_255, %broadcast_in_dim3A_333], %get3A_330 : memref<32x513xf32, #tpu.memory_space<vmem>>[vector<16xi32>, vector<16xi32>], vector<16xf32>,
        %add3A_334 = arith.constant 10 : i32
        %add3A_335 = arith.addi %mul3A_252, %add3A_334 : i32
        %get3A_336 = arith.index_cast %add3A_335 : i32 to index
        %get3A_337 = arith.constant 0 : index
        %get3A_338 = tpu.vector_load %arg7[%get3A_336, %get3A_337] {strides = array<i32>} : memref<512x32xf32, #tpu.memory_space<vmem>>, vector<16xf32>,
        %add3A_339 = arith.constant 10 : i32
        %add3A_340 = arith.addi %mul3A_252, %add3A_339 : i32
        %broadcast_in_dim3A_341 = vector.broadcast %add3A_340 : i32 to vector<16xi32>
        tpu.vector_store_idx %arg9[%add3A_255, %broadcast_in_dim3A_341], %get3A_338 : memref<32x513xf32, #tpu.memory_space<vmem>>[vector<16xi32>, vector<16xi32>], vector<16xf32>,
        %add3A_342 = arith.constant 11 : i32
        %add3A_343 = arith.addi %mul3A_252, %add3A_342 : i32
        %get3A_344 = arith.index_cast %add3A_343 : i32 to index
        %get3A_345 = arith.constant 0 : index
        %get3A_346 = tpu.vector_load %arg7[%get3A_344, %get3A_345] {strides = array<i32>} : memref<512x32xf32, #tpu.memory_space<vmem>>, vector<16xf32>,
        %add3A_347 = arith.constant 11 : i32
        %add3A_348 = arith.addi %mul3A_252, %add3A_347 : i32
        %broadcast_in_dim3A_349 = vector.broadcast %add3A_348 : i32 to vector<16xi32>
        tpu.vector_store_idx %arg9[%add3A_255, %broadcast_in_dim3A_349], %get3A_346 : memref<32x513xf32, #tpu.memory_space<vmem>>[vector<16xi32>, vector<16xi32>], vector<16xf32>,
        %add3A_350 = arith.constant 12 : i32
        %add3A_351 = arith.addi %mul3A_252, %add3A_350 : i32
        %get3A_352 = arith.index_cast %add3A_351 : i32 to index
        %get3A_353 = arith.constant 0 : index
        %get3A_354 = tpu.vector_load %arg7[%get3A_352, %get3A_353] {strides = array<i32>} : memref<512x32xf32, #tpu.memory_space<vmem>>, vector<16xf32>,
        %add3A_355 = arith.constant 12 : i32
        %add3A_356 = arith.addi %mul3A_252, %add3A_355 : i32
        %broadcast_in_dim3A_357 = vector.broadcast %add3A_356 : i32 to vector<16xi32>
        tpu.vector_store_idx %arg9[%add3A_255, %broadcast_in_dim3A_357], %get3A_354 : memref<32x513xf32, #tpu.memory_space<vmem>>[vector<16xi32>, vector<16xi32>], vector<16xf32>,
        %add3A_358 = arith.constant 13 : i32
        %add3A_359 = arith.addi %mul3A_252, %add3A_358 : i32
        %get3A_360 = arith.index_cast %add3A_359 : i32 to index
        %get3A_361 = arith.constant 0 : index
        %get3A_362 = tpu.vector_load %arg7[%get3A_360, %get3A_361] {strides = array<i32>} : memref<512x32xf32, #tpu.memory_space<vmem>>, vector<16xf32>,
        %add3A_363 = arith.constant 13 : i32
        %add3A_364 = arith.addi %mul3A_252, %add3A_363 : i32
        %broadcast_in_dim3A_365 = vector.broadcast %add3A_364 : i32 to vector<16xi32>
        tpu.vector_store_idx %arg9[%add3A_255, %broadcast_in_dim3A_365], %get3A_362 : memref<32x513xf32, #tpu.memory_space<vmem>>[vector<16xi32>, vector<16xi32>], vector<16xf32>,
        %add3A_366 = arith.constant 14 : i32
        %add3A_367 = arith.addi %mul3A_252, %add3A_366 : i32
        %get3A_368 = arith.index_cast %add3A_367 : i32 to index
        %get3A_369 = arith.constant 0 : index
        %get3A_370 = tpu.vector_load %arg7[%get3A_368, %get3A_369] {strides = array<i32>} : memref<512x32xf32, #tpu.memory_space<vmem>>, vector<16xf32>,
        %add3A_371 = arith.constant 14 : i32
        %add3A_372 = arith.addi %mul3A_252, %add3A_371 : i32
        %broadcast_in_dim3A_373 = vector.broadcast %add3A_372 : i32 to vector<16xi32>
        tpu.vector_store_idx %arg9[%add3A_255, %broadcast_in_dim3A_373], %get3A_370 : memref<32x513xf32, #tpu.memory_space<vmem>>[vector<16xi32>, vector<16xi32>], vector<16xf32>,
        %add3A_374 = arith.constant 15 : i32
        %add3A_375 = arith.addi %mul3A_252, %add3A_374 : i32
        %get3A_376 = arith.index_cast %add3A_375 : i32 to index
        %get3A_377 = arith.constant 0 : index
        %get3A_378 = tpu.vector_load %arg7[%get3A_376, %get3A_377] {strides = array<i32>} : memref<512x32xf32, #tpu.memory_space<vmem>>, vector<16xf32>,
        %add3A_379 = arith.constant 15 : i32
        %add3A_380 = arith.addi %mul3A_252, %add3A_379 : i32
        %broadcast_in_dim3A_381 = vector.broadcast %add3A_380 : i32 to vector<16xi32>
        tpu.vector_store_idx %arg9[%add3A_255, %broadcast_in_dim3A_381], %get3A_378 : memref<32x513xf32, #tpu.memory_space<vmem>>[vector<16xi32>, vector<16xi32>], vector<16xf32>,
        %add3A_382 = arith.constant 16 : i32
        %add3A_383 = vector.broadcast %add3A_382 : i32 to vector<16xi32>
        %add3A_384 = arith.addi %add3A_383, %iota3A_223 : vector<16xi32>
        %add3A_385 = arith.constant 0 : i32
        %add3A_386 = arith.addi %mul3A_252, %add3A_385 : i32
        %get3A_387 = arith.index_cast %add3A_386 : i32 to index
        %get3A_388 = arith.constant 16 : index
        %get3A_389 = tpu.vector_load %arg7[%get3A_387, %get3A_388] {strides = array<i32>} : memref<512x32xf32, #tpu.memory_space<vmem>>, vector<16xf32>,
        %add3A_390 = arith.constant 0 : i32
        %add3A_391 = arith.addi %mul3A_252, %add3A_390 : i32
        %broadcast_in_dim3A_392 = vector.broadcast %add3A_391 : i32 to vector<16xi32>
        tpu.vector_store_idx %arg9[%add3A_384, %broadcast_in_dim3A_392], %get3A_389 : memref<32x513xf32, #tpu.memory_space<vmem>>[vector<16xi32>, vector<16xi32>], vector<16xf32>,
        %add3A_393 = arith.constant 1 : i32
        %add3A_394 = arith.addi %mul3A_252, %add3A_393 : i32
        %get3A_395 = arith.index_cast %add3A_394 : i32 to index
        %get3A_396 = arith.constant 16 : index
        %get3A_397 = tpu.vector_load %arg7[%get3A_395, %get3A_396] {strides = array<i32>} : memref<512x32xf32, #tpu.memory_space<vmem>>, vector<16xf32>,
        %add3A_398 = arith.constant 1 : i32
        %add3A_399 = arith.addi %mul3A_252, %add3A_398 : i32
        %broadcast_in_dim3A_400 = vector.broadcast %add3A_399 : i32 to vector<16xi32>
        tpu.vector_store_idx %arg9[%add3A_384, %broadcast_in_dim3A_400], %get3A_397 : memref<32x513xf32, #tpu.memory_space<vmem>>[vector<16xi32>, vector<16xi32>], vector<16xf32>,
        %add3A_401 = arith.constant 2 : i32
        %add3A_402 = arith.addi %mul3A_252, %add3A_401 : i32
        %get3A_403 = arith.index_cast %add3A_402 : i32 to index
        %get3A_404 = arith.constant 16 : index
        %get3A_405 = tpu.vector_load %arg7[%get3A_403, %get3A_404] {strides = array<i32>} : memref<512x32xf32, #tpu.memory_space<vmem>>, vector<16xf32>,
        %add3A_406 = arith.constant 2 : i32
        %add3A_407 = arith.addi %mul3A_252, %add3A_406 : i32
        %broadcast_in_dim3A_408 = vector.broadcast %add3A_407 : i32 to vector<16xi32>
        tpu.vector_store_idx %arg9[%add3A_384, %broadcast_in_dim3A_408], %get3A_405 : memref<32x513xf32, #tpu.memory_space<vmem>>[vector<16xi32>, vector<16xi32>], vector<16xf32>,
        %add3A_409 = arith.constant 3 : i32
        %add3A_410 = arith.addi %mul3A_252, %add3A_409 : i32
        %get3A_411 = arith.index_cast %add3A_410 : i32 to index
        %get3A_412 = arith.constant 16 : index
        %get3A_413 = tpu.vector_load %arg7[%get3A_411, %get3A_412] {strides = array<i32>} : memref<512x32xf32, #tpu.memory_space<vmem>>, vector<16xf32>,
        %add3A_414 = arith.constant 3 : i32
        %add3A_415 = arith.addi %mul3A_252, %add3A_414 : i32
        %broadcast_in_dim3A_416 = vector.broadcast %add3A_415 : i32 to vector<16xi32>
        tpu.vector_store_idx %arg9[%add3A_384, %broadcast_in_dim3A_416], %get3A_413 : memref<32x513xf32, #tpu.memory_space<vmem>>[vector<16xi32>, vector<16xi32>], vector<16xf32>,
        %add3A_417 = arith.constant 4 : i32
        %add3A_418 = arith.addi %mul3A_252, %add3A_417 : i32
        %get3A_419 = arith.index_cast %add3A_418 : i32 to index
        %get3A_420 = arith.constant 16 : index
        %get3A_421 = tpu.vector_load %arg7[%get3A_419, %get3A_420] {strides = array<i32>} : memref<512x32xf32, #tpu.memory_space<vmem>>, vector<16xf32>,
        %add3A_422 = arith.constant 4 : i32
        %add3A_423 = arith.addi %mul3A_252, %add3A_422 : i32
        %broadcast_in_dim3A_424 = vector.broadcast %add3A_423 : i32 to vector<16xi32>
        tpu.vector_store_idx %arg9[%add3A_384, %broadcast_in_dim3A_424], %get3A_421 : memref<32x513xf32, #tpu.memory_space<vmem>>[vector<16xi32>, vector<16xi32>], vector<16xf32>,
        %add3A_425 = arith.constant 5 : i32
        %add3A_426 = arith.addi %mul3A_252, %add3A_425 : i32
        %get3A_427 = arith.index_cast %add3A_426 : i32 to index
        %get3A_428 = arith.constant 16 : index
        %get3A_429 = tpu.vector_load %arg7[%get3A_427, %get3A_428] {strides = array<i32>} : memref<512x32xf32, #tpu.memory_space<vmem>>, vector<16xf32>,
        %add3A_430 = arith.constant 5 : i32
        %add3A_431 = arith.addi %mul3A_252, %add3A_430 : i32
        %broadcast_in_dim3A_432 = vector.broadcast %add3A_431 : i32 to vector<16xi32>
        tpu.vector_store_idx %arg9[%add3A_384, %broadcast_in_dim3A_432], %get3A_429 : memref<32x513xf32, #tpu.memory_space<vmem>>[vector<16xi32>, vector<16xi32>], vector<16xf32>,
        %add3A_433 = arith.constant 6 : i32
        %add3A_434 = arith.addi %mul3A_252, %add3A_433 : i32
        %get3A_435 = arith.index_cast %add3A_434 : i32 to index
        %get3A_436 = arith.constant 16 : index
        %get3A_437 = tpu.vector_load %arg7[%get3A_435, %get3A_436] {strides = array<i32>} : memref<512x32xf32, #tpu.memory_space<vmem>>, vector<16xf32>,
        %add3A_438 = arith.constant 6 : i32
        %add3A_439 = arith.addi %mul3A_252, %add3A_438 : i32
        %broadcast_in_dim3A_440 = vector.broadcast %add3A_439 : i32 to vector<16xi32>
        tpu.vector_store_idx %arg9[%add3A_384, %broadcast_in_dim3A_440], %get3A_437 : memref<32x513xf32, #tpu.memory_space<vmem>>[vector<16xi32>, vector<16xi32>], vector<16xf32>,
        %add3A_441 = arith.constant 7 : i32
        %add3A_442 = arith.addi %mul3A_252, %add3A_441 : i32
        %get3A_443 = arith.index_cast %add3A_442 : i32 to index
        %get3A_444 = arith.constant 16 : index
        %get3A_445 = tpu.vector_load %arg7[%get3A_443, %get3A_444] {strides = array<i32>} : memref<512x32xf32, #tpu.memory_space<vmem>>, vector<16xf32>,
        %add3A_446 = arith.constant 7 : i32
        %add3A_447 = arith.addi %mul3A_252, %add3A_446 : i32
        %broadcast_in_dim3A_448 = vector.broadcast %add3A_447 : i32 to vector<16xi32>
        tpu.vector_store_idx %arg9[%add3A_384, %broadcast_in_dim3A_448], %get3A_445 : memref<32x513xf32, #tpu.memory_space<vmem>>[vector<16xi32>, vector<16xi32>], vector<16xf32>,
        %add3A_449 = arith.constant 8 : i32
        %add3A_450 = arith.addi %mul3A_252, %add3A_449 : i32
        %get3A_451 = arith.index_cast %add3A_450 : i32 to index
        %get3A_452 = arith.constant 16 : index
        %get3A_453 = tpu.vector_load %arg7[%get3A_451, %get3A_452] {strides = array<i32>} : memref<512x32xf32, #tpu.memory_space<vmem>>, vector<16xf32>,
        %add3A_454 = arith.constant 8 : i32
        %add3A_455 = arith.addi %mul3A_252, %add3A_454 : i32
        %broadcast_in_dim3A_456 = vector.broadcast %add3A_455 : i32 to vector<16xi32>
        tpu.vector_store_idx %arg9[%add3A_384, %broadcast_in_dim3A_456], %get3A_453 : memref<32x513xf32, #tpu.memory_space<vmem>>[vector<16xi32>, vector<16xi32>], vector<16xf32>,
        %add3A_457 = arith.constant 9 : i32
        %add3A_458 = arith.addi %mul3A_252, %add3A_457 : i32
        %get3A_459 = arith.index_cast %add3A_458 : i32 to index
        %get3A_460 = arith.constant 16 : index
        %get3A_461 = tpu.vector_load %arg7[%get3A_459, %get3A_460] {strides = array<i32>} : memref<512x32xf32, #tpu.memory_space<vmem>>, vector<16xf32>,
        %add3A_462 = arith.constant 9 : i32
        %add3A_463 = arith.addi %mul3A_252, %add3A_462 : i32
        %broadcast_in_dim3A_464 = vector.broadcast %add3A_463 : i32 to vector<16xi32>
        tpu.vector_store_idx %arg9[%add3A_384, %broadcast_in_dim3A_464], %get3A_461 : memref<32x513xf32, #tpu.memory_space<vmem>>[vector<16xi32>, vector<16xi32>], vector<16xf32>,
        %add3A_465 = arith.constant 10 : i32
        %add3A_466 = arith.addi %mul3A_252, %add3A_465 : i32
        %get3A_467 = arith.index_cast %add3A_466 : i32 to index
        %get3A_468 = arith.constant 16 : index
        %get3A_469 = tpu.vector_load %arg7[%get3A_467, %get3A_468] {strides = array<i32>} : memref<512x32xf32, #tpu.memory_space<vmem>>, vector<16xf32>,
        %add3A_470 = arith.constant 10 : i32
        %add3A_471 = arith.addi %mul3A_252, %add3A_470 : i32
        %broadcast_in_dim3A_472 = vector.broadcast %add3A_471 : i32 to vector<16xi32>
        tpu.vector_store_idx %arg9[%add3A_384, %broadcast_in_dim3A_472], %get3A_469 : memref<32x513xf32, #tpu.memory_space<vmem>>[vector<16xi32>, vector<16xi32>], vector<16xf32>,
        %add3A_473 = arith.constant 11 : i32
        %add3A_474 = arith.addi %mul3A_252, %add3A_473 : i32
        %get3A_475 = arith.index_cast %add3A_474 : i32 to index
        %get3A_476 = arith.constant 16 : index
        %get3A_477 = tpu.vector_load %arg7[%get3A_475, %get3A_476] {strides = array<i32>} : memref<512x32xf32, #tpu.memory_space<vmem>>, vector<16xf32>,
        %add3A_478 = arith.constant 11 : i32
        %add3A_479 = arith.addi %mul3A_252, %add3A_478 : i32
        %broadcast_in_dim3A_480 = vector.broadcast %add3A_479 : i32 to vector<16xi32>
        tpu.vector_store_idx %arg9[%add3A_384, %broadcast_in_dim3A_480], %get3A_477 : memref<32x513xf32, #tpu.memory_space<vmem>>[vector<16xi32>, vector<16xi32>], vector<16xf32>,
        %add3A_481 = arith.constant 12 : i32
        %add3A_482 = arith.addi %mul3A_252, %add3A_481 : i32
        %get3A_483 = arith.index_cast %add3A_482 : i32 to index
        %get3A_484 = arith.constant 16 : index
        %get3A_485 = tpu.vector_load %arg7[%get3A_483, %get3A_484] {strides = array<i32>} : memref<512x32xf32, #tpu.memory_space<vmem>>, vector<16xf32>,
        %add3A_486 = arith.constant 12 : i32
        %add3A_487 = arith.addi %mul3A_252, %add3A_486 : i32
        %broadcast_in_dim3A_488 = vector.broadcast %add3A_487 : i32 to vector<16xi32>
        tpu.vector_store_idx %arg9[%add3A_384, %broadcast_in_dim3A_488], %get3A_485 : memref<32x513xf32, #tpu.memory_space<vmem>>[vector<16xi32>, vector<16xi32>], vector<16xf32>,
        %add3A_489 = arith.constant 13 : i32
        %add3A_490 = arith.addi %mul3A_252, %add3A_489 : i32
        %get3A_491 = arith.index_cast %add3A_490 : i32 to index
        %get3A_492 = arith.constant 16 : index
        %get3A_493 = tpu.vector_load %arg7[%get3A_491, %get3A_492] {strides = array<i32>} : memref<512x32xf32, #tpu.memory_space<vmem>>, vector<16xf32>,
        %add3A_494 = arith.constant 13 : i32
        %add3A_495 = arith.addi %mul3A_252, %add3A_494 : i32
        %broadcast_in_dim3A_496 = vector.broadcast %add3A_495 : i32 to vector<16xi32>
        tpu.vector_store_idx %arg9[%add3A_384, %broadcast_in_dim3A_496], %get3A_493 : memref<32x513xf32, #tpu.memory_space<vmem>>[vector<16xi32>, vector<16xi32>], vector<16xf32>,
        %add3A_497 = arith.constant 14 : i32
        %add3A_498 = arith.addi %mul3A_252, %add3A_497 : i32
        %get3A_499 = arith.index_cast %add3A_498 : i32 to index
        %get3A_500 = arith.constant 16 : index
        %get3A_501 = tpu.vector_load %arg7[%get3A_499, %get3A_500] {strides = array<i32>} : memref<512x32xf32, #tpu.memory_space<vmem>>, vector<16xf32>,
        %add3A_502 = arith.constant 14 : i32
        %add3A_503 = arith.addi %mul3A_252, %add3A_502 : i32
        %broadcast_in_dim3A_504 = vector.broadcast %add3A_503 : i32 to vector<16xi32>
        tpu.vector_store_idx %arg9[%add3A_384, %broadcast_in_dim3A_504], %get3A_501 : memref<32x513xf32, #tpu.memory_space<vmem>>[vector<16xi32>, vector<16xi32>], vector<16xf32>,
        %add3A_505 = arith.constant 15 : i32
        %add3A_506 = arith.addi %mul3A_252, %add3A_505 : i32
        %get3A_507 = arith.index_cast %add3A_506 : i32 to index
        %get3A_508 = arith.constant 16 : index
        %get3A_509 = tpu.vector_load %arg7[%get3A_507, %get3A_508] {strides = array<i32>} : memref<512x32xf32, #tpu.memory_space<vmem>>, vector<16xf32>,
        %add3A_510 = arith.constant 15 : i32
        %add3A_511 = arith.addi %mul3A_252, %add3A_510 : i32
        %broadcast_in_dim3A_512 = vector.broadcast %add3A_511 : i32 to vector<16xi32>
        tpu.vector_store_idx %arg9[%add3A_384, %broadcast_in_dim3A_512], %get3A_509 : memref<32x513xf32, #tpu.memory_space<vmem>>[vector<16xi32>, vector<16xi32>], vector<16xf32>,
      }
      %scan3A_229 = arith.constant 32 : i32
      %dma_start3A_230 = arith.constant 0 : i32
      %dma_start3A_231 = arith.constant 0 : i32
      %dma_start3A_232 = tpu.memref_slice %arg9[%dma_start3A_230, %dma_start3A_231] : memref<32x513xf32, #tpu.memory_space<vmem>> -> memref<32x512xf32, #tpu.memory_space<vmem>>
      %dma_start3A_233 = arith.constant 0 : i32
      %dma_start3A_234 = tpu.memref_slice %arg4[%add3A_203, %dma_start3A_233, %mul3A_2] : memref<50x32x16384xf32, #tpu.memory_space<hbm>> -> memref<1x32x512xf32, #tpu.memory_space<hbm>>
      %dma_start3A_235 = tpu.memref_squeeze %dma_start3A_234 : memref<1x32x512xf32, #tpu.memory_space<hbm>> -> memref<32x512xf32, #tpu.memory_space<hbm>>
      %dma_start3A_236 = arith.constant 0 : i32
      %dma_start3A_237 = tpu.memref_slice %arg4[%add3A_203, %dma_start3A_236, %mul3A_2] : memref<50x32x16384xf32, #tpu.memory_space<hbm>> -> memref<1x32x512xf32, #tpu.memory_space<hbm>>
      %dma_start3A_238 = tpu.memref_squeeze %dma_start3A_237 : memref<1x32x512xf32, #tpu.memory_space<hbm>> -> memref<32x512xf32, #tpu.memory_space<hbm>>
      %dma_start3A_239 = arith.constant 0 : i32
      %dma_start3A_240 = arith.constant 0 : i32
      %dma_start3A_241 = tpu.memref_slice %arg9[%dma_start3A_239, %dma_start3A_240] : memref<32x513xf32, #tpu.memory_space<vmem>> -> memref<32x512xf32, #tpu.memory_space<vmem>>
      tpu.enqueue_dma source(%dma_start3A_241 : memref<32x512xf32, #tpu.memory_space<vmem>>) target(%dma_start3A_238 : memref<32x512xf32, #tpu.memory_space<hbm>>) target_semaphore(%arg13 : memref<!tpu.dma_semaphore, #tpu.memory_space<semaphore_mem>>)
      %add3A_242 = arith.constant 2 : i32
      %add3A_243 = arith.addi %add3A_203, %add3A_242 : i32
      %dma_start3A_244 = arith.constant 0 : i32
      %dma_start3A_245 = tpu.memref_slice %arg5[%add3A_243, %dma_start3A_244] : memref<50x512xi32, #tpu.memory_space<vmem>> -> memref<1x512xi32, #tpu.memory_space<vmem>>
      %dma_start3A_246 = tpu.memref_squeeze %dma_start3A_245 : memref<1x512xi32, #tpu.memory_space<vmem>> -> memref<512xi32, #tpu.memory_space<vmem>>
      %dma_start3A_247 = arith.constant 0 : i32
      %dma_start3A_248 = arith.constant 0 : i32
      %dma_start3A_249 = tpu.memref_slice %arg3[%dma_start3A_247, %dma_start3A_248] : memref<1000000x32xf32, #tpu.memory_space<hbm>> -> memref<1000000x32xf32, #tpu.memory_space<hbm>>
      tpu.enqueue_indirect_dma source(%dma_start3A_249 : memref<1000000x32xf32, #tpu.memory_space<hbm>>) target(%arg7 : memref<512x32xf32, #tpu.memory_space<vmem>>) offsets(%dma_start3A_246 : memref<512xi32, #tpu.memory_space<vmem>>) semaphore(%arg11 : memref<!tpu.dma_semaphore, #tpu.memory_space<semaphore_mem>>)
    }
    %scan3A_46 = arith.constant 24 : i32
    %dma_wait3A = arith.constant 0 : i32
    %dma_wait3A_47 = arith.constant 0 : i32
    %dma_wait3A_48 = tpu.memref_slice %arg3[%dma_wait3A, %dma_wait3A_47] : memref<1000000x32xf32, #tpu.memory_space<hbm>> -> memref<512x32xf32, #tpu.memory_space<hbm>>
    %dma_wait3A_49 = arith.constant 0 : i32
    %dma_wait3A_50 = arith.constant 0 : i32
    %dma_wait3A_51 = tpu.memref_slice %arg3[%dma_wait3A_49, %dma_wait3A_50] : memref<1000000x32xf32, #tpu.memory_space<hbm>> -> memref<512x32xf32, #tpu.memory_space<hbm>>
    tpu.wait_dma2 semaphore(%arg10 : memref<!tpu.dma_semaphore, #tpu.memory_space<semaphore_mem>>) src(%dma_wait3A_51 : memref<512x32xf32, #tpu.memory_space<hbm>>) dst(%arg6 : memref<512x32xf32, #tpu.memory_space<vmem>>)
    %dma_wait3A_52 = arith.constant 0 : i32
    %dma_wait3A_53 = arith.constant 0 : i32
    %dma_wait3A_54 = arith.constant 0 : i32
    %dma_wait3A_55 = tpu.memref_slice %arg8[%dma_wait3A_53, %dma_wait3A_54] : memref<32x513xf32, #tpu.memory_space<vmem>> -> memref<32x512xf32, #tpu.memory_space<vmem>>
    %dma_wait3A_56 = arith.constant 0 : i32
    %dma_wait3A_57 = tpu.memref_slice %arg4[%dma_wait3A_52, %dma_wait3A_56, %mul3A_2] : memref<50x32x16384xf32, #tpu.memory_space<hbm>> -> memref<1x32x512xf32, #tpu.memory_space<hbm>>
    %dma_wait3A_58 = tpu.memref_squeeze %dma_wait3A_57 : memref<1x32x512xf32, #tpu.memory_space<hbm>> -> memref<32x512xf32, #tpu.memory_space<hbm>>
    %dma_wait3A_59 = arith.constant 0 : i32
    %dma_wait3A_60 = tpu.memref_slice %arg4[%dma_wait3A_52, %dma_wait3A_59, %mul3A_2] : memref<50x32x16384xf32, #tpu.memory_space<hbm>> -> memref<1x32x512xf32, #tpu.memory_space<hbm>>
    %dma_wait3A_61 = tpu.memref_squeeze %dma_wait3A_60 : memref<1x32x512xf32, #tpu.memory_space<hbm>> -> memref<32x512xf32, #tpu.memory_space<hbm>>
    %dma_wait3A_62 = arith.constant 0 : i32
    %dma_wait3A_63 = arith.constant 0 : i32
    %dma_wait3A_64 = tpu.memref_slice %arg8[%dma_wait3A_62, %dma_wait3A_63] : memref<32x513xf32, #tpu.memory_space<vmem>> -> memref<32x512xf32, #tpu.memory_space<vmem>>
    tpu.wait_dma2 semaphore(%arg12 : memref<!tpu.dma_semaphore, #tpu.memory_space<semaphore_mem>>) src(%dma_wait3A_64 : memref<32x512xf32, #tpu.memory_space<vmem>>) dst(%dma_wait3A_61 : memref<32x512xf32, #tpu.memory_space<hbm>>)
    %iota3A = tpu.iota {dimensions = array<i32: 0>} : vector<16xi32>
    %scan3A_65 = arith.constant 0 : i32
    %scan3A_66 = arith.constant 0 : i32
    %scan3A_67 = arith.constant 32 : i32
    %scan3A_68 = arith.addi %scan3A_66, %scan3A_67 : i32
    %scan3A_69 = arith.constant 1 : i32
    scf.for %scan3A_149 = %scan3A_66 to %scan3A_68 step %scan3A_69  : i32 {
      %mul3A_150 = arith.constant 16 : i32
      %mul3A_151 = arith.muli %scan3A_149, %mul3A_150 : i32
      %add3A_152 = arith.constant 0 : i32
      %add3A_153 = vector.broadcast %add3A_152 : i32 to vector<16xi32>
      %add3A_154 = arith.addi %add3A_153, %iota3A : vector<16xi32>
      %add3A_155 = arith.constant 0 : i32
      %add3A_156 = arith.addi %mul3A_151, %add3A_155 : i32
      %get3A = arith.index_cast %add3A_156 : i32 to index
      %get3A_157 = arith.constant 0 : index
      %get3A_158 = tpu.vector_load %arg6[%get3A, %get3A_157] {strides = array<i32>} : memref<512x32xf32, #tpu.memory_space<vmem>>, vector<16xf32>,
      %add3A_159 = arith.constant 0 : i32
      %add3A_160 = arith.addi %mul3A_151, %add3A_159 : i32
      %broadcast_in_dim3A = vector.broadcast %add3A_160 : i32 to vector<16xi32>
      tpu.vector_store_idx %arg8[%add3A_154, %broadcast_in_dim3A], %get3A_158 : memref<32x513xf32, #tpu.memory_space<vmem>>[vector<16xi32>, vector<16xi32>], vector<16xf32>,
      %add3A_161 = arith.constant 1 : i32
      %add3A_162 = arith.addi %mul3A_151, %add3A_161 : i32
      %get3A_163 = arith.index_cast %add3A_162 : i32 to index
      %get3A_164 = arith.constant 0 : index
      %get3A_165 = tpu.vector_load %arg6[%get3A_163, %get3A_164] {strides = array<i32>} : memref<512x32xf32, #tpu.memory_space<vmem>>, vector<16xf32>,
      %add3A_166 = arith.constant 1 : i32
      %add3A_167 = arith.addi %mul3A_151, %add3A_166 : i32
      %broadcast_in_dim3A_168 = vector.broadcast %add3A_167 : i32 to vector<16xi32>
      tpu.vector_store_idx %arg8[%add3A_154, %broadcast_in_dim3A_168], %get3A_165 : memref<32x513xf32, #tpu.memory_space<vmem>>[vector<16xi32>, vector<16xi32>], vector<16xf32>,
      %add3A_169 = arith.constant 2 : i32
      %add3A_170 = arith.addi %mul3A_151, %add3A_169 : i32
      %get3A_171 = arith.index_cast %add3A_170 : i32 to index
      %get3A_172 = arith.constant 0 : index
      %get3A_173 = tpu.vector_load %arg6[%get3A_171, %get3A_172] {strides = array<i32>} : memref<512x32xf32, #tpu.memory_space<vmem>>, vector<16xf32>,
      %add3A_174 = arith.constant 2 : i32
      %add3A_175 = arith.addi %mul3A_151, %add3A_174 : i32
      %broadcast_in_dim3A_176 = vector.broadcast %add3A_175 : i32 to vector<16xi32>
      tpu.vector_store_idx %arg8[%add3A_154, %broadcast_in_dim3A_176], %get3A_173 : memref<32x513xf32, #tpu.memory_space<vmem>>[vector<16xi32>, vector<16xi32>], vector<16xf32>,
      %add3A_177 = arith.constant 3 : i32
      %add3A_178 = arith.addi %mul3A_151, %add3A_177 : i32
      %get3A_179 = arith.index_cast %add3A_178 : i32 to index
      %get3A_180 = arith.constant 0 : index
      %get3A_181 = tpu.vector_load %arg6[%get3A_179, %get3A_180] {strides = array<i32>} : memref<512x32xf32, #tpu.memory_space<vmem>>, vector<16xf32>,
      %add3A_182 = arith.constant 3 : i32
      %add3A_183 = arith.addi %mul3A_151, %add3A_182 : i32
      %broadcast_in_dim3A_184 = vector.broadcast %add3A_183 : i32 to vector<16xi32>
      tpu.vector_store_idx %arg8[%add3A_154, %broadcast_in_dim3A_184], %get3A_181 : memref<32x513xf32, #tpu.memory_space<vmem>>[vector<16xi32>, vector<16xi32>], vector<16xf32>,
      %add3A_185 = arith.constant 4 : i32
      %add3A_186 = arith.addi %mul3A_151, %add3A_185 : i32
      %get3A_187 = arith.index_cast %add3A_186 : i32 to index
      %get3A_188 = arith.constant 0 : index
      %get3A_189 = tpu.vector_load %arg6[%get3A_187, %get3A_188] {strides = array<i32>} : memref<512x32xf32, #tpu.memory_space<vmem>>, vector<16xf32>,
      %add3A_190 = arith.constant 4 : i32
      %add3A_191 = arith.addi %mul3A_151, %add3A_190 : i32
      %broadcast_in_dim3A_192 = vector.broadcast %add3A_191 : i32 to vector<16xi32>
      tpu.vector_store_idx %arg8[%add3A_154, %broadcast_in_dim3A_192], %get3A_189 : memref<32x513xf32, #tpu.memory_space<vmem>>[vector<16xi32>, vector<16xi32>], vector<16xf32>,
      %add3A_193 = arith.constant 5 : i32
      %add3A_194 = arith.addi %mul3A_151, %add3A_193 : i32
      %get3A_195 = arith.index_cast %add3A_194 : i32 to index
      %get3A_196 = arith.constant 0 : index
      %get3A_197 = tpu.vector_load %arg6[%get3A_195, %get3A_196] {strides = array<i32>} : memref<512x32xf32, #tpu.memory_space<vmem>>, vector<16xf32>,
      %add3A_198 = arith.constant 5 : i32
      %add3A_199 = arith.addi %mul3A_151, %add3A_198 : i32
      %broadcast_in_dim3A_200 = vector.broadcast %add3A_199 : i32 to vector<16xi32>
      tpu.vector_store_idx %arg8[%add3A_154, %broadcast_in_dim3A_200], %get3A_197 : memref<32x513xf32, #tpu.memory_space<vmem>>[vector<16xi32>, vector<16xi32>], vector<16xf32>,
      %add3A_201 = arith.constant 6 : i32
      %add3A_202 = arith.addi %mul3A_151, %add3A_201 : i32
      %get3A_203 = arith.index_cast %add3A_202 : i32 to index
      %get3A_204 = arith.constant 0 : index
      %get3A_205 = tpu.vector_load %arg6[%get3A_203, %get3A_204] {strides = array<i32>} : memref<512x32xf32, #tpu.memory_space<vmem>>, vector<16xf32>,
      %add3A_206 = arith.constant 6 : i32
      %add3A_207 = arith.addi %mul3A_151, %add3A_206 : i32
      %broadcast_in_dim3A_208 = vector.broadcast %add3A_207 : i32 to vector<16xi32>
      tpu.vector_store_idx %arg8[%add3A_154, %broadcast_in_dim3A_208], %get3A_205 : memref<32x513xf32, #tpu.memory_space<vmem>>[vector<16xi32>, vector<16xi32>], vector<16xf32>,
      %add3A_209 = arith.constant 7 : i32
      %add3A_210 = arith.addi %mul3A_151, %add3A_209 : i32
      %get3A_211 = arith.index_cast %add3A_210 : i32 to index
      %get3A_212 = arith.constant 0 : index
      %get3A_213 = tpu.vector_load %arg6[%get3A_211, %get3A_212] {strides = array<i32>} : memref<512x32xf32, #tpu.memory_space<vmem>>, vector<16xf32>,
      %add3A_214 = arith.constant 7 : i32
      %add3A_215 = arith.addi %mul3A_151, %add3A_214 : i32
      %broadcast_in_dim3A_216 = vector.broadcast %add3A_215 : i32 to vector<16xi32>
      tpu.vector_store_idx %arg8[%add3A_154, %broadcast_in_dim3A_216], %get3A_213 : memref<32x513xf32, #tpu.memory_space<vmem>>[vector<16xi32>, vector<16xi32>], vector<16xf32>,
      %add3A_217 = arith.constant 8 : i32
      %add3A_218 = arith.addi %mul3A_151, %add3A_217 : i32
      %get3A_219 = arith.index_cast %add3A_218 : i32 to index
      %get3A_220 = arith.constant 0 : index
      %get3A_221 = tpu.vector_load %arg6[%get3A_219, %get3A_220] {strides = array<i32>} : memref<512x32xf32, #tpu.memory_space<vmem>>, vector<16xf32>,
      %add3A_222 = arith.constant 8 : i32
      %add3A_223 = arith.addi %mul3A_151, %add3A_222 : i32
      %broadcast_in_dim3A_224 = vector.broadcast %add3A_223 : i32 to vector<16xi32>
      tpu.vector_store_idx %arg8[%add3A_154, %broadcast_in_dim3A_224], %get3A_221 : memref<32x513xf32, #tpu.memory_space<vmem>>[vector<16xi32>, vector<16xi32>], vector<16xf32>,
      %add3A_225 = arith.constant 9 : i32
      %add3A_226 = arith.addi %mul3A_151, %add3A_225 : i32
      %get3A_227 = arith.index_cast %add3A_226 : i32 to index
      %get3A_228 = arith.constant 0 : index
      %get3A_229 = tpu.vector_load %arg6[%get3A_227, %get3A_228] {strides = array<i32>} : memref<512x32xf32, #tpu.memory_space<vmem>>, vector<16xf32>,
      %add3A_230 = arith.constant 9 : i32
      %add3A_231 = arith.addi %mul3A_151, %add3A_230 : i32
      %broadcast_in_dim3A_232 = vector.broadcast %add3A_231 : i32 to vector<16xi32>
      tpu.vector_store_idx %arg8[%add3A_154, %broadcast_in_dim3A_232], %get3A_229 : memref<32x513xf32, #tpu.memory_space<vmem>>[vector<16xi32>, vector<16xi32>], vector<16xf32>,
      %add3A_233 = arith.constant 10 : i32
      %add3A_234 = arith.addi %mul3A_151, %add3A_233 : i32
      %get3A_235 = arith.index_cast %add3A_234 : i32 to index
      %get3A_236 = arith.constant 0 : index
      %get3A_237 = tpu.vector_load %arg6[%get3A_235, %get3A_236] {strides = array<i32>} : memref<512x32xf32, #tpu.memory_space<vmem>>, vector<16xf32>,
      %add3A_238 = arith.constant 10 : i32
      %add3A_239 = arith.addi %mul3A_151, %add3A_238 : i32
      %broadcast_in_dim3A_240 = vector.broadcast %add3A_239 : i32 to vector<16xi32>
      tpu.vector_store_idx %arg8[%add3A_154, %broadcast_in_dim3A_240], %get3A_237 : memref<32x513xf32, #tpu.memory_space<vmem>>[vector<16xi32>, vector<16xi32>], vector<16xf32>,
      %add3A_241 = arith.constant 11 : i32
      %add3A_242 = arith.addi %mul3A_151, %add3A_241 : i32
      %get3A_243 = arith.index_cast %add3A_242 : i32 to index
      %get3A_244 = arith.constant 0 : index
      %get3A_245 = tpu.vector_load %arg6[%get3A_243, %get3A_244] {strides = array<i32>} : memref<512x32xf32, #tpu.memory_space<vmem>>, vector<16xf32>,
      %add3A_246 = arith.constant 11 : i32
      %add3A_247 = arith.addi %mul3A_151, %add3A_246 : i32
      %broadcast_in_dim3A_248 = vector.broadcast %add3A_247 : i32 to vector<16xi32>
      tpu.vector_store_idx %arg8[%add3A_154, %broadcast_in_dim3A_248], %get3A_245 : memref<32x513xf32, #tpu.memory_space<vmem>>[vector<16xi32>, vector<16xi32>], vector<16xf32>,
      %add3A_249 = arith.constant 12 : i32
      %add3A_250 = arith.addi %mul3A_151, %add3A_249 : i32
      %get3A_251 = arith.index_cast %add3A_250 : i32 to index
      %get3A_252 = arith.constant 0 : index
      %get3A_253 = tpu.vector_load %arg6[%get3A_251, %get3A_252] {strides = array<i32>} : memref<512x32xf32, #tpu.memory_space<vmem>>, vector<16xf32>,
      %add3A_254 = arith.constant 12 : i32
      %add3A_255 = arith.addi %mul3A_151, %add3A_254 : i32
      %broadcast_in_dim3A_256 = vector.broadcast %add3A_255 : i32 to vector<16xi32>
      tpu.vector_store_idx %arg8[%add3A_154, %broadcast_in_dim3A_256], %get3A_253 : memref<32x513xf32, #tpu.memory_space<vmem>>[vector<16xi32>, vector<16xi32>], vector<16xf32>,
      %add3A_257 = arith.constant 13 : i32
      %add3A_258 = arith.addi %mul3A_151, %add3A_257 : i32
      %get3A_259 = arith.index_cast %add3A_258 : i32 to index
      %get3A_260 = arith.constant 0 : index
      %get3A_261 = tpu.vector_load %arg6[%get3A_259, %get3A_260] {strides = array<i32>} : memref<512x32xf32, #tpu.memory_space<vmem>>, vector<16xf32>,
      %add3A_262 = arith.constant 13 : i32
      %add3A_263 = arith.addi %mul3A_151, %add3A_262 : i32
      %broadcast_in_dim3A_264 = vector.broadcast %add3A_263 : i32 to vector<16xi32>
      tpu.vector_store_idx %arg8[%add3A_154, %broadcast_in_dim3A_264], %get3A_261 : memref<32x513xf32, #tpu.memory_space<vmem>>[vector<16xi32>, vector<16xi32>], vector<16xf32>,
      %add3A_265 = arith.constant 14 : i32
      %add3A_266 = arith.addi %mul3A_151, %add3A_265 : i32
      %get3A_267 = arith.index_cast %add3A_266 : i32 to index
      %get3A_268 = arith.constant 0 : index
      %get3A_269 = tpu.vector_load %arg6[%get3A_267, %get3A_268] {strides = array<i32>} : memref<512x32xf32, #tpu.memory_space<vmem>>, vector<16xf32>,
      %add3A_270 = arith.constant 14 : i32
      %add3A_271 = arith.addi %mul3A_151, %add3A_270 : i32
      %broadcast_in_dim3A_272 = vector.broadcast %add3A_271 : i32 to vector<16xi32>
      tpu.vector_store_idx %arg8[%add3A_154, %broadcast_in_dim3A_272], %get3A_269 : memref<32x513xf32, #tpu.memory_space<vmem>>[vector<16xi32>, vector<16xi32>], vector<16xf32>,
      %add3A_273 = arith.constant 15 : i32
      %add3A_274 = arith.addi %mul3A_151, %add3A_273 : i32
      %get3A_275 = arith.index_cast %add3A_274 : i32 to index
      %get3A_276 = arith.constant 0 : index
      %get3A_277 = tpu.vector_load %arg6[%get3A_275, %get3A_276] {strides = array<i32>} : memref<512x32xf32, #tpu.memory_space<vmem>>, vector<16xf32>,
      %add3A_278 = arith.constant 15 : i32
      %add3A_279 = arith.addi %mul3A_151, %add3A_278 : i32
      %broadcast_in_dim3A_280 = vector.broadcast %add3A_279 : i32 to vector<16xi32>
      tpu.vector_store_idx %arg8[%add3A_154, %broadcast_in_dim3A_280], %get3A_277 : memref<32x513xf32, #tpu.memory_space<vmem>>[vector<16xi32>, vector<16xi32>], vector<16xf32>,
      %add3A_281 = arith.constant 16 : i32
      %add3A_282 = vector.broadcast %add3A_281 : i32 to vector<16xi32>
      %add3A_283 = arith.addi %add3A_282, %iota3A : vector<16xi32>
      %add3A_284 = arith.constant 0 : i32
      %add3A_285 = arith.addi %mul3A_151, %add3A_284 : i32
      %get3A_286 = arith.index_cast %add3A_285 : i32 to index
      %get3A_287 = arith.constant 16 : index
      %get3A_288 = tpu.vector_load %arg6[%get3A_286, %get3A_287] {strides = array<i32>} : memref<512x32xf32, #tpu.memory_space<vmem>>, vector<16xf32>,
      %add3A_289 = arith.constant 0 : i32
      %add3A_290 = arith.addi %mul3A_151, %add3A_289 : i32
      %broadcast_in_dim3A_291 = vector.broadcast %add3A_290 : i32 to vector<16xi32>
      tpu.vector_store_idx %arg8[%add3A_283, %broadcast_in_dim3A_291], %get3A_288 : memref<32x513xf32, #tpu.memory_space<vmem>>[vector<16xi32>, vector<16xi32>], vector<16xf32>,
      %add3A_292 = arith.constant 1 : i32
      %add3A_293 = arith.addi %mul3A_151, %add3A_292 : i32
      %get3A_294 = arith.index_cast %add3A_293 : i32 to index
      %get3A_295 = arith.constant 16 : index
      %get3A_296 = tpu.vector_load %arg6[%get3A_294, %get3A_295] {strides = array<i32>} : memref<512x32xf32, #tpu.memory_space<vmem>>, vector<16xf32>,
      %add3A_297 = arith.constant 1 : i32
      %add3A_298 = arith.addi %mul3A_151, %add3A_297 : i32
      %broadcast_in_dim3A_299 = vector.broadcast %add3A_298 : i32 to vector<16xi32>
      tpu.vector_store_idx %arg8[%add3A_283, %broadcast_in_dim3A_299], %get3A_296 : memref<32x513xf32, #tpu.memory_space<vmem>>[vector<16xi32>, vector<16xi32>], vector<16xf32>,
      %add3A_300 = arith.constant 2 : i32
      %add3A_301 = arith.addi %mul3A_151, %add3A_300 : i32
      %get3A_302 = arith.index_cast %add3A_301 : i32 to index
      %get3A_303 = arith.constant 16 : index
      %get3A_304 = tpu.vector_load %arg6[%get3A_302, %get3A_303] {strides = array<i32>} : memref<512x32xf32, #tpu.memory_space<vmem>>, vector<16xf32>,
      %add3A_305 = arith.constant 2 : i32
      %add3A_306 = arith.addi %mul3A_151, %add3A_305 : i32
      %broadcast_in_dim3A_307 = vector.broadcast %add3A_306 : i32 to vector<16xi32>
      tpu.vector_store_idx %arg8[%add3A_283, %broadcast_in_dim3A_307], %get3A_304 : memref<32x513xf32, #tpu.memory_space<vmem>>[vector<16xi32>, vector<16xi32>], vector<16xf32>,
      %add3A_308 = arith.constant 3 : i32
      %add3A_309 = arith.addi %mul3A_151, %add3A_308 : i32
      %get3A_310 = arith.index_cast %add3A_309 : i32 to index
      %get3A_311 = arith.constant 16 : index
      %get3A_312 = tpu.vector_load %arg6[%get3A_310, %get3A_311] {strides = array<i32>} : memref<512x32xf32, #tpu.memory_space<vmem>>, vector<16xf32>,
      %add3A_313 = arith.constant 3 : i32
      %add3A_314 = arith.addi %mul3A_151, %add3A_313 : i32
      %broadcast_in_dim3A_315 = vector.broadcast %add3A_314 : i32 to vector<16xi32>
      tpu.vector_store_idx %arg8[%add3A_283, %broadcast_in_dim3A_315], %get3A_312 : memref<32x513xf32, #tpu.memory_space<vmem>>[vector<16xi32>, vector<16xi32>], vector<16xf32>,
      %add3A_316 = arith.constant 4 : i32
      %add3A_317 = arith.addi %mul3A_151, %add3A_316 : i32
      %get3A_318 = arith.index_cast %add3A_317 : i32 to index
      %get3A_319 = arith.constant 16 : index
      %get3A_320 = tpu.vector_load %arg6[%get3A_318, %get3A_319] {strides = array<i32>} : memref<512x32xf32, #tpu.memory_space<vmem>>, vector<16xf32>,
      %add3A_321 = arith.constant 4 : i32
      %add3A_322 = arith.addi %mul3A_151, %add3A_321 : i32
      %broadcast_in_dim3A_323 = vector.broadcast %add3A_322 : i32 to vector<16xi32>
      tpu.vector_store_idx %arg8[%add3A_283, %broadcast_in_dim3A_323], %get3A_320 : memref<32x513xf32, #tpu.memory_space<vmem>>[vector<16xi32>, vector<16xi32>], vector<16xf32>,
      %add3A_324 = arith.constant 5 : i32
      %add3A_325 = arith.addi %mul3A_151, %add3A_324 : i32
      %get3A_326 = arith.index_cast %add3A_325 : i32 to index
      %get3A_327 = arith.constant 16 : index
      %get3A_328 = tpu.vector_load %arg6[%get3A_326, %get3A_327] {strides = array<i32>} : memref<512x32xf32, #tpu.memory_space<vmem>>, vector<16xf32>,
      %add3A_329 = arith.constant 5 : i32
      %add3A_330 = arith.addi %mul3A_151, %add3A_329 : i32
      %broadcast_in_dim3A_331 = vector.broadcast %add3A_330 : i32 to vector<16xi32>
      tpu.vector_store_idx %arg8[%add3A_283, %broadcast_in_dim3A_331], %get3A_328 : memref<32x513xf32, #tpu.memory_space<vmem>>[vector<16xi32>, vector<16xi32>], vector<16xf32>,
      %add3A_332 = arith.constant 6 : i32
      %add3A_333 = arith.addi %mul3A_151, %add3A_332 : i32
      %get3A_334 = arith.index_cast %add3A_333 : i32 to index
      %get3A_335 = arith.constant 16 : index
      %get3A_336 = tpu.vector_load %arg6[%get3A_334, %get3A_335] {strides = array<i32>} : memref<512x32xf32, #tpu.memory_space<vmem>>, vector<16xf32>,
      %add3A_337 = arith.constant 6 : i32
      %add3A_338 = arith.addi %mul3A_151, %add3A_337 : i32
      %broadcast_in_dim3A_339 = vector.broadcast %add3A_338 : i32 to vector<16xi32>
      tpu.vector_store_idx %arg8[%add3A_283, %broadcast_in_dim3A_339], %get3A_336 : memref<32x513xf32, #tpu.memory_space<vmem>>[vector<16xi32>, vector<16xi32>], vector<16xf32>,
      %add3A_340 = arith.constant 7 : i32
      %add3A_341 = arith.addi %mul3A_151, %add3A_340 : i32
      %get3A_342 = arith.index_cast %add3A_341 : i32 to index
      %get3A_343 = arith.constant 16 : index
      %get3A_344 = tpu.vector_load %arg6[%get3A_342, %get3A_343] {strides = array<i32>} : memref<512x32xf32, #tpu.memory_space<vmem>>, vector<16xf32>,
      %add3A_345 = arith.constant 7 : i32
      %add3A_346 = arith.addi %mul3A_151, %add3A_345 : i32
      %broadcast_in_dim3A_347 = vector.broadcast %add3A_346 : i32 to vector<16xi32>
      tpu.vector_store_idx %arg8[%add3A_283, %broadcast_in_dim3A_347], %get3A_344 : memref<32x513xf32, #tpu.memory_space<vmem>>[vector<16xi32>, vector<16xi32>], vector<16xf32>,
      %add3A_348 = arith.constant 8 : i32
      %add3A_349 = arith.addi %mul3A_151, %add3A_348 : i32
      %get3A_350 = arith.index_cast %add3A_349 : i32 to index
      %get3A_351 = arith.constant 16 : index
      %get3A_352 = tpu.vector_load %arg6[%get3A_350, %get3A_351] {strides = array<i32>} : memref<512x32xf32, #tpu.memory_space<vmem>>, vector<16xf32>,
      %add3A_353 = arith.constant 8 : i32
      %add3A_354 = arith.addi %mul3A_151, %add3A_353 : i32
      %broadcast_in_dim3A_355 = vector.broadcast %add3A_354 : i32 to vector<16xi32>
      tpu.vector_store_idx %arg8[%add3A_283, %broadcast_in_dim3A_355], %get3A_352 : memref<32x513xf32, #tpu.memory_space<vmem>>[vector<16xi32>, vector<16xi32>], vector<16xf32>,
      %add3A_356 = arith.constant 9 : i32
      %add3A_357 = arith.addi %mul3A_151, %add3A_356 : i32
      %get3A_358 = arith.index_cast %add3A_357 : i32 to index
      %get3A_359 = arith.constant 16 : index
      %get3A_360 = tpu.vector_load %arg6[%get3A_358, %get3A_359] {strides = array<i32>} : memref<512x32xf32, #tpu.memory_space<vmem>>, vector<16xf32>,
      %add3A_361 = arith.constant 9 : i32
      %add3A_362 = arith.addi %mul3A_151, %add3A_361 : i32
      %broadcast_in_dim3A_363 = vector.broadcast %add3A_362 : i32 to vector<16xi32>
      tpu.vector_store_idx %arg8[%add3A_283, %broadcast_in_dim3A_363], %get3A_360 : memref<32x513xf32, #tpu.memory_space<vmem>>[vector<16xi32>, vector<16xi32>], vector<16xf32>,
      %add3A_364 = arith.constant 10 : i32
      %add3A_365 = arith.addi %mul3A_151, %add3A_364 : i32
      %get3A_366 = arith.index_cast %add3A_365 : i32 to index
      %get3A_367 = arith.constant 16 : index
      %get3A_368 = tpu.vector_load %arg6[%get3A_366, %get3A_367] {strides = array<i32>} : memref<512x32xf32, #tpu.memory_space<vmem>>, vector<16xf32>,
      %add3A_369 = arith.constant 10 : i32
      %add3A_370 = arith.addi %mul3A_151, %add3A_369 : i32
      %broadcast_in_dim3A_371 = vector.broadcast %add3A_370 : i32 to vector<16xi32>
      tpu.vector_store_idx %arg8[%add3A_283, %broadcast_in_dim3A_371], %get3A_368 : memref<32x513xf32, #tpu.memory_space<vmem>>[vector<16xi32>, vector<16xi32>], vector<16xf32>,
      %add3A_372 = arith.constant 11 : i32
      %add3A_373 = arith.addi %mul3A_151, %add3A_372 : i32
      %get3A_374 = arith.index_cast %add3A_373 : i32 to index
      %get3A_375 = arith.constant 16 : index
      %get3A_376 = tpu.vector_load %arg6[%get3A_374, %get3A_375] {strides = array<i32>} : memref<512x32xf32, #tpu.memory_space<vmem>>, vector<16xf32>,
      %add3A_377 = arith.constant 11 : i32
      %add3A_378 = arith.addi %mul3A_151, %add3A_377 : i32
      %broadcast_in_dim3A_379 = vector.broadcast %add3A_378 : i32 to vector<16xi32>
      tpu.vector_store_idx %arg8[%add3A_283, %broadcast_in_dim3A_379], %get3A_376 : memref<32x513xf32, #tpu.memory_space<vmem>>[vector<16xi32>, vector<16xi32>], vector<16xf32>,
      %add3A_380 = arith.constant 12 : i32
      %add3A_381 = arith.addi %mul3A_151, %add3A_380 : i32
      %get3A_382 = arith.index_cast %add3A_381 : i32 to index
      %get3A_383 = arith.constant 16 : index
      %get3A_384 = tpu.vector_load %arg6[%get3A_382, %get3A_383] {strides = array<i32>} : memref<512x32xf32, #tpu.memory_space<vmem>>, vector<16xf32>,
      %add3A_385 = arith.constant 12 : i32
      %add3A_386 = arith.addi %mul3A_151, %add3A_385 : i32
      %broadcast_in_dim3A_387 = vector.broadcast %add3A_386 : i32 to vector<16xi32>
      tpu.vector_store_idx %arg8[%add3A_283, %broadcast_in_dim3A_387], %get3A_384 : memref<32x513xf32, #tpu.memory_space<vmem>>[vector<16xi32>, vector<16xi32>], vector<16xf32>,
      %add3A_388 = arith.constant 13 : i32
      %add3A_389 = arith.addi %mul3A_151, %add3A_388 : i32
      %get3A_390 = arith.index_cast %add3A_389 : i32 to index
      %get3A_391 = arith.constant 16 : index
      %get3A_392 = tpu.vector_load %arg6[%get3A_390, %get3A_391] {strides = array<i32>} : memref<512x32xf32, #tpu.memory_space<vmem>>, vector<16xf32>,
      %add3A_393 = arith.constant 13 : i32
      %add3A_394 = arith.addi %mul3A_151, %add3A_393 : i32
      %broadcast_in_dim3A_395 = vector.broadcast %add3A_394 : i32 to vector<16xi32>
      tpu.vector_store_idx %arg8[%add3A_283, %broadcast_in_dim3A_395], %get3A_392 : memref<32x513xf32, #tpu.memory_space<vmem>>[vector<16xi32>, vector<16xi32>], vector<16xf32>,
      %add3A_396 = arith.constant 14 : i32
      %add3A_397 = arith.addi %mul3A_151, %add3A_396 : i32
      %get3A_398 = arith.index_cast %add3A_397 : i32 to index
      %get3A_399 = arith.constant 16 : index
      %get3A_400 = tpu.vector_load %arg6[%get3A_398, %get3A_399] {strides = array<i32>} : memref<512x32xf32, #tpu.memory_space<vmem>>, vector<16xf32>,
      %add3A_401 = arith.constant 14 : i32
      %add3A_402 = arith.addi %mul3A_151, %add3A_401 : i32
      %broadcast_in_dim3A_403 = vector.broadcast %add3A_402 : i32 to vector<16xi32>
      tpu.vector_store_idx %arg8[%add3A_283, %broadcast_in_dim3A_403], %get3A_400 : memref<32x513xf32, #tpu.memory_space<vmem>>[vector<16xi32>, vector<16xi32>], vector<16xf32>,
      %add3A_404 = arith.constant 15 : i32
      %add3A_405 = arith.addi %mul3A_151, %add3A_404 : i32
      %get3A_406 = arith.index_cast %add3A_405 : i32 to index
      %get3A_407 = arith.constant 16 : index
      %get3A_408 = tpu.vector_load %arg6[%get3A_406, %get3A_407] {strides = array<i32>} : memref<512x32xf32, #tpu.memory_space<vmem>>, vector<16xf32>,
      %add3A_409 = arith.constant 15 : i32
      %add3A_410 = arith.addi %mul3A_151, %add3A_409 : i32
      %broadcast_in_dim3A_411 = vector.broadcast %add3A_410 : i32 to vector<16xi32>
      tpu.vector_store_idx %arg8[%add3A_283, %broadcast_in_dim3A_411], %get3A_408 : memref<32x513xf32, #tpu.memory_space<vmem>>[vector<16xi32>, vector<16xi32>], vector<16xf32>,
    }
    %scan3A_70 = arith.constant 32 : i32
    %dma_start3A_71 = arith.constant 48 : i32
    %dma_start3A_72 = arith.constant 0 : i32
    %dma_start3A_73 = arith.constant 0 : i32
    %dma_start3A_74 = tpu.memref_slice %arg8[%dma_start3A_72, %dma_start3A_73] : memref<32x513xf32, #tpu.memory_space<vmem>> -> memref<32x512xf32, #tpu.memory_space<vmem>>
    %dma_start3A_75 = arith.constant 0 : i32
    %dma_start3A_76 = tpu.memref_slice %arg4[%dma_start3A_71, %dma_start3A_75, %mul3A_2] : memref<50x32x16384xf32, #tpu.memory_space<hbm>> -> memref<1x32x512xf32, #tpu.memory_space<hbm>>
    %dma_start3A_77 = tpu.memref_squeeze %dma_start3A_76 : memref<1x32x512xf32, #tpu.memory_space<hbm>> -> memref<32x512xf32, #tpu.memory_space<hbm>>
    %dma_start3A_78 = arith.constant 0 : i32
    %dma_start3A_79 = tpu.memref_slice %arg4[%dma_start3A_71, %dma_start3A_78, %mul3A_2] : memref<50x32x16384xf32, #tpu.memory_space<hbm>> -> memref<1x32x512xf32, #tpu.memory_space<hbm>>
    %dma_start3A_80 = tpu.memref_squeeze %dma_start3A_79 : memref<1x32x512xf32, #tpu.memory_space<hbm>> -> memref<32x512xf32, #tpu.memory_space<hbm>>
    %dma_start3A_81 = arith.constant 0 : i32
    %dma_start3A_82 = arith.constant 0 : i32
    %dma_start3A_83 = tpu.memref_slice %arg8[%dma_start3A_81, %dma_start3A_82] : memref<32x513xf32, #tpu.memory_space<vmem>> -> memref<32x512xf32, #tpu.memory_space<vmem>>
    tpu.enqueue_dma source(%dma_start3A_83 : memref<32x512xf32, #tpu.memory_space<vmem>>) target(%dma_start3A_80 : memref<32x512xf32, #tpu.memory_space<hbm>>) target_semaphore(%arg12 : memref<!tpu.dma_semaphore, #tpu.memory_space<semaphore_mem>>)
    %dma_wait3A_84 = arith.constant 0 : i32
    %dma_wait3A_85 = arith.constant 0 : i32
    %dma_wait3A_86 = tpu.memref_slice %arg3[%dma_wait3A_84, %dma_wait3A_85] : memref<1000000x32xf32, #tpu.memory_space<hbm>> -> memref<512x32xf32, #tpu.memory_space<hbm>>
    %dma_wait3A_87 = arith.constant 0 : i32
    %dma_wait3A_88 = arith.constant 0 : i32
    %dma_wait3A_89 = tpu.memref_slice %arg3[%dma_wait3A_87, %dma_wait3A_88] : memref<1000000x32xf32, #tpu.memory_space<hbm>> -> memref<512x32xf32, #tpu.memory_space<hbm>>
    tpu.wait_dma2 semaphore(%arg11 : memref<!tpu.dma_semaphore, #tpu.memory_space<semaphore_mem>>) src(%dma_wait3A_89 : memref<512x32xf32, #tpu.memory_space<hbm>>) dst(%arg7 : memref<512x32xf32, #tpu.memory_space<vmem>>)
    %dma_wait3A_90 = arith.constant 0 : i32
    %dma_wait3A_91 = arith.constant 0 : i32
    %dma_wait3A_92 = arith.constant 0 : i32
    %dma_wait3A_93 = tpu.memref_slice %arg9[%dma_wait3A_91, %dma_wait3A_92] : memref<32x513xf32, #tpu.memory_space<vmem>> -> memref<32x512xf32, #tpu.memory_space<vmem>>
    %dma_wait3A_94 = arith.constant 0 : i32
    %dma_wait3A_95 = tpu.memref_slice %arg4[%dma_wait3A_90, %dma_wait3A_94, %mul3A_2] : memref<50x32x16384xf32, #tpu.memory_space<hbm>> -> memref<1x32x512xf32, #tpu.memory_space<hbm>>
    %dma_wait3A_96 = tpu.memref_squeeze %dma_wait3A_95 : memref<1x32x512xf32, #tpu.memory_space<hbm>> -> memref<32x512xf32, #tpu.memory_space<hbm>>
    %dma_wait3A_97 = arith.constant 0 : i32
    %dma_wait3A_98 = tpu.memref_slice %arg4[%dma_wait3A_90, %dma_wait3A_97, %mul3A_2] : memref<50x32x16384xf32, #tpu.memory_space<hbm>> -> memref<1x32x512xf32, #tpu.memory_space<hbm>>
    %dma_wait3A_99 = tpu.memref_squeeze %dma_wait3A_98 : memref<1x32x512xf32, #tpu.memory_space<hbm>> -> memref<32x512xf32, #tpu.memory_space<hbm>>
    %dma_wait3A_100 = arith.constant 0 : i32
    %dma_wait3A_101 = arith.constant 0 : i32
    %dma_wait3A_102 = tpu.memref_slice %arg9[%dma_wait3A_100, %dma_wait3A_101] : memref<32x513xf32, #tpu.memory_space<vmem>> -> memref<32x512xf32, #tpu.memory_space<vmem>>
    tpu.wait_dma2 semaphore(%arg13 : memref<!tpu.dma_semaphore, #tpu.memory_space<semaphore_mem>>) src(%dma_wait3A_102 : memref<32x512xf32, #tpu.memory_space<vmem>>) dst(%dma_wait3A_99 : memref<32x512xf32, #tpu.memory_space<hbm>>)
    %iota3A_103 = tpu.iota {dimensions = array<i32: 0>} : vector<16xi32>
    %scan3A_104 = arith.constant 0 : i32
    %scan3A_105 = arith.constant 0 : i32
    %scan3A_106 = arith.constant 32 : i32
    %scan3A_107 = arith.addi %scan3A_105, %scan3A_106 : i32
    %scan3A_108 = arith.constant 1 : i32
    scf.for %scan3A_149 = %scan3A_105 to %scan3A_107 step %scan3A_108  : i32 {
      %mul3A_150 = arith.constant 16 : i32
      %mul3A_151 = arith.muli %scan3A_149, %mul3A_150 : i32
      %add3A_152 = arith.constant 0 : i32
      %add3A_153 = vector.broadcast %add3A_152 : i32 to vector<16xi32>
      %add3A_154 = arith.addi %add3A_153, %iota3A_103 : vector<16xi32>
      %add3A_155 = arith.constant 0 : i32
      %add3A_156 = arith.addi %mul3A_151, %add3A_155 : i32
      %get3A = arith.index_cast %add3A_156 : i32 to index
      %get3A_157 = arith.constant 0 : index
      %get3A_158 = tpu.vector_load %arg7[%get3A, %get3A_157] {strides = array<i32>} : memref<512x32xf32, #tpu.memory_space<vmem>>, vector<16xf32>,
      %add3A_159 = arith.constant 0 : i32
      %add3A_160 = arith.addi %mul3A_151, %add3A_159 : i32
      %broadcast_in_dim3A = vector.broadcast %add3A_160 : i32 to vector<16xi32>
      tpu.vector_store_idx %arg9[%add3A_154, %broadcast_in_dim3A], %get3A_158 : memref<32x513xf32, #tpu.memory_space<vmem>>[vector<16xi32>, vector<16xi32>], vector<16xf32>,
      %add3A_161 = arith.constant 1 : i32
      %add3A_162 = arith.addi %mul3A_151, %add3A_161 : i32
      %get3A_163 = arith.index_cast %add3A_162 : i32 to index
      %get3A_164 = arith.constant 0 : index
      %get3A_165 = tpu.vector_load %arg7[%get3A_163, %get3A_164] {strides = array<i32>} : memref<512x32xf32, #tpu.memory_space<vmem>>, vector<16xf32>,
      %add3A_166 = arith.constant 1 : i32
      %add3A_167 = arith.addi %mul3A_151, %add3A_166 : i32
      %broadcast_in_dim3A_168 = vector.broadcast %add3A_167 : i32 to vector<16xi32>
      tpu.vector_store_idx %arg9[%add3A_154, %broadcast_in_dim3A_168], %get3A_165 : memref<32x513xf32, #tpu.memory_space<vmem>>[vector<16xi32>, vector<16xi32>], vector<16xf32>,
      %add3A_169 = arith.constant 2 : i32
      %add3A_170 = arith.addi %mul3A_151, %add3A_169 : i32
      %get3A_171 = arith.index_cast %add3A_170 : i32 to index
      %get3A_172 = arith.constant 0 : index
      %get3A_173 = tpu.vector_load %arg7[%get3A_171, %get3A_172] {strides = array<i32>} : memref<512x32xf32, #tpu.memory_space<vmem>>, vector<16xf32>,
      %add3A_174 = arith.constant 2 : i32
      %add3A_175 = arith.addi %mul3A_151, %add3A_174 : i32
      %broadcast_in_dim3A_176 = vector.broadcast %add3A_175 : i32 to vector<16xi32>
      tpu.vector_store_idx %arg9[%add3A_154, %broadcast_in_dim3A_176], %get3A_173 : memref<32x513xf32, #tpu.memory_space<vmem>>[vector<16xi32>, vector<16xi32>], vector<16xf32>,
      %add3A_177 = arith.constant 3 : i32
      %add3A_178 = arith.addi %mul3A_151, %add3A_177 : i32
      %get3A_179 = arith.index_cast %add3A_178 : i32 to index
      %get3A_180 = arith.constant 0 : index
      %get3A_181 = tpu.vector_load %arg7[%get3A_179, %get3A_180] {strides = array<i32>} : memref<512x32xf32, #tpu.memory_space<vmem>>, vector<16xf32>,
      %add3A_182 = arith.constant 3 : i32
      %add3A_183 = arith.addi %mul3A_151, %add3A_182 : i32
      %broadcast_in_dim3A_184 = vector.broadcast %add3A_183 : i32 to vector<16xi32>
      tpu.vector_store_idx %arg9[%add3A_154, %broadcast_in_dim3A_184], %get3A_181 : memref<32x513xf32, #tpu.memory_space<vmem>>[vector<16xi32>, vector<16xi32>], vector<16xf32>,
      %add3A_185 = arith.constant 4 : i32
      %add3A_186 = arith.addi %mul3A_151, %add3A_185 : i32
      %get3A_187 = arith.index_cast %add3A_186 : i32 to index
      %get3A_188 = arith.constant 0 : index
      %get3A_189 = tpu.vector_load %arg7[%get3A_187, %get3A_188] {strides = array<i32>} : memref<512x32xf32, #tpu.memory_space<vmem>>, vector<16xf32>,
      %add3A_190 = arith.constant 4 : i32
      %add3A_191 = arith.addi %mul3A_151, %add3A_190 : i32
      %broadcast_in_dim3A_192 = vector.broadcast %add3A_191 : i32 to vector<16xi32>
      tpu.vector_store_idx %arg9[%add3A_154, %broadcast_in_dim3A_192], %get3A_189 : memref<32x513xf32, #tpu.memory_space<vmem>>[vector<16xi32>, vector<16xi32>], vector<16xf32>,
      %add3A_193 = arith.constant 5 : i32
      %add3A_194 = arith.addi %mul3A_151, %add3A_193 : i32
      %get3A_195 = arith.index_cast %add3A_194 : i32 to index
      %get3A_196 = arith.constant 0 : index
      %get3A_197 = tpu.vector_load %arg7[%get3A_195, %get3A_196] {strides = array<i32>} : memref<512x32xf32, #tpu.memory_space<vmem>>, vector<16xf32>,
      %add3A_198 = arith.constant 5 : i32
      %add3A_199 = arith.addi %mul3A_151, %add3A_198 : i32
      %broadcast_in_dim3A_200 = vector.broadcast %add3A_199 : i32 to vector<16xi32>
      tpu.vector_store_idx %arg9[%add3A_154, %broadcast_in_dim3A_200], %get3A_197 : memref<32x513xf32, #tpu.memory_space<vmem>>[vector<16xi32>, vector<16xi32>], vector<16xf32>,
      %add3A_201 = arith.constant 6 : i32
      %add3A_202 = arith.addi %mul3A_151, %add3A_201 : i32
      %get3A_203 = arith.index_cast %add3A_202 : i32 to index
      %get3A_204 = arith.constant 0 : index
      %get3A_205 = tpu.vector_load %arg7[%get3A_203, %get3A_204] {strides = array<i32>} : memref<512x32xf32, #tpu.memory_space<vmem>>, vector<16xf32>,
      %add3A_206 = arith.constant 6 : i32
      %add3A_207 = arith.addi %mul3A_151, %add3A_206 : i32
      %broadcast_in_dim3A_208 = vector.broadcast %add3A_207 : i32 to vector<16xi32>
      tpu.vector_store_idx %arg9[%add3A_154, %broadcast_in_dim3A_208], %get3A_205 : memref<32x513xf32, #tpu.memory_space<vmem>>[vector<16xi32>, vector<16xi32>], vector<16xf32>,
      %add3A_209 = arith.constant 7 : i32
      %add3A_210 = arith.addi %mul3A_151, %add3A_209 : i32
      %get3A_211 = arith.index_cast %add3A_210 : i32 to index
      %get3A_212 = arith.constant 0 : index
      %get3A_213 = tpu.vector_load %arg7[%get3A_211, %get3A_212] {strides = array<i32>} : memref<512x32xf32, #tpu.memory_space<vmem>>, vector<16xf32>,
      %add3A_214 = arith.constant 7 : i32
      %add3A_215 = arith.addi %mul3A_151, %add3A_214 : i32
      %broadcast_in_dim3A_216 = vector.broadcast %add3A_215 : i32 to vector<16xi32>
      tpu.vector_store_idx %arg9[%add3A_154, %broadcast_in_dim3A_216], %get3A_213 : memref<32x513xf32, #tpu.memory_space<vmem>>[vector<16xi32>, vector<16xi32>], vector<16xf32>,
      %add3A_217 = arith.constant 8 : i32
      %add3A_218 = arith.addi %mul3A_151, %add3A_217 : i32
      %get3A_219 = arith.index_cast %add3A_218 : i32 to index
      %get3A_220 = arith.constant 0 : index
      %get3A_221 = tpu.vector_load %arg7[%get3A_219, %get3A_220] {strides = array<i32>} : memref<512x32xf32, #tpu.memory_space<vmem>>, vector<16xf32>,
      %add3A_222 = arith.constant 8 : i32
      %add3A_223 = arith.addi %mul3A_151, %add3A_222 : i32
      %broadcast_in_dim3A_224 = vector.broadcast %add3A_223 : i32 to vector<16xi32>
      tpu.vector_store_idx %arg9[%add3A_154, %broadcast_in_dim3A_224], %get3A_221 : memref<32x513xf32, #tpu.memory_space<vmem>>[vector<16xi32>, vector<16xi32>], vector<16xf32>,
      %add3A_225 = arith.constant 9 : i32
      %add3A_226 = arith.addi %mul3A_151, %add3A_225 : i32
      %get3A_227 = arith.index_cast %add3A_226 : i32 to index
      %get3A_228 = arith.constant 0 : index
      %get3A_229 = tpu.vector_load %arg7[%get3A_227, %get3A_228] {strides = array<i32>} : memref<512x32xf32, #tpu.memory_space<vmem>>, vector<16xf32>,
      %add3A_230 = arith.constant 9 : i32
      %add3A_231 = arith.addi %mul3A_151, %add3A_230 : i32
      %broadcast_in_dim3A_232 = vector.broadcast %add3A_231 : i32 to vector<16xi32>
      tpu.vector_store_idx %arg9[%add3A_154, %broadcast_in_dim3A_232], %get3A_229 : memref<32x513xf32, #tpu.memory_space<vmem>>[vector<16xi32>, vector<16xi32>], vector<16xf32>,
      %add3A_233 = arith.constant 10 : i32
      %add3A_234 = arith.addi %mul3A_151, %add3A_233 : i32
      %get3A_235 = arith.index_cast %add3A_234 : i32 to index
      %get3A_236 = arith.constant 0 : index
      %get3A_237 = tpu.vector_load %arg7[%get3A_235, %get3A_236] {strides = array<i32>} : memref<512x32xf32, #tpu.memory_space<vmem>>, vector<16xf32>,
      %add3A_238 = arith.constant 10 : i32
      %add3A_239 = arith.addi %mul3A_151, %add3A_238 : i32
      %broadcast_in_dim3A_240 = vector.broadcast %add3A_239 : i32 to vector<16xi32>
      tpu.vector_store_idx %arg9[%add3A_154, %broadcast_in_dim3A_240], %get3A_237 : memref<32x513xf32, #tpu.memory_space<vmem>>[vector<16xi32>, vector<16xi32>], vector<16xf32>,
      %add3A_241 = arith.constant 11 : i32
      %add3A_242 = arith.addi %mul3A_151, %add3A_241 : i32
      %get3A_243 = arith.index_cast %add3A_242 : i32 to index
      %get3A_244 = arith.constant 0 : index
      %get3A_245 = tpu.vector_load %arg7[%get3A_243, %get3A_244] {strides = array<i32>} : memref<512x32xf32, #tpu.memory_space<vmem>>, vector<16xf32>,
      %add3A_246 = arith.constant 11 : i32
      %add3A_247 = arith.addi %mul3A_151, %add3A_246 : i32
      %broadcast_in_dim3A_248 = vector.broadcast %add3A_247 : i32 to vector<16xi32>
      tpu.vector_store_idx %arg9[%add3A_154, %broadcast_in_dim3A_248], %get3A_245 : memref<32x513xf32, #tpu.memory_space<vmem>>[vector<16xi32>, vector<16xi32>], vector<16xf32>,
      %add3A_249 = arith.constant 12 : i32
      %add3A_250 = arith.addi %mul3A_151, %add3A_249 : i32
      %get3A_251 = arith.index_cast %add3A_250 : i32 to index
      %get3A_252 = arith.constant 0 : index
      %get3A_253 = tpu.vector_load %arg7[%get3A_251, %get3A_252] {strides = array<i32>} : memref<512x32xf32, #tpu.memory_space<vmem>>, vector<16xf32>,
      %add3A_254 = arith.constant 12 : i32
      %add3A_255 = arith.addi %mul3A_151, %add3A_254 : i32
      %broadcast_in_dim3A_256 = vector.broadcast %add3A_255 : i32 to vector<16xi32>
      tpu.vector_store_idx %arg9[%add3A_154, %broadcast_in_dim3A_256], %get3A_253 : memref<32x513xf32, #tpu.memory_space<vmem>>[vector<16xi32>, vector<16xi32>], vector<16xf32>,
      %add3A_257 = arith.constant 13 : i32
      %add3A_258 = arith.addi %mul3A_151, %add3A_257 : i32
      %get3A_259 = arith.index_cast %add3A_258 : i32 to index
      %get3A_260 = arith.constant 0 : index
      %get3A_261 = tpu.vector_load %arg7[%get3A_259, %get3A_260] {strides = array<i32>} : memref<512x32xf32, #tpu.memory_space<vmem>>, vector<16xf32>,
      %add3A_262 = arith.constant 13 : i32
      %add3A_263 = arith.addi %mul3A_151, %add3A_262 : i32
      %broadcast_in_dim3A_264 = vector.broadcast %add3A_263 : i32 to vector<16xi32>
      tpu.vector_store_idx %arg9[%add3A_154, %broadcast_in_dim3A_264], %get3A_261 : memref<32x513xf32, #tpu.memory_space<vmem>>[vector<16xi32>, vector<16xi32>], vector<16xf32>,
      %add3A_265 = arith.constant 14 : i32
      %add3A_266 = arith.addi %mul3A_151, %add3A_265 : i32
      %get3A_267 = arith.index_cast %add3A_266 : i32 to index
      %get3A_268 = arith.constant 0 : index
      %get3A_269 = tpu.vector_load %arg7[%get3A_267, %get3A_268] {strides = array<i32>} : memref<512x32xf32, #tpu.memory_space<vmem>>, vector<16xf32>,
      %add3A_270 = arith.constant 14 : i32
      %add3A_271 = arith.addi %mul3A_151, %add3A_270 : i32
      %broadcast_in_dim3A_272 = vector.broadcast %add3A_271 : i32 to vector<16xi32>
      tpu.vector_store_idx %arg9[%add3A_154, %broadcast_in_dim3A_272], %get3A_269 : memref<32x513xf32, #tpu.memory_space<vmem>>[vector<16xi32>, vector<16xi32>], vector<16xf32>,
      %add3A_273 = arith.constant 15 : i32
      %add3A_274 = arith.addi %mul3A_151, %add3A_273 : i32
      %get3A_275 = arith.index_cast %add3A_274 : i32 to index
      %get3A_276 = arith.constant 0 : index
      %get3A_277 = tpu.vector_load %arg7[%get3A_275, %get3A_276] {strides = array<i32>} : memref<512x32xf32, #tpu.memory_space<vmem>>, vector<16xf32>,
      %add3A_278 = arith.constant 15 : i32
      %add3A_279 = arith.addi %mul3A_151, %add3A_278 : i32
      %broadcast_in_dim3A_280 = vector.broadcast %add3A_279 : i32 to vector<16xi32>
      tpu.vector_store_idx %arg9[%add3A_154, %broadcast_in_dim3A_280], %get3A_277 : memref<32x513xf32, #tpu.memory_space<vmem>>[vector<16xi32>, vector<16xi32>], vector<16xf32>,
      %add3A_281 = arith.constant 16 : i32
      %add3A_282 = vector.broadcast %add3A_281 : i32 to vector<16xi32>
      %add3A_283 = arith.addi %add3A_282, %iota3A_103 : vector<16xi32>
      %add3A_284 = arith.constant 0 : i32
      %add3A_285 = arith.addi %mul3A_151, %add3A_284 : i32
      %get3A_286 = arith.index_cast %add3A_285 : i32 to index
      %get3A_287 = arith.constant 16 : index
      %get3A_288 = tpu.vector_load %arg7[%get3A_286, %get3A_287] {strides = array<i32>} : memref<512x32xf32, #tpu.memory_space<vmem>>, vector<16xf32>,
      %add3A_289 = arith.constant 0 : i32
      %add3A_290 = arith.addi %mul3A_151, %add3A_289 : i32
      %broadcast_in_dim3A_291 = vector.broadcast %add3A_290 : i32 to vector<16xi32>
      tpu.vector_store_idx %arg9[%add3A_283, %broadcast_in_dim3A_291], %get3A_288 : memref<32x513xf32, #tpu.memory_space<vmem>>[vector<16xi32>, vector<16xi32>], vector<16xf32>,
      %add3A_292 = arith.constant 1 : i32
      %add3A_293 = arith.addi %mul3A_151, %add3A_292 : i32
      %get3A_294 = arith.index_cast %add3A_293 : i32 to index
      %get3A_295 = arith.constant 16 : index
      %get3A_296 = tpu.vector_load %arg7[%get3A_294, %get3A_295] {strides = array<i32>} : memref<512x32xf32, #tpu.memory_space<vmem>>, vector<16xf32>,
      %add3A_297 = arith.constant 1 : i32
      %add3A_298 = arith.addi %mul3A_151, %add3A_297 : i32
      %broadcast_in_dim3A_299 = vector.broadcast %add3A_298 : i32 to vector<16xi32>
      tpu.vector_store_idx %arg9[%add3A_283, %broadcast_in_dim3A_299], %get3A_296 : memref<32x513xf32, #tpu.memory_space<vmem>>[vector<16xi32>, vector<16xi32>], vector<16xf32>,
      %add3A_300 = arith.constant 2 : i32
      %add3A_301 = arith.addi %mul3A_151, %add3A_300 : i32
      %get3A_302 = arith.index_cast %add3A_301 : i32 to index
      %get3A_303 = arith.constant 16 : index
      %get3A_304 = tpu.vector_load %arg7[%get3A_302, %get3A_303] {strides = array<i32>} : memref<512x32xf32, #tpu.memory_space<vmem>>, vector<16xf32>,
      %add3A_305 = arith.constant 2 : i32
      %add3A_306 = arith.addi %mul3A_151, %add3A_305 : i32
      %broadcast_in_dim3A_307 = vector.broadcast %add3A_306 : i32 to vector<16xi32>
      tpu.vector_store_idx %arg9[%add3A_283, %broadcast_in_dim3A_307], %get3A_304 : memref<32x513xf32, #tpu.memory_space<vmem>>[vector<16xi32>, vector<16xi32>], vector<16xf32>,
      %add3A_308 = arith.constant 3 : i32
      %add3A_309 = arith.addi %mul3A_151, %add3A_308 : i32
      %get3A_310 = arith.index_cast %add3A_309 : i32 to index
      %get3A_311 = arith.constant 16 : index
      %get3A_312 = tpu.vector_load %arg7[%get3A_310, %get3A_311] {strides = array<i32>} : memref<512x32xf32, #tpu.memory_space<vmem>>, vector<16xf32>,
      %add3A_313 = arith.constant 3 : i32
      %add3A_314 = arith.addi %mul3A_151, %add3A_313 : i32
      %broadcast_in_dim3A_315 = vector.broadcast %add3A_314 : i32 to vector<16xi32>
      tpu.vector_store_idx %arg9[%add3A_283, %broadcast_in_dim3A_315], %get3A_312 : memref<32x513xf32, #tpu.memory_space<vmem>>[vector<16xi32>, vector<16xi32>], vector<16xf32>,
      %add3A_316 = arith.constant 4 : i32
      %add3A_317 = arith.addi %mul3A_151, %add3A_316 : i32
      %get3A_318 = arith.index_cast %add3A_317 : i32 to index
      %get3A_319 = arith.constant 16 : index
      %get3A_320 = tpu.vector_load %arg7[%get3A_318, %get3A_319] {strides = array<i32>} : memref<512x32xf32, #tpu.memory_space<vmem>>, vector<16xf32>,
      %add3A_321 = arith.constant 4 : i32
      %add3A_322 = arith.addi %mul3A_151, %add3A_321 : i32
      %broadcast_in_dim3A_323 = vector.broadcast %add3A_322 : i32 to vector<16xi32>
      tpu.vector_store_idx %arg9[%add3A_283, %broadcast_in_dim3A_323], %get3A_320 : memref<32x513xf32, #tpu.memory_space<vmem>>[vector<16xi32>, vector<16xi32>], vector<16xf32>,
      %add3A_324 = arith.constant 5 : i32
      %add3A_325 = arith.addi %mul3A_151, %add3A_324 : i32
      %get3A_326 = arith.index_cast %add3A_325 : i32 to index
      %get3A_327 = arith.constant 16 : index
      %get3A_328 = tpu.vector_load %arg7[%get3A_326, %get3A_327] {strides = array<i32>} : memref<512x32xf32, #tpu.memory_space<vmem>>, vector<16xf32>,
      %add3A_329 = arith.constant 5 : i32
      %add3A_330 = arith.addi %mul3A_151, %add3A_329 : i32
      %broadcast_in_dim3A_331 = vector.broadcast %add3A_330 : i32 to vector<16xi32>
      tpu.vector_store_idx %arg9[%add3A_283, %broadcast_in_dim3A_331], %get3A_328 : memref<32x513xf32, #tpu.memory_space<vmem>>[vector<16xi32>, vector<16xi32>], vector<16xf32>,
      %add3A_332 = arith.constant 6 : i32
      %add3A_333 = arith.addi %mul3A_151, %add3A_332 : i32
      %get3A_334 = arith.index_cast %add3A_333 : i32 to index
      %get3A_335 = arith.constant 16 : index
      %get3A_336 = tpu.vector_load %arg7[%get3A_334, %get3A_335] {strides = array<i32>} : memref<512x32xf32, #tpu.memory_space<vmem>>, vector<16xf32>,
      %add3A_337 = arith.constant 6 : i32
      %add3A_338 = arith.addi %mul3A_151, %add3A_337 : i32
      %broadcast_in_dim3A_339 = vector.broadcast %add3A_338 : i32 to vector<16xi32>
      tpu.vector_store_idx %arg9[%add3A_283, %broadcast_in_dim3A_339], %get3A_336 : memref<32x513xf32, #tpu.memory_space<vmem>>[vector<16xi32>, vector<16xi32>], vector<16xf32>,
      %add3A_340 = arith.constant 7 : i32
      %add3A_341 = arith.addi %mul3A_151, %add3A_340 : i32
      %get3A_342 = arith.index_cast %add3A_341 : i32 to index
      %get3A_343 = arith.constant 16 : index
      %get3A_344 = tpu.vector_load %arg7[%get3A_342, %get3A_343] {strides = array<i32>} : memref<512x32xf32, #tpu.memory_space<vmem>>, vector<16xf32>,
      %add3A_345 = arith.constant 7 : i32
      %add3A_346 = arith.addi %mul3A_151, %add3A_345 : i32
      %broadcast_in_dim3A_347 = vector.broadcast %add3A_346 : i32 to vector<16xi32>
      tpu.vector_store_idx %arg9[%add3A_283, %broadcast_in_dim3A_347], %get3A_344 : memref<32x513xf32, #tpu.memory_space<vmem>>[vector<16xi32>, vector<16xi32>], vector<16xf32>,
      %add3A_348 = arith.constant 8 : i32
      %add3A_349 = arith.addi %mul3A_151, %add3A_348 : i32
      %get3A_350 = arith.index_cast %add3A_349 : i32 to index
      %get3A_351 = arith.constant 16 : index
      %get3A_352 = tpu.vector_load %arg7[%get3A_350, %get3A_351] {strides = array<i32>} : memref<512x32xf32, #tpu.memory_space<vmem>>, vector<16xf32>,
      %add3A_353 = arith.constant 8 : i32
      %add3A_354 = arith.addi %mul3A_151, %add3A_353 : i32
      %broadcast_in_dim3A_355 = vector.broadcast %add3A_354 : i32 to vector<16xi32>
      tpu.vector_store_idx %arg9[%add3A_283, %broadcast_in_dim3A_355], %get3A_352 : memref<32x513xf32, #tpu.memory_space<vmem>>[vector<16xi32>, vector<16xi32>], vector<16xf32>,
      %add3A_356 = arith.constant 9 : i32
      %add3A_357 = arith.addi %mul3A_151, %add3A_356 : i32
      %get3A_358 = arith.index_cast %add3A_357 : i32 to index
      %get3A_359 = arith.constant 16 : index
      %get3A_360 = tpu.vector_load %arg7[%get3A_358, %get3A_359] {strides = array<i32>} : memref<512x32xf32, #tpu.memory_space<vmem>>, vector<16xf32>,
      %add3A_361 = arith.constant 9 : i32
      %add3A_362 = arith.addi %mul3A_151, %add3A_361 : i32
      %broadcast_in_dim3A_363 = vector.broadcast %add3A_362 : i32 to vector<16xi32>
      tpu.vector_store_idx %arg9[%add3A_283, %broadcast_in_dim3A_363], %get3A_360 : memref<32x513xf32, #tpu.memory_space<vmem>>[vector<16xi32>, vector<16xi32>], vector<16xf32>,
      %add3A_364 = arith.constant 10 : i32
      %add3A_365 = arith.addi %mul3A_151, %add3A_364 : i32
      %get3A_366 = arith.index_cast %add3A_365 : i32 to index
      %get3A_367 = arith.constant 16 : index
      %get3A_368 = tpu.vector_load %arg7[%get3A_366, %get3A_367] {strides = array<i32>} : memref<512x32xf32, #tpu.memory_space<vmem>>, vector<16xf32>,
      %add3A_369 = arith.constant 10 : i32
      %add3A_370 = arith.addi %mul3A_151, %add3A_369 : i32
      %broadcast_in_dim3A_371 = vector.broadcast %add3A_370 : i32 to vector<16xi32>
      tpu.vector_store_idx %arg9[%add3A_283, %broadcast_in_dim3A_371], %get3A_368 : memref<32x513xf32, #tpu.memory_space<vmem>>[vector<16xi32>, vector<16xi32>], vector<16xf32>,
      %add3A_372 = arith.constant 11 : i32
      %add3A_373 = arith.addi %mul3A_151, %add3A_372 : i32
      %get3A_374 = arith.index_cast %add3A_373 : i32 to index
      %get3A_375 = arith.constant 16 : index
      %get3A_376 = tpu.vector_load %arg7[%get3A_374, %get3A_375] {strides = array<i32>} : memref<512x32xf32, #tpu.memory_space<vmem>>, vector<16xf32>,
      %add3A_377 = arith.constant 11 : i32
      %add3A_378 = arith.addi %mul3A_151, %add3A_377 : i32
      %broadcast_in_dim3A_379 = vector.broadcast %add3A_378 : i32 to vector<16xi32>
      tpu.vector_store_idx %arg9[%add3A_283, %broadcast_in_dim3A_379], %get3A_376 : memref<32x513xf32, #tpu.memory_space<vmem>>[vector<16xi32>, vector<16xi32>], vector<16xf32>,
      %add3A_380 = arith.constant 12 : i32
      %add3A_381 = arith.addi %mul3A_151, %add3A_380 : i32
      %get3A_382 = arith.index_cast %add3A_381 : i32 to index
      %get3A_383 = arith.constant 16 : index
      %get3A_384 = tpu.vector_load %arg7[%get3A_382, %get3A_383] {strides = array<i32>} : memref<512x32xf32, #tpu.memory_space<vmem>>, vector<16xf32>,
      %add3A_385 = arith.constant 12 : i32
      %add3A_386 = arith.addi %mul3A_151, %add3A_385 : i32
      %broadcast_in_dim3A_387 = vector.broadcast %add3A_386 : i32 to vector<16xi32>
      tpu.vector_store_idx %arg9[%add3A_283, %broadcast_in_dim3A_387], %get3A_384 : memref<32x513xf32, #tpu.memory_space<vmem>>[vector<16xi32>, vector<16xi32>], vector<16xf32>,
      %add3A_388 = arith.constant 13 : i32
      %add3A_389 = arith.addi %mul3A_151, %add3A_388 : i32
      %get3A_390 = arith.index_cast %add3A_389 : i32 to index
      %get3A_391 = arith.constant 16 : index
      %get3A_392 = tpu.vector_load %arg7[%get3A_390, %get3A_391] {strides = array<i32>} : memref<512x32xf32, #tpu.memory_space<vmem>>, vector<16xf32>,
      %add3A_393 = arith.constant 13 : i32
      %add3A_394 = arith.addi %mul3A_151, %add3A_393 : i32
      %broadcast_in_dim3A_395 = vector.broadcast %add3A_394 : i32 to vector<16xi32>
      tpu.vector_store_idx %arg9[%add3A_283, %broadcast_in_dim3A_395], %get3A_392 : memref<32x513xf32, #tpu.memory_space<vmem>>[vector<16xi32>, vector<16xi32>], vector<16xf32>,
      %add3A_396 = arith.constant 14 : i32
      %add3A_397 = arith.addi %mul3A_151, %add3A_396 : i32
      %get3A_398 = arith.index_cast %add3A_397 : i32 to index
      %get3A_399 = arith.constant 16 : index
      %get3A_400 = tpu.vector_load %arg7[%get3A_398, %get3A_399] {strides = array<i32>} : memref<512x32xf32, #tpu.memory_space<vmem>>, vector<16xf32>,
      %add3A_401 = arith.constant 14 : i32
      %add3A_402 = arith.addi %mul3A_151, %add3A_401 : i32
      %broadcast_in_dim3A_403 = vector.broadcast %add3A_402 : i32 to vector<16xi32>
      tpu.vector_store_idx %arg9[%add3A_283, %broadcast_in_dim3A_403], %get3A_400 : memref<32x513xf32, #tpu.memory_space<vmem>>[vector<16xi32>, vector<16xi32>], vector<16xf32>,
      %add3A_404 = arith.constant 15 : i32
      %add3A_405 = arith.addi %mul3A_151, %add3A_404 : i32
      %get3A_406 = arith.index_cast %add3A_405 : i32 to index
      %get3A_407 = arith.constant 16 : index
      %get3A_408 = tpu.vector_load %arg7[%get3A_406, %get3A_407] {strides = array<i32>} : memref<512x32xf32, #tpu.memory_space<vmem>>, vector<16xf32>,
      %add3A_409 = arith.constant 15 : i32
      %add3A_410 = arith.addi %mul3A_151, %add3A_409 : i32
      %broadcast_in_dim3A_411 = vector.broadcast %add3A_410 : i32 to vector<16xi32>
      tpu.vector_store_idx %arg9[%add3A_283, %broadcast_in_dim3A_411], %get3A_408 : memref<32x513xf32, #tpu.memory_space<vmem>>[vector<16xi32>, vector<16xi32>], vector<16xf32>,
    }
    %scan3A_109 = arith.constant 32 : i32
    %dma_start3A_110 = arith.constant 49 : i32
    %dma_start3A_111 = arith.constant 0 : i32
    %dma_start3A_112 = arith.constant 0 : i32
    %dma_start3A_113 = tpu.memref_slice %arg9[%dma_start3A_111, %dma_start3A_112] : memref<32x513xf32, #tpu.memory_space<vmem>> -> memref<32x512xf32, #tpu.memory_space<vmem>>
    %dma_start3A_114 = arith.constant 0 : i32
    %dma_start3A_115 = tpu.memref_slice %arg4[%dma_start3A_110, %dma_start3A_114, %mul3A_2] : memref<50x32x16384xf32, #tpu.memory_space<hbm>> -> memref<1x32x512xf32, #tpu.memory_space<hbm>>
    %dma_start3A_116 = tpu.memref_squeeze %dma_start3A_115 : memref<1x32x512xf32, #tpu.memory_space<hbm>> -> memref<32x512xf32, #tpu.memory_space<hbm>>
    %dma_start3A_117 = arith.constant 0 : i32
    %dma_start3A_118 = tpu.memref_slice %arg4[%dma_start3A_110, %dma_start3A_117, %mul3A_2] : memref<50x32x16384xf32, #tpu.memory_space<hbm>> -> memref<1x32x512xf32, #tpu.memory_space<hbm>>
    %dma_start3A_119 = tpu.memref_squeeze %dma_start3A_118 : memref<1x32x512xf32, #tpu.memory_space<hbm>> -> memref<32x512xf32, #tpu.memory_space<hbm>>
    %dma_start3A_120 = arith.constant 0 : i32
    %dma_start3A_121 = arith.constant 0 : i32
    %dma_start3A_122 = tpu.memref_slice %arg9[%dma_start3A_120, %dma_start3A_121] : memref<32x513xf32, #tpu.memory_space<vmem>> -> memref<32x512xf32, #tpu.memory_space<vmem>>
    tpu.enqueue_dma source(%dma_start3A_122 : memref<32x512xf32, #tpu.memory_space<vmem>>) target(%dma_start3A_119 : memref<32x512xf32, #tpu.memory_space<hbm>>) target_semaphore(%arg13 : memref<!tpu.dma_semaphore, #tpu.memory_space<semaphore_mem>>)
    %dma_wait3A_123 = arith.constant 0 : i32
    %dma_wait3A_124 = arith.constant 0 : i32
    %dma_wait3A_125 = arith.constant 0 : i32
    %dma_wait3A_126 = tpu.memref_slice %arg8[%dma_wait3A_124, %dma_wait3A_125] : memref<32x513xf32, #tpu.memory_space<vmem>> -> memref<32x512xf32, #tpu.memory_space<vmem>>
    %dma_wait3A_127 = arith.constant 0 : i32
    %dma_wait3A_128 = tpu.memref_slice %arg4[%dma_wait3A_123, %dma_wait3A_127, %mul3A_2] : memref<50x32x16384xf32, #tpu.memory_space<hbm>> -> memref<1x32x512xf32, #tpu.memory_space<hbm>>
    %dma_wait3A_129 = tpu.memref_squeeze %dma_wait3A_128 : memref<1x32x512xf32, #tpu.memory_space<hbm>> -> memref<32x512xf32, #tpu.memory_space<hbm>>
    %dma_wait3A_130 = arith.constant 0 : i32
    %dma_wait3A_131 = tpu.memref_slice %arg4[%dma_wait3A_123, %dma_wait3A_130, %mul3A_2] : memref<50x32x16384xf32, #tpu.memory_space<hbm>> -> memref<1x32x512xf32, #tpu.memory_space<hbm>>
    %dma_wait3A_132 = tpu.memref_squeeze %dma_wait3A_131 : memref<1x32x512xf32, #tpu.memory_space<hbm>> -> memref<32x512xf32, #tpu.memory_space<hbm>>
    %dma_wait3A_133 = arith.constant 0 : i32
    %dma_wait3A_134 = arith.constant 0 : i32
    %dma_wait3A_135 = tpu.memref_slice %arg8[%dma_wait3A_133, %dma_wait3A_134] : memref<32x513xf32, #tpu.memory_space<vmem>> -> memref<32x512xf32, #tpu.memory_space<vmem>>
    tpu.wait_dma2 semaphore(%arg12 : memref<!tpu.dma_semaphore, #tpu.memory_space<semaphore_mem>>) src(%dma_wait3A_135 : memref<32x512xf32, #tpu.memory_space<vmem>>) dst(%dma_wait3A_132 : memref<32x512xf32, #tpu.memory_space<hbm>>)
    %dma_wait3A_136 = arith.constant 0 : i32
    %dma_wait3A_137 = arith.constant 0 : i32
    %dma_wait3A_138 = arith.constant 0 : i32
    %dma_wait3A_139 = tpu.memref_slice %arg9[%dma_wait3A_137, %dma_wait3A_138] : memref<32x513xf32, #tpu.memory_space<vmem>> -> memref<32x512xf32, #tpu.memory_space<vmem>>
    %dma_wait3A_140 = arith.constant 0 : i32
    %dma_wait3A_141 = tpu.memref_slice %arg4[%dma_wait3A_136, %dma_wait3A_140, %mul3A_2] : memref<50x32x16384xf32, #tpu.memory_space<hbm>> -> memref<1x32x512xf32, #tpu.memory_space<hbm>>
    %dma_wait3A_142 = tpu.memref_squeeze %dma_wait3A_141 : memref<1x32x512xf32, #tpu.memory_space<hbm>> -> memref<32x512xf32, #tpu.memory_space<hbm>>
    %dma_wait3A_143 = arith.constant 0 : i32
    %dma_wait3A_144 = tpu.memref_slice %arg4[%dma_wait3A_136, %dma_wait3A_143, %mul3A_2] : memref<50x32x16384xf32, #tpu.memory_space<hbm>> -> memref<1x32x512xf32, #tpu.memory_space<hbm>>
    %dma_wait3A_145 = tpu.memref_squeeze %dma_wait3A_144 : memref<1x32x512xf32, #tpu.memory_space<hbm>> -> memref<32x512xf32, #tpu.memory_space<hbm>>
    %dma_wait3A_146 = arith.constant 0 : i32
    %dma_wait3A_147 = arith.constant 0 : i32
    %dma_wait3A_148 = tpu.memref_slice %arg9[%dma_wait3A_146, %dma_wait3A_147] : memref<32x513xf32, #tpu.memory_space<vmem>> -> memref<32x512xf32, #tpu.memory_space<vmem>>
    tpu.wait_dma2 semaphore(%arg13 : memref<!tpu.dma_semaphore, #tpu.memory_space<semaphore_mem>>) src(%dma_wait3A_148 : memref<32x512xf32, #tpu.memory_space<vmem>>) dst(%dma_wait3A_145 : memref<32x512xf32, #tpu.memory_space<hbm>>)
    return
  }
}

</mosaic_0001>

<sc_bundles>
// kernel: kernel.3.cloned.1.call-start
scs
__scs_entry_jumppad:
0x0: {  	(pc) =	sbr.rel $0x88, $3  }
0x1: {  	(tag) =	ssettag $0x0;
	lr =	simm.s32 $0x1  }
0x2: {  	[smem:$0x3F9F] =	sst lr;
	_ =	strace $0xD0000000  }
0x3: {  	_ = 	snop  }
0x4: {  	_ = 	snop  }
0x5: {  	_ = 	snop  }
0x6: {  	_ = 	snop  }
0x7: {  	_ = 	snop  }
__scs_overlays_trampoline_lowered:
0x8: {  	[smem:$0x3FAE] =	sst s0  }
0x9: {  	[smem:$0x3FAF] =	sst s1  }
0xa: {  	[smem:$0x3FB0] =	sst s2  }
0xb: {  	[smem:$0x3FB1] =	sst s3  }
0xc: {  	[smem:$0x3FB2] =	sst s4  }
0xd: {  	[smem:$0x3FB3] =	sst s5  }
0xe: {  	[smem:$0x3FB4] =	sst s6  }
0xf: {  	[smem:$0x3FB5] =	sst s7  }
0x10: {  	[smem:$0x3FB6] =	sst s8  }
0x11: {  	[smem:$0x3FB7] =	sst s9;
	s0 =	simm.s32 @!p0 $0x0  }
0x12: {  	s1 =	sld [smem:$0x3F9D];
	s0 =	simm.s32 @p0 $0x1  }
0x13: {  	[smem:$0x3FB8] =	sst s0;
	s0 =	simm.s32 @!p1 $0x0  }
0x14: {  	s2 =	sld [smem:$0x3F9C];
	s0 =	simm.s32 @p1 $0x1  }
0x15: {  	[smem:$0x3FB9] =	sst s0;
	s0 =	simm.s32 @!p2 $0x0  }
0x16: {  	s3 =	sld [smem:$0x3FDB];
	s0 =	simm.s32 @p2 $0x1  }
0x17: {  	s4 =	simm.s32 $0x1BF5;
	[smem:$0x3FBB] =	sst s0  }
0x18: {  	s0 =	sld [smem:$0x3F9E];
	_ =	swait.ge [sflag:s4], $0x0  }
0x19: {  	s7 =	sld [smem:$0x3F9F]  }
0x1a: {  	s8 =	sadd.s32 $0xFFFFE003, lr  }
0x1b: {  	s9 =	sadd.s32 $0xFFFFFEF7, lr;
	s5 =	simm.s32 $0xFFFFFFFF;
	p2 =	slt.u32 s8, $0xFFFFF086  }
0x1c: {  	p1 =	slt.u32 s9, $0xF7A;
	s5 =	simm.s32 @!p2 $0x0  }
0x1d: {  	s5 =	simm.s32 @p1 $0x1;
	p0 =	seq.s32 s7, s2  }
0x1e: {  	s7 =	smul.u32 @!p0 $0xF7A, s2;
	p2 =	seq.s32 @!p0 s5, $0x0  }
0x1f: {  	s9 =	smul.u32 $0xF7A, s1;
	s8 =	simm.s32 @!p0 $0x1BF5;
	p2 =	por !p2, p0  }
0x20: {  	[sflag:s8] =	ssyncset.s32 @!p0 $0xFFFFF086;
	s6 =	sadd.s32 @!p0 s3, s7;
	s7 =	simm.s32 @!p0 $0x108  }
0x21: {  	s3 =	sadd.s32 s3, s9;
	s6 =	sadd.s32 @!p0 $0x88, s6;
	s7 =	simm.s32 @p2 $0x1082  }
0x22: {  	[simem:s7], [sflag:s8] =	dma.local @!p0 [hbm:s6], $0xF7A  }
0x23: {  	s9 =	sor.u32 $0xD0000000, s2;
	s6 =	simm.s32 $0x108;
	_ =	swait.ge @!p0 [sflag:s8], $0x0  }
0x24: {  	s3 =	sadd.s32 $0x88, s3;
	s6 =	simm.s32 @!p1 $0x1082;
	[sflag:s4] =	ssyncset.s32 $0xFFFFF086  }
0x25: {  	[simem:s6], [sflag:s4] =	dma.local [hbm:s3], $0xF7A  }
0x26: {  	[smem:$0x3F9F] =	sst s1;
	(tag) =	ssettag s2;
	_ =	strace s9  }
0x27: {  	s1 =	sld [smem:$0x3FAF]  }
0x28: {  	s2 =	sld [smem:$0x3FB0]  }
0x29: {  	s4 =	sld [smem:$0x3FB2]  }
0x2a: {  	p0 =	seq.s32 s5, $0x0;
	s5 =	sld [smem:$0x3FB3]  }
0x2b: {  	s6 =	sld [smem:$0x3FB4]  }
0x2c: {  	s7 =	sld [smem:$0x3FB5]  }
0x2d: {  	s3 =	simm.s32 $0x108;
	s8 =	sld [smem:$0x3FB6]  }
0x2e: {  	s3 =	simm.s32 @!p0 $0x1082;
	s9 =	sld [smem:$0x3FB7]  }
0x2f: {  	lr =	sadd.s32 s0, s3;
	s0 =	sld [smem:$0x3FAE]  }
0x30: {  	s3 =	sld [smem:$0x3FB1]  }
0x31: {  	[smem:$0x3FBA] =	sst s10  }
0x32: {  	s10 =	sld [smem:$0x3FB8];
	_ =	sdelay $0x3  }
0x33: {  	p0 =	seq.s32 s10, $0x1;
	s10 =	sld [smem:$0x3FBA];
	_ =	sdelay $0x3  }
0x34: {  	[smem:$0x3FBA] =	sst s10  }
0x35: {  	s10 =	sld [smem:$0x3FB9];
	_ =	sdelay $0x3  }
0x36: {  	p1 =	seq.s32 s10, $0x1;
	s10 =	sld [smem:$0x3FBA];
	_ =	sdelay $0x3  }
0x37: {  	[smem:$0x3FBA] =	sst s10  }
0x38: {  	s10 =	sld [smem:$0x3FBB]  }
0x39: {  	_ = 	snop;
	(pc) =	sbr.ind lr, $3  }
0x3a: {  	_ = 	snop  }
0x3b: {  	_ = 	snop  }
0x3c: {  	p2 =	seq.s32 s10, $0x1;
	s10 =	sld [smem:$0x3FBA]  }
0x3d: {  	_ =	shalt  }
0x3e: {  	_ =	shalt  }
0x3f: {  	_ =	shalt  }
0x40: {  	_ =	shalt  }
0x41: {  	_ =	shalt  }
0x42: {  	_ =	shalt  }
0x43: {  	_ =	shalt  }
0x44: {  	_ =	shalt  }
0x45: {  	_ =	shalt  }
0x46: {  	_ =	shalt  }
0x47: {  	_ =	shalt  }
0x48: {  	_ =	shalt  }
0x49: {  	_ =	shalt  }
0x4a: {  	_ =	shalt  }
0x4b: {  	_ =	shalt  }
0x4c: {  	_ =	shalt  }
0x4d: {  	_ =	shalt  }
0x4e: {  	_ =	shalt  }
0x4f: {  	_ =	shalt  }
0x50: {  	_ =	shalt  }
0x51: {  	_ =	shalt  }
0x52: {  	_ =	shalt  }
0x53: {  	_ =	shalt  }
0x54: {  	_ =	shalt  }
0x55: {  	_ =	shalt  }
0x56: {  	_ =	shalt  }
0x57: {  	_ =	shalt  }
0x58: {  	_ =	shalt  }
0x59: {  	_ =	shalt  }
0x5a: {  	_ =	shalt  }
0x5b: {  	_ =	shalt  }
0x5c: {  	_ =	shalt  }
0x5d: {  	_ =	shalt  }
0x5e: {  	_ =	shalt  }
0x5f: {  	_ =	shalt  }
0x60: {  	_ =	shalt  }
0x61: {  	_ =	shalt  }
0x62: {  	_ =	shalt  }
0x63: {  	_ =	shalt  }
0x64: {  	_ =	shalt  }
0x65: {  	_ =	shalt  }
0x66: {  	_ =	shalt  }
0x67: {  	_ =	shalt  }
0x68: {  	_ =	shalt  }
0x69: {  	_ =	shalt  }
0x6a: {  	_ =	shalt  }
0x6b: {  	_ =	shalt  }
0x6c: {  	_ =	shalt  }
0x6d: {  	_ =	shalt  }
0x6e: {  	_ =	shalt  }
0x6f: {  	_ =	shalt  }
0x70: {  	_ =	shalt  }
0x71: {  	_ =	shalt  }
0x72: {  	_ =	shalt  }
0x73: {  	_ =	shalt  }
0x74: {  	_ =	shalt  }
0x75: {  	_ =	shalt  }
0x76: {  	_ =	shalt  }
0x77: {  	_ =	shalt  }
0x78: {  	_ =	shalt  }
0x79: {  	_ =	shalt  }
0x7a: {  	_ =	shalt  }
0x7b: {  	_ =	shalt  }
0x7c: {  	_ =	shalt  }
0x7d: {  	_ =	shalt  }
0x7e: {  	_ =	shalt  }
0x7f: {  	_ =	shalt  }
0x80: {  	_ =	shalt  }
0x81: {  	_ =	shalt  }
0x82: {  	_ =	shalt  }
0x83: {  	_ =	shalt  }
0x84: {  	_ =	shalt  }
0x85: {  	_ =	shalt  }
0x86: {  	_ =	shalt  }
0x87: {  	_ =	shalt  }
.Lfunc_end0:
.L_simem_size_0:
called_computation_lowered:
.L_overlay_start_0:
0x88: {  	s2 =	sld [smem:$0x3FD9]  }
0x89: {  	s3 =	sld [smem:$0x3FFE];
	_ =	sdelay $0x1  }
0x8a: {  	s1 =	srdreg.scid  }
0x8b: {  	s0 =	sand.u32 $0x1, s1  }
0x8c: {  	s17 =	sshll.u32 s0, $0xA;
	s2 =	sadd.s32 s3, s2  }
0x8d: {  	s2 =	sadd.s32 s2, s17  }
0x8e: {  	[smem:$0x3FC6] =	sst s2  }
0x8f: {  	_ = 	snop  }
0x90: {  	s2 =	sld [smem:$0x3FD0];
	(tm) =	ssettm $0x1  }
0x91: {  	s18 =	sld [smem:$0x3FFB];
	_ =	sdelay $0x3  }
0x92: {  	_ =	strace s18  }
0x93: {  	s3 =	sld [smem:$0x3FFC];
	_ =	sdelay $0x3  }
0x94: {  	_ =	strace s3  }
0x95: {  	s3 =	sld [smem:$0x3FFD];
	_ =	sdelay $0x3  }
0x96: {  	_ =	strace s3  }
0x97: {  	_ =	strace $0x8FFFFFFF  }
0x98: {  	s19 =	sld [smem:$0x3FDB];
	_ =	sdelay $0x1  }
0x99: {  	s4 =	simm.s32 $_scs_section_size  }
0x9a: {  	s5 =	simm.s32 $_size__tile_overlayer_lowered;
	s6 =	simm.s32 $_tile_overlayer_lowered  }
0x9b: {  	s22 =	simm.s32 $0x1BFF;
	s21 =	sshll.u32 s6, $0x1;
	s3 =	sadd.s32 s4, s19  }
0x9c: {  	s7 =	simm.s32 $0x0;
	s20 =	sshll.u32 s5, $0x1;
	s5 =	sadd.s32 s21, s3  }
0x9d: {  	[timem:s7], [sflag:s22] =	dma.local [hbm:s5], s20  }
0x9e: {  	_ =	swait.ge [sflag:s22], s20  }
0x9f: {  	s4 =	ssub.s32 $0x0, s20;
	[sflag:s22] =	ssyncset.done $0x0  }
0xa0: {  	[sflag:s22] =	ssyncadd.s32 s4;
	_ =	sdelay $0x1  }
0xa1: {  	s23 =	simm.s32 $0x1B8B  }
0xa2: {  	_ =	swait.ge [sflag:s23], $0x1  }
0xa3: {  	[sflag:s23] =	ssyncset.done $0x0  }
0xa4: {  	s25 =	simm.s32 $0x1B8E;
	s24 =	sld [smem:$0x3FFE];
	[sflag:s23] =	ssyncadd.s32 $0xFFFFFFFF  }
0xa5: {  	s26 =	simm.s32 $execute0_lowered;
	[smem:$0x3FD2] =	sst s25  }
0xa6: {  	s5 =	sshll.u32 s26, $0x1;
	_ =	strace $0x80000046;
	[dreg:$0x1] =	wrdreg $0xFFFFFFFF  }
0xa7: {  	s28 =	simm.s32 $_size_execute0_lowered;
	s3 =	sadd.s32 s3, s5;
	[dreg:$0x0] =	wrdreg $0x0  }
0xa8: {  	s5 =	sshll.u32 s28, $0x1;
	[dreg:$0x2] =	wrdreg s3  }
0xa9: {  	[dreg:$0x3] =	wrdreg s5  }
0xaa: {  	[dreg:$0x4] =	wrdreg $0xC0  }
0xab: {  	_ =	task [dreg:s7], $0x5FFFF  }
0xac: {  	[dreg:$0x1] =	wrdreg $0xFFFFFFFF  }
0xad: {  	[dreg:$0x0] =	wrdreg $0x60  }
0xae: {  	[dreg:$0x2] =	wrdreg s2  }
0xaf: {  	[dreg:$0x3] =	wrdreg s24  }
0xb0: {  	[dreg:$0x4] =	wrdreg $0x9  }
0xb1: {  	_ =	task.clear_ibuf [dreg:s7], $0x5FFFF;
	_ =	strace $0x90000046  }
0xb2: {  	s29 =	simm.s32 $0x9;
	_ =	strace $0x80000048  }
0xb3: {  	_ =	swait.ge [sflag:s29], $0x1  }
0xb4: {  	[sflag:s29] =	ssyncadd.s32 $0xFFFFFFFF  }
0xb5: {  	_ =	strace $0x90000048  }
0xb6: {  	_ =	sfence  }
0xb7: {  	s30 =	sld [smem:$0x0];
	_ =	sdelay $0x2  }
0xb8: {  	s31 =	sshll.u32 s1, $0xD;
	s1 =	sshrl.u32 s1, $0x2  }
0xb9: {  	s3 =	sand.u32 $0x4000, s31;
	s1 =	sadd.s32 s1, s30  }
0xba: {  	s0 =	sor.u32 s3, s0;
	s1 =	sshll.u32 s1, $0x11  }
0xbb: {  	s0 =	sor.u32 s1, s0  }
0xbc: {  	s0 =	sadd.s32 $0x8F2B, s0  }
0xbd: {  	[sflag:s0] =	ssyncadd.remote.s32 $0x1  }
0xbe: {  	_ =	sfence.sel $0xFFFF  }
0xbf: {  	[dreg:$0x0] =	wrdreg $0xFFFFFFFF;
	(pc) =	sbr.abs _section_cstart, $3  }
0xc0: {  	[dreg:$0x1] =	wrdreg $0xFFFFFFFF  }
0xc1: {  	_ =	task.clear_ibuf [dreg:s7], $0x2FFFF;
	_ =	strace $0x9FFFFFFF  }
0xc2: {  	(tm) =	ssettm $0x7FFFFFFF  }
0xc3: {  	_ =	shalt  }
tec
execute0_lowered:
.L_overlay_start_1:
0x0: {  	(tag) =	ssettag $0x1  }
0x1: {  	s6 =	rddreg [dreg:$0x0]  }
0x2: {  	s8 =	rddreg [dreg:$0x1]  }
0x3: {  	s0 =	rddreg [dreg:$0x2]  }
0x4: {  	s3 =	srdreg.scid;
	s2 =	simm.s32 $0x0;
	s1 =	stileid.u32  }
0x5: {  	s12 =	simm.s32 $0x4000;
	s13 =	simm.s32 $0x5;
	s14 =	simm.s32 $0x6400  }
0x6: {  	s15 =	simm.s32 $0xA400;
	s16 =	simm.s32 $0x1;
	s17 =	simm.s32 $0x3  }
0x7: {  	v0 =	vlaneseq.u32;
	s18 =	simm.s32 $0xE400;
	s19 =	simm.s32 $0x2;
	s20 =	simm.s32 $0x4  }
0x8: {  	v1 =	vimm.s32 $0x0;
	vm0 =	vcmask $0x300;
	s21 =	simm.s32 $0x12500;
	s22 =	simm.s32 $0x0;
	s5 =	sand.u32 $0x1, s3;
	v0 =	vmul.u32 $0x208, v0  }
0x9: {  	[smem:$0x7FF] =	sst s2;
	s31 =	sshll.u32 s1, $0xA;
	v1 =	vsel vm0, $0x3, v1;
	s4 =	sshll.u32 s5, $0x9  }
0xa: {  	_ =	strace $0x80000047;
	s7 =	ssub.s32 $0x2, s5;
	s5 =	sadd.s32 $0xF42A00, s8;
	v2 =	vor.u32 $0x1, v0;
	v3 =	vor.u32 $0x2, v0;
	v4 =	vor.u32 $0x3, v0  }
0xb: {  	s3 =	sor.u32 s4, s31;
	s4 =	sadd.s32 $0x600, s8;
	s10 =	sshrl.u32 s7, $0x1;
	v5 =	vor.u32 $0x4, v0;
	v6 =	vor.u32 $0x5, v0;
	v7 =	vor.u32 $0x6, v0  }
0xc: {  	s8 =	sadd.s32 $0x10600, s8;
	v8 =	vor.u32 $0x7, v0;
	v9 =	vadd.s32 $0x2080, v0;
	v10 =	vadd.s32 $0x2081, v0;
	s9 =	sshrl.u32 s3, $0x3;
	s10 =	ssub.s32 s7, s10  }
0xd: {  	v11 =	vadd.s32 $0x2082, v0;
	v12 =	vadd.s32 $0x2083, v0;
	v13 =	vadd.s32 $0x2084, v0;
	s11 =	sadd.s32 s9, s4;
	s6 =	sadd.s32 s6, s9;
	s10 =	smax.u32 s10, $0x1  }
0xe: {  	v14 =	vadd.s32 $0x2085, v0;
	v15 =	vadd.s32 $0x2086, v0;
	v16 =	vadd.s32 $0x2087, v0;
	s7 =	sadd.s32 $0x310000, s11;
	s9 =	sadd.s32 $0x300000, s11;
	s11 =	simm.s32 $0x200  }
.LBB2_1:
0xf: {  	[tilespmem:s2], [sflag:$0x5] =	stream.strided.gather [hbm4b:s6+s11], $0x6400, s12, s11, $0x38;
	[tilespmem:$0x16600] =	vst v63  }
0x10: {  	_ =	swait.ge [sflag:s13], $0x6400  }
0x11: {  	[sflag:s13] =	ssyncset.done $0x0  }
0x12: {  	[sflag:s13] =	ssyncadd.s32 $0xFFFF9C00  }
0x13: {  	[tilespmem:s14], [sflag:$0x1] =	stream.indirect.gather [hbm4b:s5+s11], $0x20, s2, s11, $0xb8;
	[tilespmem:$0x16600] =	vst v63  }
0x14: {  	s24 =	simm.s32 $0xE400;
	s25 =	simm.s32 $0x0  }
0x15: {  	[tilespmem:s15], [sflag:$0x2] =	stream.indirect.gather [hbm4b:s5+s11], $0x20, s11, s11, $0xb8;
	[tilespmem:$0x16600] =	vst v63  }
.LBB2_2:
0x16: {  	p0 =	sne.s32 s25, $0xF800  }
.Ltmp0:
0x17: {  	_ = 	snop;
	(pc) =	sbr.rel @p0 .LBB2_2-.Ltmp0, $4  }
0x18: {  	_ = 	snop  }
0x19: {  	s26 =	sadd.s32 s25, s7;
	s23 =	simm.s32 $0x0  }
0x1a: {  	[hbm4b:s26+s23] =	stream.linear.scatter [tilespmem:s24], [sflag:$0x3], $0x200, $0x38;
	[tilespmem:$0x16600] =	vst v63  }
0x1b: {  	s25 =	sadd.s32 $0x800, s25;
	s24 =	sadd.s32 $0x208, s24  }
0x1c: {  	s24 =	simm.s32 $0x12500  }
0x1d: {  	s25 =	simm.s32 $0x800;
	s28 =	sadd.s32 $0x0, s7;
	s26 =	simm.s32 $0x12708  }
.LBB2_4:
0x1e: {  	[hbm4b:s28+s23] =	stream.linear.scatter [tilespmem:s24], [sflag:$0x4], $0x200, $0x38;
	[tilespmem:$0x16600] =	vst v63  }
0x1f: {  	s28 =	smov.u32 s25;
	s24 =	smov.u32 s26;
	p0 =	sne.s32 s25, $0xF800  }
.Ltmp1:
0x20: {  	s25 =	sadd.s32 $0x800, s25;
	(pc) =	sbr.rel @p0 .LBB2_4-.Ltmp1, $2  }
0x21: {  	_ =	sdelay $0x2  }
0x22: {  	s26 =	sadd.s32 $0x208, s26;
	s28 =	sadd.s32 s28, s7  }
0x23: {  	[hbm4b:s28+s23] =	stream.linear.scatter [tilespmem:s24], [sflag:$0x4], $0x200, $0x38;
	[tilespmem:$0x16600] =	vst v63  }
.LBB2_6:
0x24: {  	_ =	swait.ge [sflag:s16], $0x4000;
	s24 =	simm.s32 $0x0  }
0x25: {  	[sflag:s16] =	ssyncset.done $0x0;
	v17 =	vmov s24  }
0x26: {  	[sflag:s16] =	ssyncadd.s32 $0xFFFFC000;
	v17 =	vshrl.u32 v17, $0x3  }
0x27: {  	_ =	swait.ge [sflag:s17], $0x4000;
	v17 =	vshll.u32 v17, v1  }
0x28: {  	[sflag:s17] =	ssyncset.done $0x0;
	v17 =	vbroadcast v17, $0x0  }
0x29: {  	s24 =	simm.s32 $0x6500;
	[sflag:s17] =	ssyncadd.s32 $0xFFFFC000  }
0x2a: {  	s25 =	simm.s32 $0x1;
	v18 =	vld [tilespmem:s24+$0xFFFFFF00];
	v19 =	vadd.s32 v0, v17  }
0x2b: {  	v20 =	vmov s25  }
0x2c: {  	v20 =	vshrl.u32 v20, $0x3  }
0x2d: {  	v20 =	vshll.u32 v20, v1  }
0x2e: {  	v20 =	vbroadcast v20, $0x0  }
0x2f: {  	[tilespmem:v19+s18+$0x0] =	vst.idx.msk $0xffff, v18  }
0x30: {  	s30 =	simm.s32 $0x2;
	v19 =	vadd.s32 v2, v20;
	v18 =	vld [tilespmem:s24+$0xFFFFFF20]  }
0x31: {  	v21 =	vmov s30  }
0x32: {  	v21 =	vshrl.u32 v21, $0x3  }
0x33: {  	v21 =	vshll.u32 v21, v1  }
0x34: {  	v21 =	vbroadcast v21, $0x0  }
0x35: {  	[tilespmem:v19+s18+$0x0] =	vst.idx.msk $0xffff, v18  }
0x36: {  	s31 =	simm.s32 $0x3;
	v19 =	vadd.s32 v3, v21;
	v18 =	vld [tilespmem:s24+$0xFFFFFF40]  }
0x37: {  	v22 =	vmov s31  }
0x38: {  	v22 =	vshrl.u32 v22, $0x3  }
0x39: {  	v22 =	vshll.u32 v22, v1  }
0x3a: {  	v22 =	vbroadcast v22, $0x0  }
0x3b: {  	[tilespmem:v19+s18+$0x0] =	vst.idx.msk $0xffff, v18  }
0x3c: {  	s26 =	simm.s32 $0x4;
	v19 =	vadd.s32 v4, v22;
	v18 =	vld [tilespmem:s24+$0xFFFFFF60]  }
0x3d: {  	v23 =	vmov s26  }
0x3e: {  	v23 =	vshrl.u32 v23, $0x3  }
0x3f: {  	v23 =	vshll.u32 v23, v1  }
0x40: {  	v23 =	vbroadcast v23, $0x0  }
0x41: {  	[tilespmem:v19+s18+$0x0] =	vst.idx.msk $0xffff, v18  }
0x42: {  	s29 =	simm.s32 $0x5;
	v19 =	vadd.s32 v5, v23;
	v18 =	vld [tilespmem:s24+$0xFFFFFF80]  }
0x43: {  	v24 =	vmov s29  }
0x44: {  	v24 =	vshrl.u32 v24, $0x3  }
0x45: {  	v24 =	vshll.u32 v24, v1  }
0x46: {  	v24 =	vbroadcast v24, $0x0  }
0x47: {  	[tilespmem:v19+s18+$0x0] =	vst.idx.msk $0xffff, v18  }
0x48: {  	s30 =	simm.s32 $0x6;
	v19 =	vadd.s32 v6, v24;
	v18 =	vld [tilespmem:s24+$0xFFFFFFA0]  }
0x49: {  	v25 =	vmov s30  }
0x4a: {  	v25 =	vshrl.u32 v25, $0x3  }
0x4b: {  	v25 =	vshll.u32 v25, v1  }
0x4c: {  	v25 =	vbroadcast v25, $0x0  }
0x4d: {  	[tilespmem:v19+s18+$0x0] =	vst.idx.msk $0xffff, v18  }
0x4e: {  	s31 =	simm.s32 $0x7;
	v19 =	vadd.s32 v7, v25;
	v18 =	vld [tilespmem:s24+$0xFFFFFFC0]  }
0x4f: {  	v26 =	vmov s31  }
0x50: {  	v26 =	vshrl.u32 v26, $0x3  }
0x51: {  	v26 =	vshll.u32 v26, v1  }
0x52: {  	v26 =	vbroadcast v26, $0x0  }
0x53: {  	[tilespmem:v19+s18+$0x0] =	vst.idx.msk $0xffff, v18  }
0x54: {  	s26 =	simm.s32 $0x8;
	v19 =	vadd.s32 v8, v26;
	v18 =	vld [tilespmem:s24+$0xFFFFFFE0]  }
0x55: {  	v27 =	vmov s26  }
0x56: {  	v27 =	vshrl.u32 v27, $0x3  }
0x57: {  	v27 =	vshll.u32 v27, v1  }
0x58: {  	v27 =	vbroadcast v27, $0x0  }
0x59: {  	[tilespmem:v19+s18+$0x0] =	vst.idx.msk $0xffff, v18  }
0x5a: {  	s29 =	simm.s32 $0x9;
	v19 =	vadd.s32 v0, v27;
	v18 =	vld [tilespmem:s24+$0x0]  }
0x5b: {  	v28 =	vmov s29  }
0x5c: {  	v28 =	vshrl.u32 v28, $0x3  }
0x5d: {  	v28 =	vshll.u32 v28, v1  }
0x5e: {  	v28 =	vbroadcast v28, $0x0  }
0x5f: {  	[tilespmem:v19+s18+$0x0] =	vst.idx.msk $0xffff, v18  }
0x60: {  	s30 =	simm.s32 $0xA;
	v19 =	vadd.s32 v2, v28;
	v18 =	vld [tilespmem:s24+$0x20]  }
0x61: {  	v29 =	vmov s30  }
0x62: {  	v29 =	vshrl.u32 v29, $0x3  }
0x63: {  	v29 =	vshll.u32 v29, v1  }
0x64: {  	v29 =	vbroadcast v29, $0x0  }
0x65: {  	[tilespmem:v19+s18+$0x0] =	vst.idx.msk $0xffff, v18  }
0x66: {  	s31 =	simm.s32 $0xB;
	v19 =	vadd.s32 v3, v29;
	v18 =	vld [tilespmem:s24+$0x40]  }
0x67: {  	v30 =	vmov s31  }
0x68: {  	v30 =	vshrl.u32 v30, $0x3  }
0x69: {  	v30 =	vshll.u32 v30, v1  }
0x6a: {  	v30 =	vbroadcast v30, $0x0  }
0x6b: {  	[tilespmem:v19+s18+$0x0] =	vst.idx.msk $0xffff, v18  }
0x6c: {  	s26 =	simm.s32 $0xC;
	v19 =	vadd.s32 v4, v30;
	v18 =	vld [tilespmem:s24+$0x60]  }
0x6d: {  	v31 =	vmov s26  }
0x6e: {  	v31 =	vshrl.u32 v31, $0x3  }
0x6f: {  	v31 =	vshll.u32 v31, v1  }
0x70: {  	v31 =	vbroadcast v31, $0x0  }
0x71: {  	[tilespmem:v19+s18+$0x0] =	vst.idx.msk $0xffff, v18  }
0x72: {  	s29 =	simm.s32 $0xD;
	v19 =	vadd.s32 v5, v31;
	v18 =	vld [tilespmem:s24+$0x80]  }
0x73: {  	v32 =	vmov s29  }
0x74: {  	v32 =	vshrl.u32 v32, $0x3  }
0x75: {  	v32 =	vshll.u32 v32, v1  }
0x76: {  	v32 =	vbroadcast v32, $0x0  }
0x77: {  	[tilespmem:v19+s18+$0x0] =	vst.idx.msk $0xffff, v18  }
0x78: {  	s30 =	simm.s32 $0xE;
	v19 =	vadd.s32 v6, v32;
	v18 =	vld [tilespmem:s24+$0xA0]  }
0x79: {  	v33 =	vmov s30  }
0x7a: {  	v33 =	vshrl.u32 v33, $0x3  }
0x7b: {  	v33 =	vshll.u32 v33, v1  }
0x7c: {  	v33 =	vbroadcast v33, $0x0  }
0x7d: {  	[tilespmem:v19+s18+$0x0] =	vst.idx.msk $0xffff, v18  }
0x7e: {  	s31 =	simm.s32 $0xF;
	v19 =	vadd.s32 v7, v33;
	v18 =	vld [tilespmem:s24+$0xC0]  }
0x7f: {  	v34 =	vmov s31  }
0x80: {  	v34 =	vshrl.u32 v34, $0x3  }
0x81: {  	v34 =	vshll.u32 v34, v1  }
0x82: {  	v34 =	vbroadcast v34, $0x0  }
0x83: {  	[tilespmem:v19+s18+$0x0] =	vst.idx.msk $0xffff, v18  }
0x84: {  	v19 =	vadd.s32 v8, v34;
	v18 =	vld [tilespmem:s24+$0xE0];
	_ =	sdelay $0x4  }
0x85: {  	[tilespmem:v19+s18+$0x0] =	vst.idx.msk $0xffff, v18  }
0x86: {  	v17 =	vadd.s32 v9, v17;
	v18 =	vld [tilespmem:s24+$0xFFFFFF10];
	_ =	sdelay $0x4  }
0x87: {  	[tilespmem:v17+s18+$0x0] =	vst.idx.msk $0xffff, v18  }
0x88: {  	v18 =	vadd.s32 v10, v20;
	v17 =	vld [tilespmem:s24+$0xFFFFFF30];
	_ =	sdelay $0x4  }
0x89: {  	[tilespmem:v18+s18+$0x0] =	vst.idx.msk $0xffff, v17  }
0x8a: {  	v18 =	vadd.s32 v11, v21;
	v17 =	vld [tilespmem:s24+$0xFFFFFF50];
	_ =	sdelay $0x4  }
0x8b: {  	[tilespmem:v18+s18+$0x0] =	vst.idx.msk $0xffff, v17  }
0x8c: {  	v18 =	vadd.s32 v12, v22;
	v17 =	vld [tilespmem:s24+$0xFFFFFF70];
	_ =	sdelay $0x4  }
0x8d: {  	[tilespmem:v18+s18+$0x0] =	vst.idx.msk $0xffff, v17  }
0x8e: {  	v18 =	vadd.s32 v13, v23;
	v17 =	vld [tilespmem:s24+$0xFFFFFF90];
	_ =	sdelay $0x4  }
0x8f: {  	[tilespmem:v18+s18+$0x0] =	vst.idx.msk $0xffff, v17  }
0x90: {  	v18 =	vadd.s32 v14, v24;
	v17 =	vld [tilespmem:s24+$0xFFFFFFB0];
	_ =	sdelay $0x4  }
0x91: {  	[tilespmem:v18+s18+$0x0] =	vst.idx.msk $0xffff, v17  }
0x92: {  	v18 =	vadd.s32 v15, v25;
	v17 =	vld [tilespmem:s24+$0xFFFFFFD0];
	_ =	sdelay $0x4  }
0x93: {  	[tilespmem:v18+s18+$0x0] =	vst.idx.msk $0xffff, v17  }
0x94: {  	v18 =	vadd.s32 v16, v26;
	v17 =	vld [tilespmem:s24+$0xFFFFFFF0];
	_ =	sdelay $0x4  }
0x95: {  	[tilespmem:v18+s18+$0x0] =	vst.idx.msk $0xffff, v17  }
0x96: {  	v18 =	vadd.s32 v9, v27;
	v17 =	vld [tilespmem:s24+$0x10];
	_ =	sdelay $0x4  }
0x97: {  	[tilespmem:v18+s18+$0x0] =	vst.idx.msk $0xffff, v17  }
0x98: {  	v18 =	vadd.s32 v10, v28;
	v17 =	vld [tilespmem:s24+$0x30];
	_ =	sdelay $0x4  }
0x99: {  	[tilespmem:v18+s18+$0x0] =	vst.idx.msk $0xffff, v17  }
0x9a: {  	v18 =	vadd.s32 v11, v29;
	v17 =	vld [tilespmem:s24+$0x50];
	_ =	sdelay $0x4  }
0x9b: {  	[tilespmem:v18+s18+$0x0] =	vst.idx.msk $0xffff, v17  }
0x9c: {  	v18 =	vadd.s32 v12, v30;
	v17 =	vld [tilespmem:s24+$0x70];
	_ =	sdelay $0x4  }
0x9d: {  	[tilespmem:v18+s18+$0x0] =	vst.idx.msk $0xffff, v17  }
0x9e: {  	v18 =	vadd.s32 v13, v31;
	v17 =	vld [tilespmem:s24+$0x90];
	_ =	sdelay $0x4  }
0x9f: {  	[tilespmem:v18+s18+$0x0] =	vst.idx.msk $0xffff, v17  }
0xa0: {  	v18 =	vadd.s32 v14, v32;
	v17 =	vld [tilespmem:s24+$0xB0];
	_ =	sdelay $0x4  }
0xa1: {  	[tilespmem:v18+s18+$0x0] =	vst.idx.msk $0xffff, v17  }
0xa2: {  	v18 =	vadd.s32 v15, v33;
	v17 =	vld [tilespmem:s24+$0xD0];
	_ =	sdelay $0x4  }
0xa3: {  	[tilespmem:v18+s18+$0x0] =	vst.idx.msk $0xffff, v17  }
0xa4: {  	s28 =	simm.s32 $0x10;
	s25 =	simm.s32 $0x1F;
	s26 =	simm.s32 $0x2F;
	v19 =	vadd.s32 v16, v34;
	v18 =	vld [tilespmem:s24+$0xF0]  }
.LBB2_7:
0xa5: {  	p0 =	sne.s32 s26, $0x1FF;
	v17 =	vmov s28  }
0xa6: {  	v17 =	vshrl.u32 v17, $0x3  }
0xa7: {  	v17 =	vshll.u32 v17, v1  }
0xa8: {  	v17 =	vbroadcast v17, $0x0  }
0xa9: {  	s24 =	sadd.s32 $0x200, s24;
	[tilespmem:v19+s18+$0x0] =	vst.idx.msk $0xffff, v18  }
0xaa: {  	s28 =	sadd.s32 $0xFFFFFFF2, s25;
	v19 =	vld [tilespmem:s24+$0xFFFFFF00];
	v20 =	vadd.s32 v0, v17  }
0xab: {  	v18 =	vmov s28  }
0xac: {  	v18 =	vshrl.u32 v18, $0x3  }
0xad: {  	v18 =	vshll.u32 v18, v1  }
0xae: {  	v18 =	vbroadcast v18, $0x0  }
0xaf: {  	[tilespmem:v20+s18+$0x0] =	vst.idx.msk $0xffff, v19  }
0xb0: {  	s28 =	sadd.s32 $0xFFFFFFF3, s25;
	v21 =	vadd.s32 v2, v18;
	v20 =	vld [tilespmem:s24+$0xFFFFFF20]  }
0xb1: {  	v19 =	vmov s28  }
0xb2: {  	v19 =	vshrl.u32 v19, $0x3  }
0xb3: {  	v19 =	vshll.u32 v19, v1  }
0xb4: {  	v19 =	vbroadcast v19, $0x0  }
0xb5: {  	[tilespmem:v21+s18+$0x0] =	vst.idx.msk $0xffff, v20  }
0xb6: {  	s28 =	sadd.s32 $0xFFFFFFF4, s25;
	v22 =	vadd.s32 v3, v19;
	v21 =	vld [tilespmem:s24+$0xFFFFFF40]  }
0xb7: {  	v20 =	vmov s28  }
0xb8: {  	v20 =	vshrl.u32 v20, $0x3  }
0xb9: {  	v20 =	vshll.u32 v20, v1  }
0xba: {  	v20 =	vbroadcast v20, $0x0  }
0xbb: {  	[tilespmem:v22+s18+$0x0] =	vst.idx.msk $0xffff, v21  }
0xbc: {  	s28 =	sadd.s32 $0xFFFFFFF5, s25;
	v23 =	vadd.s32 v4, v20;
	v22 =	vld [tilespmem:s24+$0xFFFFFF60]  }
0xbd: {  	v21 =	vmov s28  }
0xbe: {  	v21 =	vshrl.u32 v21, $0x3  }
0xbf: {  	v21 =	vshll.u32 v21, v1  }
0xc0: {  	v21 =	vbroadcast v21, $0x0  }
0xc1: {  	[tilespmem:v23+s18+$0x0] =	vst.idx.msk $0xffff, v22  }
0xc2: {  	s28 =	sadd.s32 $0xFFFFFFF6, s25;
	v24 =	vadd.s32 v5, v21;
	v23 =	vld [tilespmem:s24+$0xFFFFFF80]  }
0xc3: {  	v22 =	vmov s28  }
0xc4: {  	v22 =	vshrl.u32 v22, $0x3  }
0xc5: {  	v22 =	vshll.u32 v22, v1  }
0xc6: {  	v22 =	vbroadcast v22, $0x0  }
0xc7: {  	[tilespmem:v24+s18+$0x0] =	vst.idx.msk $0xffff, v23  }
0xc8: {  	s28 =	sadd.s32 $0xFFFFFFF7, s25;
	v25 =	vadd.s32 v6, v22;
	v24 =	vld [tilespmem:s24+$0xFFFFFFA0]  }
0xc9: {  	v23 =	vmov s28  }
0xca: {  	v23 =	vshrl.u32 v23, $0x3  }
0xcb: {  	v23 =	vshll.u32 v23, v1  }
0xcc: {  	v23 =	vbroadcast v23, $0x0  }
0xcd: {  	[tilespmem:v25+s18+$0x0] =	vst.idx.msk $0xffff, v24  }
0xce: {  	s28 =	sadd.s32 $0xFFFFFFF8, s25;
	v26 =	vadd.s32 v7, v23;
	v25 =	vld [tilespmem:s24+$0xFFFFFFC0]  }
0xcf: {  	v24 =	vmov s28  }
0xd0: {  	v24 =	vshrl.u32 v24, $0x3  }
0xd1: {  	v24 =	vshll.u32 v24, v1  }
0xd2: {  	v24 =	vbroadcast v24, $0x0  }
0xd3: {  	[tilespmem:v26+s18+$0x0] =	vst.idx.msk $0xffff, v25  }
0xd4: {  	s28 =	sadd.s32 $0xFFFFFFF9, s25;
	v27 =	vadd.s32 v8, v24;
	v26 =	vld [tilespmem:s24+$0xFFFFFFE0]  }
0xd5: {  	v25 =	vmov s28  }
0xd6: {  	v25 =	vshrl.u32 v25, $0x3  }
0xd7: {  	v25 =	vshll.u32 v25, v1  }
0xd8: {  	v25 =	vbroadcast v25, $0x0  }
0xd9: {  	[tilespmem:v27+s18+$0x0] =	vst.idx.msk $0xffff, v26  }
0xda: {  	s28 =	sadd.s32 $0xFFFFFFFA, s25;
	v28 =	vadd.s32 v0, v25;
	v27 =	vld [tilespmem:s24+$0x0]  }
0xdb: {  	v26 =	vmov s28  }
0xdc: {  	v26 =	vshrl.u32 v26, $0x3  }
0xdd: {  	v26 =	vshll.u32 v26, v1  }
0xde: {  	v26 =	vbroadcast v26, $0x0  }
0xdf: {  	[tilespmem:v28+s18+$0x0] =	vst.idx.msk $0xffff, v27  }
0xe0: {  	s28 =	sadd.s32 $0xFFFFFFFB, s25;
	v29 =	vadd.s32 v2, v26;
	v28 =	vld [tilespmem:s24+$0x20]  }
0xe1: {  	v27 =	vmov s28  }
0xe2: {  	v27 =	vshrl.u32 v27, $0x3  }
0xe3: {  	v27 =	vshll.u32 v27, v1  }
0xe4: {  	v27 =	vbroadcast v27, $0x0  }
0xe5: {  	[tilespmem:v29+s18+$0x0] =	vst.idx.msk $0xffff, v28  }
0xe6: {  	s28 =	sadd.s32 $0xFFFFFFFC, s25;
	v30 =	vadd.s32 v3, v27;
	v29 =	vld [tilespmem:s24+$0x40]  }
0xe7: {  	v28 =	vmov s28  }
0xe8: {  	v28 =	vshrl.u32 v28, $0x3  }
0xe9: {  	v28 =	vshll.u32 v28, v1  }
0xea: {  	v28 =	vbroadcast v28, $0x0  }
0xeb: {  	[tilespmem:v30+s18+$0x0] =	vst.idx.msk $0xffff, v29  }
0xec: {  	s28 =	sadd.s32 $0xFFFFFFFD, s25;
	v31 =	vadd.s32 v4, v28;
	v30 =	vld [tilespmem:s24+$0x60]  }
0xed: {  	v29 =	vmov s28  }
0xee: {  	v29 =	vshrl.u32 v29, $0x3  }
0xef: {  	v29 =	vshll.u32 v29, v1  }
0xf0: {  	v29 =	vbroadcast v29, $0x0  }
0xf1: {  	[tilespmem:v31+s18+$0x0] =	vst.idx.msk $0xffff, v30  }
0xf2: {  	s28 =	sadd.s32 $0xFFFFFFFE, s25;
	v32 =	vadd.s32 v5, v29;
	v31 =	vld [tilespmem:s24+$0x80]  }
0xf3: {  	v30 =	vmov s28  }
0xf4: {  	v30 =	vshrl.u32 v30, $0x3  }
0xf5: {  	v30 =	vshll.u32 v30, v1  }
0xf6: {  	v30 =	vbroadcast v30, $0x0  }
0xf7: {  	[tilespmem:v32+s18+$0x0] =	vst.idx.msk $0xffff, v31  }
0xf8: {  	s28 =	sadd.s32 $0xFFFFFFFF, s25;
	v33 =	vadd.s32 v6, v30;
	v32 =	vld [tilespmem:s24+$0xA0]  }
0xf9: {  	v31 =	vmov s28  }
0xfa: {  	v31 =	vshrl.u32 v31, $0x3  }
0xfb: {  	v31 =	vshll.u32 v31, v1  }
0xfc: {  	v31 =	vbroadcast v31, $0x0  }
0xfd: {  	[tilespmem:v33+s18+$0x0] =	vst.idx.msk $0xffff, v32  }
0xfe: {  	v34 =	vadd.s32 v7, v31;
	v33 =	vld [tilespmem:s24+$0xC0]  }
0xff: {  	v32 =	vmov s25;
	s25 =	smov.u32 s26  }
0x100: {  	v32 =	vshrl.u32 v32, $0x3  }
0x101: {  	v32 =	vshll.u32 v32, v1  }
0x102: {  	v32 =	vbroadcast v32, $0x0  }
0x103: {  	[tilespmem:v34+s18+$0x0] =	vst.idx.msk $0xffff, v33  }
0x104: {  	v34 =	vadd.s32 v8, v32;
	v33 =	vld [tilespmem:s24+$0xE0];
	_ =	sdelay $0x4  }
0x105: {  	[tilespmem:v34+s18+$0x0] =	vst.idx.msk $0xffff, v33  }
0x106: {  	v17 =	vadd.s32 v9, v17;
	v33 =	vld [tilespmem:s24+$0xFFFFFF10];
	_ =	sdelay $0x4  }
0x107: {  	[tilespmem:v17+s18+$0x0] =	vst.idx.msk $0xffff, v33  }
0x108: {  	v18 =	vadd.s32 v10, v18;
	v17 =	vld [tilespmem:s24+$0xFFFFFF30];
	_ =	sdelay $0x4  }
0x109: {  	[tilespmem:v18+s18+$0x0] =	vst.idx.msk $0xffff, v17  }
0x10a: {  	v18 =	vadd.s32 v11, v19;
	v17 =	vld [tilespmem:s24+$0xFFFFFF50];
	_ =	sdelay $0x4  }
0x10b: {  	[tilespmem:v18+s18+$0x0] =	vst.idx.msk $0xffff, v17  }
0x10c: {  	v18 =	vadd.s32 v12, v20;
	v17 =	vld [tilespmem:s24+$0xFFFFFF70];
	_ =	sdelay $0x4  }
0x10d: {  	[tilespmem:v18+s18+$0x0] =	vst.idx.msk $0xffff, v17  }
0x10e: {  	v18 =	vadd.s32 v13, v21;
	v17 =	vld [tilespmem:s24+$0xFFFFFF90];
	_ =	sdelay $0x4  }
0x10f: {  	[tilespmem:v18+s18+$0x0] =	vst.idx.msk $0xffff, v17  }
0x110: {  	v18 =	vadd.s32 v14, v22;
	v17 =	vld [tilespmem:s24+$0xFFFFFFB0];
	_ =	sdelay $0x4  }
0x111: {  	[tilespmem:v18+s18+$0x0] =	vst.idx.msk $0xffff, v17  }
0x112: {  	v18 =	vadd.s32 v15, v23;
	v17 =	vld [tilespmem:s24+$0xFFFFFFD0];
	_ =	sdelay $0x4  }
0x113: {  	[tilespmem:v18+s18+$0x0] =	vst.idx.msk $0xffff, v17  }
0x114: {  	v18 =	vadd.s32 v16, v24;
	v17 =	vld [tilespmem:s24+$0xFFFFFFF0];
	_ =	sdelay $0x4  }
0x115: {  	[tilespmem:v18+s18+$0x0] =	vst.idx.msk $0xffff, v17  }
0x116: {  	v18 =	vadd.s32 v9, v25;
	v17 =	vld [tilespmem:s24+$0x10];
	_ =	sdelay $0x4  }
0x117: {  	[tilespmem:v18+s18+$0x0] =	vst.idx.msk $0xffff, v17  }
0x118: {  	v18 =	vadd.s32 v10, v26;
	v17 =	vld [tilespmem:s24+$0x30];
	_ =	sdelay $0x4  }
0x119: {  	[tilespmem:v18+s18+$0x0] =	vst.idx.msk $0xffff, v17  }
0x11a: {  	v18 =	vadd.s32 v11, v27;
	v17 =	vld [tilespmem:s24+$0x50];
	_ =	sdelay $0x4  }
0x11b: {  	[tilespmem:v18+s18+$0x0] =	vst.idx.msk $0xffff, v17  }
0x11c: {  	v18 =	vadd.s32 v12, v28;
	v17 =	vld [tilespmem:s24+$0x70];
	_ =	sdelay $0x4  }
0x11d: {  	[tilespmem:v18+s18+$0x0] =	vst.idx.msk $0xffff, v17  }
0x11e: {  	v18 =	vadd.s32 v13, v29;
	v17 =	vld [tilespmem:s24+$0x90];
	_ =	sdelay $0x4  }
0x11f: {  	[tilespmem:v18+s18+$0x0] =	vst.idx.msk $0xffff, v17  }
0x120: {  	v18 =	vadd.s32 v14, v30;
	v17 =	vld [tilespmem:s24+$0xB0];
	_ =	sdelay $0x4  }
0x121: {  	[tilespmem:v18+s18+$0x0] =	vst.idx.msk $0xffff, v17  }
0x122: {  	v18 =	vadd.s32 v15, v31;
	v17 =	vld [tilespmem:s24+$0xD0];
	_ =	sdelay $0x1  }
.Ltmp2:
0x123: {  	(pc) =	sbr.rel @p0 .LBB2_7-.Ltmp2, $3  }
0x124: {  	_ =	sdelay $0x1  }
0x125: {  	[tilespmem:v18+s18+$0x0] =	vst.idx.msk $0xffff, v17  }
0x126: {  	s26 =	sadd.s32 $0x10, s26;
	s28 =	sadd.s32 $0xFFFFFFF1, s25;
	v19 =	vadd.s32 v16, v32;
	v18 =	vld [tilespmem:s24+$0xF0]  }
0x127: {  	v17 =	vmov s28  }
0x128: {  	v17 =	vshrl.u32 v17, $0x3  }
0x129: {  	v17 =	vshll.u32 v17, v1  }
0x12a: {  	v17 =	vbroadcast v17, $0x0  }
0x12b: {  	s24 =	sadd.s32 $0x200, s24;
	[tilespmem:v19+s18+$0x0] =	vst.idx.msk $0xffff, v18  }
0x12c: {  	s26 =	sadd.s32 $0xFFFFFFF2, s25;
	v18 =	vld [tilespmem:s24+$0xFFFFFF00];
	v19 =	vadd.s32 v0, v17  }
0x12d: {  	v20 =	vmov s26  }
0x12e: {  	v20 =	vshrl.u32 v20, $0x3  }
0x12f: {  	v20 =	vshll.u32 v20, v1  }
0x130: {  	v20 =	vbroadcast v20, $0x0  }
0x131: {  	[tilespmem:v19+s18+$0x0] =	vst.idx.msk $0xffff, v18  }
0x132: {  	s31 =	sadd.s32 $0xFFFFFFF3, s25;
	v19 =	vadd.s32 v2, v20;
	v18 =	vld [tilespmem:s24+$0xFFFFFF20]  }
0x133: {  	v21 =	vmov s31  }
0x134: {  	v21 =	vshrl.u32 v21, $0x3  }
0x135: {  	v21 =	vshll.u32 v21, v1  }
0x136: {  	v21 =	vbroadcast v21, $0x0  }
0x137: {  	[tilespmem:v19+s18+$0x0] =	vst.idx.msk $0xffff, v18  }
0x138: {  	s31 =	sadd.s32 $0xFFFFFFF4, s25;
	v19 =	vadd.s32 v3, v21;
	v18 =	vld [tilespmem:s24+$0xFFFFFF40]  }
0x139: {  	v22 =	vmov s31  }
0x13a: {  	v22 =	vshrl.u32 v22, $0x3  }
0x13b: {  	v22 =	vshll.u32 v22, v1  }
0x13c: {  	v22 =	vbroadcast v22, $0x0  }
0x13d: {  	[tilespmem:v19+s18+$0x0] =	vst.idx.msk $0xffff, v18  }
0x13e: {  	s31 =	sadd.s32 $0xFFFFFFF5, s25;
	v19 =	vadd.s32 v4, v22;
	v18 =	vld [tilespmem:s24+$0xFFFFFF60]  }
0x13f: {  	v23 =	vmov s31  }
0x140: {  	v23 =	vshrl.u32 v23, $0x3  }
0x141: {  	v23 =	vshll.u32 v23, v1  }
0x142: {  	v23 =	vbroadcast v23, $0x0  }
0x143: {  	[tilespmem:v19+s18+$0x0] =	vst.idx.msk $0xffff, v18  }
0x144: {  	s31 =	sadd.s32 $0xFFFFFFF6, s25;
	v19 =	vadd.s32 v5, v23;
	v18 =	vld [tilespmem:s24+$0xFFFFFF80]  }
0x145: {  	v24 =	vmov s31  }
0x146: {  	v24 =	vshrl.u32 v24, $0x3  }
0x147: {  	v24 =	vshll.u32 v24, v1  }
0x148: {  	v24 =	vbroadcast v24, $0x0  }
0x149: {  	[tilespmem:v19+s18+$0x0] =	vst.idx.msk $0xffff, v18  }
0x14a: {  	s31 =	sadd.s32 $0xFFFFFFF7, s25;
	v19 =	vadd.s32 v6, v24;
	v18 =	vld [tilespmem:s24+$0xFFFFFFA0]  }
0x14b: {  	v25 =	vmov s31  }
0x14c: {  	v25 =	vshrl.u32 v25, $0x3  }
0x14d: {  	v25 =	vshll.u32 v25, v1  }
0x14e: {  	v25 =	vbroadcast v25, $0x0  }
0x14f: {  	[tilespmem:v19+s18+$0x0] =	vst.idx.msk $0xffff, v18  }
0x150: {  	s31 =	sadd.s32 $0xFFFFFFF8, s25;
	v19 =	vadd.s32 v7, v25;
	v18 =	vld [tilespmem:s24+$0xFFFFFFC0]  }
0x151: {  	v26 =	vmov s31  }
0x152: {  	v26 =	vshrl.u32 v26, $0x3  }
0x153: {  	v26 =	vshll.u32 v26, v1  }
0x154: {  	v26 =	vbroadcast v26, $0x0  }
0x155: {  	[tilespmem:v19+s18+$0x0] =	vst.idx.msk $0xffff, v18  }
0x156: {  	s31 =	sadd.s32 $0xFFFFFFF9, s25;
	v19 =	vadd.s32 v8, v26;
	v18 =	vld [tilespmem:s24+$0xFFFFFFE0]  }
0x157: {  	v27 =	vmov s31  }
0x158: {  	v27 =	vshrl.u32 v27, $0x3  }
0x159: {  	v27 =	vshll.u32 v27, v1  }
0x15a: {  	v27 =	vbroadcast v27, $0x0  }
0x15b: {  	[tilespmem:v19+s18+$0x0] =	vst.idx.msk $0xffff, v18  }
0x15c: {  	s31 =	sadd.s32 $0xFFFFFFFA, s25;
	v19 =	vadd.s32 v0, v27;
	v18 =	vld [tilespmem:s24+$0x0]  }
0x15d: {  	v28 =	vmov s31  }
0x15e: {  	v28 =	vshrl.u32 v28, $0x3  }
0x15f: {  	v28 =	vshll.u32 v28, v1  }
0x160: {  	v28 =	vbroadcast v28, $0x0  }
0x161: {  	[tilespmem:v19+s18+$0x0] =	vst.idx.msk $0xffff, v18  }
0x162: {  	s31 =	sadd.s32 $0xFFFFFFFB, s25;
	v19 =	vadd.s32 v2, v28;
	v18 =	vld [tilespmem:s24+$0x20]  }
0x163: {  	v29 =	vmov s31  }
0x164: {  	v29 =	vshrl.u32 v29, $0x3  }
0x165: {  	v29 =	vshll.u32 v29, v1  }
0x166: {  	v29 =	vbroadcast v29, $0x0  }
0x167: {  	[tilespmem:v19+s18+$0x0] =	vst.idx.msk $0xffff, v18  }
0x168: {  	s31 =	sadd.s32 $0xFFFFFFFC, s25;
	v19 =	vadd.s32 v3, v29;
	v18 =	vld [tilespmem:s24+$0x40]  }
0x169: {  	v30 =	vmov s31  }
0x16a: {  	v30 =	vshrl.u32 v30, $0x3  }
0x16b: {  	v30 =	vshll.u32 v30, v1  }
0x16c: {  	v30 =	vbroadcast v30, $0x0  }
0x16d: {  	[tilespmem:v19+s18+$0x0] =	vst.idx.msk $0xffff, v18  }
0x16e: {  	s31 =	sadd.s32 $0xFFFFFFFD, s25;
	v19 =	vadd.s32 v4, v30;
	v18 =	vld [tilespmem:s24+$0x60]  }
0x16f: {  	v31 =	vmov s31  }
0x170: {  	v31 =	vshrl.u32 v31, $0x3  }
0x171: {  	v31 =	vshll.u32 v31, v1  }
0x172: {  	v31 =	vbroadcast v31, $0x0  }
0x173: {  	[tilespmem:v19+s18+$0x0] =	vst.idx.msk $0xffff, v18  }
0x174: {  	s31 =	sadd.s32 $0xFFFFFFFE, s25;
	v19 =	vadd.s32 v5, v31;
	v18 =	vld [tilespmem:s24+$0x80]  }
0x175: {  	v32 =	vmov s31  }
0x176: {  	v32 =	vshrl.u32 v32, $0x3  }
0x177: {  	v32 =	vshll.u32 v32, v1  }
0x178: {  	v32 =	vbroadcast v32, $0x0  }
0x179: {  	[tilespmem:v19+s18+$0x0] =	vst.idx.msk $0xffff, v18  }
0x17a: {  	s31 =	sadd.s32 $0xFFFFFFFF, s25;
	v19 =	vadd.s32 v6, v32;
	v18 =	vld [tilespmem:s24+$0xA0]  }
0x17b: {  	v33 =	vmov s31  }
0x17c: {  	v33 =	vshrl.u32 v33, $0x3  }
0x17d: {  	v33 =	vshll.u32 v33, v1  }
0x17e: {  	v33 =	vbroadcast v33, $0x0  }
0x17f: {  	[tilespmem:v19+s18+$0x0] =	vst.idx.msk $0xffff, v18  }
0x180: {  	v19 =	vadd.s32 v7, v33;
	v18 =	vld [tilespmem:s24+$0xC0]  }
0x181: {  	v34 =	vmov s25  }
0x182: {  	v34 =	vshrl.u32 v34, $0x3  }
0x183: {  	v34 =	vshll.u32 v34, v1  }
0x184: {  	v34 =	vbroadcast v34, $0x0  }
0x185: {  	[tilespmem:v19+s18+$0x0] =	vst.idx.msk $0xffff, v18  }
0x186: {  	v19 =	vadd.s32 v8, v34;
	v18 =	vld [tilespmem:s24+$0xE0];
	_ =	sdelay $0x4  }
0x187: {  	[tilespmem:v19+s18+$0x0] =	vst.idx.msk $0xffff, v18  }
0x188: {  	v17 =	vadd.s32 v9, v17;
	v18 =	vld [tilespmem:s24+$0xFFFFFF10];
	_ =	sdelay $0x4  }
0x189: {  	[tilespmem:v17+s18+$0x0] =	vst.idx.msk $0xffff, v18  }
0x18a: {  	v18 =	vadd.s32 v10, v20;
	v17 =	vld [tilespmem:s24+$0xFFFFFF30];
	_ =	sdelay $0x4  }
0x18b: {  	[tilespmem:v18+s18+$0x0] =	vst.idx.msk $0xffff, v17  }
0x18c: {  	v18 =	vadd.s32 v11, v21;
	v17 =	vld [tilespmem:s24+$0xFFFFFF50];
	_ =	sdelay $0x4  }
0x18d: {  	[tilespmem:v18+s18+$0x0] =	vst.idx.msk $0xffff, v17  }
0x18e: {  	v18 =	vadd.s32 v12, v22;
	v17 =	vld [tilespmem:s24+$0xFFFFFF70];
	_ =	sdelay $0x4  }
0x18f: {  	[tilespmem:v18+s18+$0x0] =	vst.idx.msk $0xffff, v17  }
0x190: {  	v18 =	vadd.s32 v13, v23;
	v17 =	vld [tilespmem:s24+$0xFFFFFF90];
	_ =	sdelay $0x4  }
0x191: {  	[tilespmem:v18+s18+$0x0] =	vst.idx.msk $0xffff, v17  }
0x192: {  	v18 =	vadd.s32 v14, v24;
	v17 =	vld [tilespmem:s24+$0xFFFFFFB0];
	_ =	sdelay $0x4  }
0x193: {  	[tilespmem:v18+s18+$0x0] =	vst.idx.msk $0xffff, v17  }
0x194: {  	v18 =	vadd.s32 v15, v25;
	v17 =	vld [tilespmem:s24+$0xFFFFFFD0];
	_ =	sdelay $0x4  }
0x195: {  	[tilespmem:v18+s18+$0x0] =	vst.idx.msk $0xffff, v17  }
0x196: {  	v18 =	vadd.s32 v16, v26;
	v17 =	vld [tilespmem:s24+$0xFFFFFFF0];
	_ =	sdelay $0x4  }
0x197: {  	[tilespmem:v18+s18+$0x0] =	vst.idx.msk $0xffff, v17  }
0x198: {  	v18 =	vadd.s32 v9, v27;
	v17 =	vld [tilespmem:s24+$0x10];
	_ =	sdelay $0x4  }
0x199: {  	[tilespmem:v18+s18+$0x0] =	vst.idx.msk $0xffff, v17  }
0x19a: {  	v18 =	vadd.s32 v10, v28;
	v17 =	vld [tilespmem:s24+$0x30];
	_ =	sdelay $0x4  }
0x19b: {  	[tilespmem:v18+s18+$0x0] =	vst.idx.msk $0xffff, v17  }
0x19c: {  	v18 =	vadd.s32 v11, v29;
	v17 =	vld [tilespmem:s24+$0x50];
	_ =	sdelay $0x4  }
0x19d: {  	[tilespmem:v18+s18+$0x0] =	vst.idx.msk $0xffff, v17  }
0x19e: {  	v18 =	vadd.s32 v12, v30;
	v17 =	vld [tilespmem:s24+$0x70];
	_ =	sdelay $0x4  }
0x19f: {  	[tilespmem:v18+s18+$0x0] =	vst.idx.msk $0xffff, v17  }
0x1a0: {  	v18 =	vadd.s32 v13, v31;
	v17 =	vld [tilespmem:s24+$0x90];
	_ =	sdelay $0x4  }
0x1a1: {  	[tilespmem:v18+s18+$0x0] =	vst.idx.msk $0xffff, v17  }
0x1a2: {  	v18 =	vadd.s32 v14, v32;
	v17 =	vld [tilespmem:s24+$0xB0];
	_ =	sdelay $0x4  }
0x1a3: {  	[tilespmem:v18+s18+$0x0] =	vst.idx.msk $0xffff, v17  }
0x1a4: {  	v18 =	vadd.s32 v15, v33;
	v17 =	vld [tilespmem:s24+$0xD0];
	_ =	sdelay $0x4  }
0x1a5: {  	[tilespmem:v18+s18+$0x0] =	vst.idx.msk $0xffff, v17  }
0x1a6: {  	v18 =	vadd.s32 v16, v34;
	v17 =	vld [tilespmem:s24+$0xF0]  }
0x1a7: {  	s31 =	sshll.u32 s23, $0x14  }
0x1a8: {  	s24 =	sor.u32 s3, s31  }
0x1a9: {  	s24 =	sshrl.u32 s24, $0x3  }
0x1aa: {  	s28 =	simm.s32 $0x800;
	s25 =	sadd.s32 s4, s24  }
0x1ab: {  	s29 =	simm.s32 $0xE608;
	s26 =	simm.s32 $0xE400;
	s30 =	sadd.s32 $0x0, s25;
	[tilespmem:v18+s18+$0x0] =	vst.idx.msk $0xffff, v17  }
.LBB2_9:
0x1ac: {  	[hbm4b:s30+s2] =	stream.linear.scatter [tilespmem:s26], [sflag:$0x3], $0x200, $0x38;
	[tilespmem:$0x16600] =	vst v63  }
0x1ad: {  	s30 =	smov.u32 s28;
	s26 =	smov.u32 s29;
	p0 =	sne.s32 s28, $0xF800  }
.Ltmp3:
0x1ae: {  	s28 =	sadd.s32 $0x800, s28;
	(pc) =	sbr.rel @p0 .LBB2_9-.Ltmp3, $2  }
0x1af: {  	_ =	sdelay $0x2  }
0x1b0: {  	s29 =	sadd.s32 $0x208, s29;
	s30 =	sadd.s32 s30, s25  }
0x1b1: {  	[hbm4b:s30+s2] =	stream.linear.scatter [tilespmem:s26], [sflag:$0x3], $0x200, $0x38;
	[tilespmem:$0x16600] =	vst v63  }
0x1b2: {  	s25 =	sshll.u32 s23, $0xA  }
0x1b3: {  	s25 =	sand.u32 $0x3FFFFC00, s25  }
0x1b4: {  	s31 =	sadd.s32 $0x400, s25  }
0x1b5: {  	[tilespmem:s14], [sflag:$0x1] =	stream.indirect.gather [hbm4b:s5+s11], $0x20, s31, s11, $0xb8;
	[tilespmem:$0x16600] =	vst v63  }
0x1b6: {  	s31 =	simm.s32 $0x0;
	_ =	swait.ge [sflag:s19], $0x4000  }
0x1b7: {  	v17 =	vmov s31;
	[sflag:s19] =	ssyncset.done $0x0  }
0x1b8: {  	v17 =	vshrl.u32 v17, $0x3;
	[sflag:s19] =	ssyncadd.s32 $0xFFFFC000  }
0x1b9: {  	v17 =	vshll.u32 v17, v1;
	_ =	swait.ge [sflag:s20], $0x4000  }
0x1ba: {  	v17 =	vbroadcast v17, $0x0;
	[sflag:s20] =	ssyncset.done $0x0  }
0x1bb: {  	s26 =	simm.s32 $0xA500;
	[sflag:s20] =	ssyncadd.s32 $0xFFFFC000  }
0x1bc: {  	s28 =	simm.s32 $0x1;
	v19 =	vadd.s32 v0, v17;
	v18 =	vld [tilespmem:s26+$0xFFFFFF00]  }
0x1bd: {  	v20 =	vmov s28  }
0x1be: {  	v20 =	vshrl.u32 v20, $0x3  }
0x1bf: {  	v20 =	vshll.u32 v20, v1  }
0x1c0: {  	v20 =	vbroadcast v20, $0x0  }
0x1c1: {  	[tilespmem:v19+s21+$0x0] =	vst.idx.msk $0xffff, v18  }
0x1c2: {  	s28 =	simm.s32 $0x2;
	v19 =	vadd.s32 v2, v20;
	v18 =	vld [tilespmem:s26+$0xFFFFFF20]  }
0x1c3: {  	v21 =	vmov s28  }
0x1c4: {  	v21 =	vshrl.u32 v21, $0x3  }
0x1c5: {  	v21 =	vshll.u32 v21, v1  }
0x1c6: {  	v21 =	vbroadcast v21, $0x0  }
0x1c7: {  	[tilespmem:v19+s21+$0x0] =	vst.idx.msk $0xffff, v18  }
0x1c8: {  	s28 =	simm.s32 $0x3;
	v19 =	vadd.s32 v3, v21;
	v18 =	vld [tilespmem:s26+$0xFFFFFF40]  }
0x1c9: {  	v22 =	vmov s28  }
0x1ca: {  	v22 =	vshrl.u32 v22, $0x3  }
0x1cb: {  	v22 =	vshll.u32 v22, v1  }
0x1cc: {  	v22 =	vbroadcast v22, $0x0  }
0x1cd: {  	[tilespmem:v19+s21+$0x0] =	vst.idx.msk $0xffff, v18  }
0x1ce: {  	s28 =	simm.s32 $0x4;
	v19 =	vadd.s32 v4, v22;
	v18 =	vld [tilespmem:s26+$0xFFFFFF60]  }
0x1cf: {  	v23 =	vmov s28  }
0x1d0: {  	v23 =	vshrl.u32 v23, $0x3  }
0x1d1: {  	v23 =	vshll.u32 v23, v1  }
0x1d2: {  	v23 =	vbroadcast v23, $0x0  }
0x1d3: {  	[tilespmem:v19+s21+$0x0] =	vst.idx.msk $0xffff, v18  }
0x1d4: {  	s28 =	simm.s32 $0x5;
	v19 =	vadd.s32 v5, v23;
	v18 =	vld [tilespmem:s26+$0xFFFFFF80]  }
0x1d5: {  	v24 =	vmov s28  }
0x1d6: {  	v24 =	vshrl.u32 v24, $0x3  }
0x1d7: {  	v24 =	vshll.u32 v24, v1  }
0x1d8: {  	v24 =	vbroadcast v24, $0x0  }
0x1d9: {  	[tilespmem:v19+s21+$0x0] =	vst.idx.msk $0xffff, v18  }
0x1da: {  	s28 =	simm.s32 $0x6;
	v19 =	vadd.s32 v6, v24;
	v18 =	vld [tilespmem:s26+$0xFFFFFFA0]  }
0x1db: {  	v25 =	vmov s28  }
0x1dc: {  	v25 =	vshrl.u32 v25, $0x3  }
0x1dd: {  	v25 =	vshll.u32 v25, v1  }
0x1de: {  	v25 =	vbroadcast v25, $0x0  }
0x1df: {  	[tilespmem:v19+s21+$0x0] =	vst.idx.msk $0xffff, v18  }
0x1e0: {  	s28 =	simm.s32 $0x7;
	v19 =	vadd.s32 v7, v25;
	v18 =	vld [tilespmem:s26+$0xFFFFFFC0]  }
0x1e1: {  	v26 =	vmov s28  }
0x1e2: {  	v26 =	vshrl.u32 v26, $0x3  }
0x1e3: {  	v26 =	vshll.u32 v26, v1  }
0x1e4: {  	v26 =	vbroadcast v26, $0x0  }
0x1e5: {  	[tilespmem:v19+s21+$0x0] =	vst.idx.msk $0xffff, v18  }
0x1e6: {  	s28 =	simm.s32 $0x8;
	v19 =	vadd.s32 v8, v26;
	v18 =	vld [tilespmem:s26+$0xFFFFFFE0]  }
0x1e7: {  	v27 =	vmov s28  }
0x1e8: {  	v27 =	vshrl.u32 v27, $0x3  }
0x1e9: {  	v27 =	vshll.u32 v27, v1  }
0x1ea: {  	v27 =	vbroadcast v27, $0x0  }
0x1eb: {  	[tilespmem:v19+s21+$0x0] =	vst.idx.msk $0xffff, v18  }
0x1ec: {  	s28 =	simm.s32 $0x9;
	v19 =	vadd.s32 v0, v27;
	v18 =	vld [tilespmem:s26+$0x0]  }
0x1ed: {  	v28 =	vmov s28  }
0x1ee: {  	v28 =	vshrl.u32 v28, $0x3  }
0x1ef: {  	v28 =	vshll.u32 v28, v1  }
0x1f0: {  	v28 =	vbroadcast v28, $0x0  }
0x1f1: {  	[tilespmem:v19+s21+$0x0] =	vst.idx.msk $0xffff, v18  }
0x1f2: {  	s28 =	simm.s32 $0xA;
	v19 =	vadd.s32 v2, v28;
	v18 =	vld [tilespmem:s26+$0x20]  }
0x1f3: {  	v29 =	vmov s28  }
0x1f4: {  	v29 =	vshrl.u32 v29, $0x3  }
0x1f5: {  	v29 =	vshll.u32 v29, v1  }
0x1f6: {  	v29 =	vbroadcast v29, $0x0  }
0x1f7: {  	[tilespmem:v19+s21+$0x0] =	vst.idx.msk $0xffff, v18  }
0x1f8: {  	s28 =	simm.s32 $0xB;
	v19 =	vadd.s32 v3, v29;
	v18 =	vld [tilespmem:s26+$0x40]  }
0x1f9: {  	v30 =	vmov s28  }
0x1fa: {  	v30 =	vshrl.u32 v30, $0x3  }
0x1fb: {  	v30 =	vshll.u32 v30, v1  }
0x1fc: {  	v30 =	vbroadcast v30, $0x0  }
0x1fd: {  	[tilespmem:v19+s21+$0x0] =	vst.idx.msk $0xffff, v18  }
0x1fe: {  	s28 =	simm.s32 $0xC;
	v19 =	vadd.s32 v4, v30;
	v18 =	vld [tilespmem:s26+$0x60]  }
0x1ff: {  	v31 =	vmov s28  }
0x200: {  	v31 =	vshrl.u32 v31, $0x3  }
0x201: {  	v31 =	vshll.u32 v31, v1  }
0x202: {  	v31 =	vbroadcast v31, $0x0  }
0x203: {  	[tilespmem:v19+s21+$0x0] =	vst.idx.msk $0xffff, v18  }
0x204: {  	s28 =	simm.s32 $0xD;
	v19 =	vadd.s32 v5, v31;
	v18 =	vld [tilespmem:s26+$0x80]  }
0x205: {  	v32 =	vmov s28  }
0x206: {  	v32 =	vshrl.u32 v32, $0x3  }
0x207: {  	v32 =	vshll.u32 v32, v1  }
0x208: {  	v32 =	vbroadcast v32, $0x0  }
0x209: {  	[tilespmem:v19+s21+$0x0] =	vst.idx.msk $0xffff, v18  }
0x20a: {  	s28 =	simm.s32 $0xE;
	v19 =	vadd.s32 v6, v32;
	v18 =	vld [tilespmem:s26+$0xA0]  }
0x20b: {  	v33 =	vmov s28  }
0x20c: {  	v33 =	vshrl.u32 v33, $0x3  }
0x20d: {  	v33 =	vshll.u32 v33, v1  }
0x20e: {  	v33 =	vbroadcast v33, $0x0  }
0x20f: {  	[tilespmem:v19+s21+$0x0] =	vst.idx.msk $0xffff, v18  }
0x210: {  	s28 =	simm.s32 $0xF;
	v19 =	vadd.s32 v7, v33;
	v18 =	vld [tilespmem:s26+$0xC0]  }
0x211: {  	v34 =	vmov s28  }
0x212: {  	v34 =	vshrl.u32 v34, $0x3  }
0x213: {  	v34 =	vshll.u32 v34, v1  }
0x214: {  	v34 =	vbroadcast v34, $0x0  }
0x215: {  	[tilespmem:v19+s21+$0x0] =	vst.idx.msk $0xffff, v18  }
0x216: {  	v19 =	vadd.s32 v8, v34;
	v18 =	vld [tilespmem:s26+$0xE0];
	_ =	sdelay $0x4  }
0x217: {  	[tilespmem:v19+s21+$0x0] =	vst.idx.msk $0xffff, v18  }
0x218: {  	v17 =	vadd.s32 v9, v17;
	v18 =	vld [tilespmem:s26+$0xFFFFFF10];
	_ =	sdelay $0x4  }
0x219: {  	[tilespmem:v17+s21+$0x0] =	vst.idx.msk $0xffff, v18  }
0x21a: {  	v18 =	vadd.s32 v10, v20;
	v17 =	vld [tilespmem:s26+$0xFFFFFF30];
	_ =	sdelay $0x4  }
0x21b: {  	[tilespmem:v18+s21+$0x0] =	vst.idx.msk $0xffff, v17  }
0x21c: {  	v18 =	vadd.s32 v11, v21;
	v17 =	vld [tilespmem:s26+$0xFFFFFF50];
	_ =	sdelay $0x4  }
0x21d: {  	[tilespmem:v18+s21+$0x0] =	vst.idx.msk $0xffff, v17  }
0x21e: {  	v18 =	vadd.s32 v12, v22;
	v17 =	vld [tilespmem:s26+$0xFFFFFF70];
	_ =	sdelay $0x4  }
0x21f: {  	[tilespmem:v18+s21+$0x0] =	vst.idx.msk $0xffff, v17  }
0x220: {  	v18 =	vadd.s32 v13, v23;
	v17 =	vld [tilespmem:s26+$0xFFFFFF90];
	_ =	sdelay $0x4  }
0x221: {  	[tilespmem:v18+s21+$0x0] =	vst.idx.msk $0xffff, v17  }
0x222: {  	v18 =	vadd.s32 v14, v24;
	v17 =	vld [tilespmem:s26+$0xFFFFFFB0];
	_ =	sdelay $0x4  }
0x223: {  	[tilespmem:v18+s21+$0x0] =	vst.idx.msk $0xffff, v17  }
0x224: {  	v18 =	vadd.s32 v15, v25;
	v17 =	vld [tilespmem:s26+$0xFFFFFFD0];
	_ =	sdelay $0x4  }
0x225: {  	[tilespmem:v18+s21+$0x0] =	vst.idx.msk $0xffff, v17  }
0x226: {  	v18 =	vadd.s32 v16, v26;
	v17 =	vld [tilespmem:s26+$0xFFFFFFF0];
	_ =	sdelay $0x4  }
0x227: {  	[tilespmem:v18+s21+$0x0] =	vst.idx.msk $0xffff, v17  }
0x228: {  	v18 =	vadd.s32 v9, v27;
	v17 =	vld [tilespmem:s26+$0x10];
	_ =	sdelay $0x4  }
0x229: {  	[tilespmem:v18+s21+$0x0] =	vst.idx.msk $0xffff, v17  }
0x22a: {  	v18 =	vadd.s32 v10, v28;
	v17 =	vld [tilespmem:s26+$0x30];
	_ =	sdelay $0x4  }
0x22b: {  	[tilespmem:v18+s21+$0x0] =	vst.idx.msk $0xffff, v17  }
0x22c: {  	v18 =	vadd.s32 v11, v29;
	v17 =	vld [tilespmem:s26+$0x50];
	_ =	sdelay $0x4  }
0x22d: {  	[tilespmem:v18+s21+$0x0] =	vst.idx.msk $0xffff, v17  }
0x22e: {  	v18 =	vadd.s32 v12, v30;
	v17 =	vld [tilespmem:s26+$0x70];
	_ =	sdelay $0x4  }
0x22f: {  	[tilespmem:v18+s21+$0x0] =	vst.idx.msk $0xffff, v17  }
0x230: {  	v18 =	vadd.s32 v13, v31;
	v17 =	vld [tilespmem:s26+$0x90];
	_ =	sdelay $0x4  }
0x231: {  	[tilespmem:v18+s21+$0x0] =	vst.idx.msk $0xffff, v17  }
0x232: {  	v18 =	vadd.s32 v14, v32;
	v17 =	vld [tilespmem:s26+$0xB0];
	_ =	sdelay $0x4  }
0x233: {  	[tilespmem:v18+s21+$0x0] =	vst.idx.msk $0xffff, v17  }
0x234: {  	v18 =	vadd.s32 v15, v33;
	v17 =	vld [tilespmem:s26+$0xD0];
	_ =	sdelay $0x4  }
0x235: {  	[tilespmem:v18+s21+$0x0] =	vst.idx.msk $0xffff, v17  }
0x236: {  	s30 =	simm.s32 $0x10;
	s29 =	simm.s32 $0x2F;
	s28 =	simm.s32 $0x1F;
	v19 =	vadd.s32 v16, v34;
	v18 =	vld [tilespmem:s26+$0xF0]  }
.LBB2_11:
0x237: {  	p0 =	sne.s32 s29, $0x1FF;
	v17 =	vmov s30  }
0x238: {  	v17 =	vshrl.u32 v17, $0x3  }
0x239: {  	v17 =	vshll.u32 v17, v1  }
0x23a: {  	v17 =	vbroadcast v17, $0x0  }
0x23b: {  	s26 =	sadd.s32 $0x200, s26;
	[tilespmem:v19+s21+$0x0] =	vst.idx.msk $0xffff, v18  }
0x23c: {  	s30 =	sadd.s32 $0xFFFFFFF2, s28;
	v19 =	vld [tilespmem:s26+$0xFFFFFF00];
	v20 =	vadd.s32 v0, v17  }
0x23d: {  	v18 =	vmov s30  }
0x23e: {  	v18 =	vshrl.u32 v18, $0x3  }
0x23f: {  	v18 =	vshll.u32 v18, v1  }
0x240: {  	v18 =	vbroadcast v18, $0x0  }
0x241: {  	[tilespmem:v20+s21+$0x0] =	vst.idx.msk $0xffff, v19  }
0x242: {  	s30 =	sadd.s32 $0xFFFFFFF3, s28;
	v21 =	vadd.s32 v2, v18;
	v20 =	vld [tilespmem:s26+$0xFFFFFF20]  }
0x243: {  	v19 =	vmov s30  }
0x244: {  	v19 =	vshrl.u32 v19, $0x3  }
0x245: {  	v19 =	vshll.u32 v19, v1  }
0x246: {  	v19 =	vbroadcast v19, $0x0  }
0x247: {  	[tilespmem:v21+s21+$0x0] =	vst.idx.msk $0xffff, v20  }
0x248: {  	s30 =	sadd.s32 $0xFFFFFFF4, s28;
	v22 =	vadd.s32 v3, v19;
	v21 =	vld [tilespmem:s26+$0xFFFFFF40]  }
0x249: {  	v20 =	vmov s30  }
0x24a: {  	v20 =	vshrl.u32 v20, $0x3  }
0x24b: {  	v20 =	vshll.u32 v20, v1  }
0x24c: {  	v20 =	vbroadcast v20, $0x0  }
0x24d: {  	[tilespmem:v22+s21+$0x0] =	vst.idx.msk $0xffff, v21  }
0x24e: {  	s30 =	sadd.s32 $0xFFFFFFF5, s28;
	v23 =	vadd.s32 v4, v20;
	v22 =	vld [tilespmem:s26+$0xFFFFFF60]  }
0x24f: {  	v21 =	vmov s30  }
0x250: {  	v21 =	vshrl.u32 v21, $0x3  }
0x251: {  	v21 =	vshll.u32 v21, v1  }
0x252: {  	v21 =	vbroadcast v21, $0x0  }
0x253: {  	[tilespmem:v23+s21+$0x0] =	vst.idx.msk $0xffff, v22  }
0x254: {  	s30 =	sadd.s32 $0xFFFFFFF6, s28;
	v24 =	vadd.s32 v5, v21;
	v23 =	vld [tilespmem:s26+$0xFFFFFF80]  }
0x255: {  	v22 =	vmov s30  }
0x256: {  	v22 =	vshrl.u32 v22, $0x3  }
0x257: {  	v22 =	vshll.u32 v22, v1  }
0x258: {  	v22 =	vbroadcast v22, $0x0  }
0x259: {  	[tilespmem:v24+s21+$0x0] =	vst.idx.msk $0xffff, v23  }
0x25a: {  	s30 =	sadd.s32 $0xFFFFFFF7, s28;
	v25 =	vadd.s32 v6, v22;
	v24 =	vld [tilespmem:s26+$0xFFFFFFA0]  }
0x25b: {  	v23 =	vmov s30  }
0x25c: {  	v23 =	vshrl.u32 v23, $0x3  }
0x25d: {  	v23 =	vshll.u32 v23, v1  }
0x25e: {  	v23 =	vbroadcast v23, $0x0  }
0x25f: {  	[tilespmem:v25+s21+$0x0] =	vst.idx.msk $0xffff, v24  }
0x260: {  	s30 =	sadd.s32 $0xFFFFFFF8, s28;
	v26 =	vadd.s32 v7, v23;
	v25 =	vld [tilespmem:s26+$0xFFFFFFC0]  }
0x261: {  	v24 =	vmov s30  }
0x262: {  	v24 =	vshrl.u32 v24, $0x3  }
0x263: {  	v24 =	vshll.u32 v24, v1  }
0x264: {  	v24 =	vbroadcast v24, $0x0  }
0x265: {  	[tilespmem:v26+s21+$0x0] =	vst.idx.msk $0xffff, v25  }
0x266: {  	s30 =	sadd.s32 $0xFFFFFFF9, s28;
	v27 =	vadd.s32 v8, v24;
	v26 =	vld [tilespmem:s26+$0xFFFFFFE0]  }
0x267: {  	v25 =	vmov s30  }
0x268: {  	v25 =	vshrl.u32 v25, $0x3  }
0x269: {  	v25 =	vshll.u32 v25, v1  }
0x26a: {  	v25 =	vbroadcast v25, $0x0  }
0x26b: {  	[tilespmem:v27+s21+$0x0] =	vst.idx.msk $0xffff, v26  }
0x26c: {  	s30 =	sadd.s32 $0xFFFFFFFA, s28;
	v28 =	vadd.s32 v0, v25;
	v27 =	vld [tilespmem:s26+$0x0]  }
0x26d: {  	v26 =	vmov s30  }
0x26e: {  	v26 =	vshrl.u32 v26, $0x3  }
0x26f: {  	v26 =	vshll.u32 v26, v1  }
0x270: {  	v26 =	vbroadcast v26, $0x0  }
0x271: {  	[tilespmem:v28+s21+$0x0] =	vst.idx.msk $0xffff, v27  }
0x272: {  	s30 =	sadd.s32 $0xFFFFFFFB, s28;
	v29 =	vadd.s32 v2, v26;
	v28 =	vld [tilespmem:s26+$0x20]  }
0x273: {  	v27 =	vmov s30  }
0x274: {  	v27 =	vshrl.u32 v27, $0x3  }
0x275: {  	v27 =	vshll.u32 v27, v1  }
0x276: {  	v27 =	vbroadcast v27, $0x0  }
0x277: {  	[tilespmem:v29+s21+$0x0] =	vst.idx.msk $0xffff, v28  }
0x278: {  	s30 =	sadd.s32 $0xFFFFFFFC, s28;
	v30 =	vadd.s32 v3, v27;
	v29 =	vld [tilespmem:s26+$0x40]  }
0x279: {  	v28 =	vmov s30  }
0x27a: {  	v28 =	vshrl.u32 v28, $0x3  }
0x27b: {  	v28 =	vshll.u32 v28, v1  }
0x27c: {  	v28 =	vbroadcast v28, $0x0  }
0x27d: {  	[tilespmem:v30+s21+$0x0] =	vst.idx.msk $0xffff, v29  }
0x27e: {  	s30 =	sadd.s32 $0xFFFFFFFD, s28;
	v31 =	vadd.s32 v4, v28;
	v30 =	vld [tilespmem:s26+$0x60]  }
0x27f: {  	v29 =	vmov s30  }
0x280: {  	v29 =	vshrl.u32 v29, $0x3  }
0x281: {  	v29 =	vshll.u32 v29, v1  }
0x282: {  	v29 =	vbroadcast v29, $0x0  }
0x283: {  	[tilespmem:v31+s21+$0x0] =	vst.idx.msk $0xffff, v30  }
0x284: {  	s30 =	sadd.s32 $0xFFFFFFFE, s28;
	v32 =	vadd.s32 v5, v29;
	v31 =	vld [tilespmem:s26+$0x80]  }
0x285: {  	v30 =	vmov s30  }
0x286: {  	v30 =	vshrl.u32 v30, $0x3  }
0x287: {  	v30 =	vshll.u32 v30, v1  }
0x288: {  	v30 =	vbroadcast v30, $0x0  }
0x289: {  	[tilespmem:v32+s21+$0x0] =	vst.idx.msk $0xffff, v31  }
0x28a: {  	s30 =	sadd.s32 $0xFFFFFFFF, s28;
	v33 =	vadd.s32 v6, v30;
	v32 =	vld [tilespmem:s26+$0xA0]  }
0x28b: {  	v31 =	vmov s30  }
0x28c: {  	v31 =	vshrl.u32 v31, $0x3  }
0x28d: {  	v31 =	vshll.u32 v31, v1  }
0x28e: {  	v31 =	vbroadcast v31, $0x0  }
0x28f: {  	[tilespmem:v33+s21+$0x0] =	vst.idx.msk $0xffff, v32  }
0x290: {  	v34 =	vadd.s32 v7, v31;
	v33 =	vld [tilespmem:s26+$0xC0]  }
0x291: {  	v32 =	vmov s28;
	s28 =	smov.u32 s29  }
0x292: {  	v32 =	vshrl.u32 v32, $0x3  }
0x293: {  	v32 =	vshll.u32 v32, v1  }
0x294: {  	v32 =	vbroadcast v32, $0x0  }
0x295: {  	[tilespmem:v34+s21+$0x0] =	vst.idx.msk $0xffff, v33  }
0x296: {  	v34 =	vadd.s32 v8, v32;
	v33 =	vld [tilespmem:s26+$0xE0];
	_ =	sdelay $0x4  }
0x297: {  	[tilespmem:v34+s21+$0x0] =	vst.idx.msk $0xffff, v33  }
0x298: {  	v17 =	vadd.s32 v9, v17;
	v33 =	vld [tilespmem:s26+$0xFFFFFF10];
	_ =	sdelay $0x4  }
0x299: {  	[tilespmem:v17+s21+$0x0] =	vst.idx.msk $0xffff, v33  }
0x29a: {  	v18 =	vadd.s32 v10, v18;
	v17 =	vld [tilespmem:s26+$0xFFFFFF30];
	_ =	sdelay $0x4  }
0x29b: {  	[tilespmem:v18+s21+$0x0] =	vst.idx.msk $0xffff, v17  }
0x29c: {  	v18 =	vadd.s32 v11, v19;
	v17 =	vld [tilespmem:s26+$0xFFFFFF50];
	_ =	sdelay $0x4  }
0x29d: {  	[tilespmem:v18+s21+$0x0] =	vst.idx.msk $0xffff, v17  }
0x29e: {  	v18 =	vadd.s32 v12, v20;
	v17 =	vld [tilespmem:s26+$0xFFFFFF70];
	_ =	sdelay $0x4  }
0x29f: {  	[tilespmem:v18+s21+$0x0] =	vst.idx.msk $0xffff, v17  }
0x2a0: {  	v18 =	vadd.s32 v13, v21;
	v17 =	vld [tilespmem:s26+$0xFFFFFF90];
	_ =	sdelay $0x4  }
0x2a1: {  	[tilespmem:v18+s21+$0x0] =	vst.idx.msk $0xffff, v17  }
0x2a2: {  	v18 =	vadd.s32 v14, v22;
	v17 =	vld [tilespmem:s26+$0xFFFFFFB0];
	_ =	sdelay $0x4  }
0x2a3: {  	[tilespmem:v18+s21+$0x0] =	vst.idx.msk $0xffff, v17  }
0x2a4: {  	v18 =	vadd.s32 v15, v23;
	v17 =	vld [tilespmem:s26+$0xFFFFFFD0];
	_ =	sdelay $0x4  }
0x2a5: {  	[tilespmem:v18+s21+$0x0] =	vst.idx.msk $0xffff, v17  }
0x2a6: {  	v18 =	vadd.s32 v16, v24;
	v17 =	vld [tilespmem:s26+$0xFFFFFFF0];
	_ =	sdelay $0x4  }
0x2a7: {  	[tilespmem:v18+s21+$0x0] =	vst.idx.msk $0xffff, v17  }
0x2a8: {  	v18 =	vadd.s32 v9, v25;
	v17 =	vld [tilespmem:s26+$0x10];
	_ =	sdelay $0x4  }
0x2a9: {  	[tilespmem:v18+s21+$0x0] =	vst.idx.msk $0xffff, v17  }
0x2aa: {  	v18 =	vadd.s32 v10, v26;
	v17 =	vld [tilespmem:s26+$0x30];
	_ =	sdelay $0x4  }
0x2ab: {  	[tilespmem:v18+s21+$0x0] =	vst.idx.msk $0xffff, v17  }
0x2ac: {  	v18 =	vadd.s32 v11, v27;
	v17 =	vld [tilespmem:s26+$0x50];
	_ =	sdelay $0x4  }
0x2ad: {  	[tilespmem:v18+s21+$0x0] =	vst.idx.msk $0xffff, v17  }
0x2ae: {  	v18 =	vadd.s32 v12, v28;
	v17 =	vld [tilespmem:s26+$0x70];
	_ =	sdelay $0x4  }
0x2af: {  	[tilespmem:v18+s21+$0x0] =	vst.idx.msk $0xffff, v17  }
0x2b0: {  	v18 =	vadd.s32 v13, v29;
	v17 =	vld [tilespmem:s26+$0x90];
	_ =	sdelay $0x4  }
0x2b1: {  	[tilespmem:v18+s21+$0x0] =	vst.idx.msk $0xffff, v17  }
0x2b2: {  	v18 =	vadd.s32 v14, v30;
	v17 =	vld [tilespmem:s26+$0xB0];
	_ =	sdelay $0x4  }
0x2b3: {  	[tilespmem:v18+s21+$0x0] =	vst.idx.msk $0xffff, v17  }
0x2b4: {  	v18 =	vadd.s32 v15, v31;
	v17 =	vld [tilespmem:s26+$0xD0];
	_ =	sdelay $0x1  }
.Ltmp4:
0x2b5: {  	(pc) =	sbr.rel @p0 .LBB2_11-.Ltmp4, $3  }
0x2b6: {  	_ =	sdelay $0x1  }
0x2b7: {  	[tilespmem:v18+s21+$0x0] =	vst.idx.msk $0xffff, v17  }
0x2b8: {  	s29 =	sadd.s32 $0x10, s29;
	s30 =	sadd.s32 $0xFFFFFFF1, s28;
	v19 =	vadd.s32 v16, v32;
	v18 =	vld [tilespmem:s26+$0xF0]  }
0x2b9: {  	v17 =	vmov s30  }
0x2ba: {  	v17 =	vshrl.u32 v17, $0x3  }
0x2bb: {  	v17 =	vshll.u32 v17, v1  }
0x2bc: {  	v17 =	vbroadcast v17, $0x0  }
0x2bd: {  	s26 =	sadd.s32 $0x200, s26;
	[tilespmem:v19+s21+$0x0] =	vst.idx.msk $0xffff, v18  }
0x2be: {  	s29 =	sadd.s32 $0xFFFFFFF2, s28;
	v18 =	vld [tilespmem:s26+$0xFFFFFF00];
	v19 =	vadd.s32 v0, v17  }
0x2bf: {  	v20 =	vmov s29  }
0x2c0: {  	v20 =	vshrl.u32 v20, $0x3  }
0x2c1: {  	v20 =	vshll.u32 v20, v1  }
0x2c2: {  	v20 =	vbroadcast v20, $0x0  }
0x2c3: {  	[tilespmem:v19+s21+$0x0] =	vst.idx.msk $0xffff, v18  }
0x2c4: {  	s29 =	sadd.s32 $0xFFFFFFF3, s28;
	v19 =	vadd.s32 v2, v20;
	v18 =	vld [tilespmem:s26+$0xFFFFFF20]  }
0x2c5: {  	v21 =	vmov s29  }
0x2c6: {  	v21 =	vshrl.u32 v21, $0x3  }
0x2c7: {  	v21 =	vshll.u32 v21, v1  }
0x2c8: {  	v21 =	vbroadcast v21, $0x0  }
0x2c9: {  	[tilespmem:v19+s21+$0x0] =	vst.idx.msk $0xffff, v18  }
0x2ca: {  	s29 =	sadd.s32 $0xFFFFFFF4, s28;
	v19 =	vadd.s32 v3, v21;
	v18 =	vld [tilespmem:s26+$0xFFFFFF40]  }
0x2cb: {  	v22 =	vmov s29  }
0x2cc: {  	v22 =	vshrl.u32 v22, $0x3  }
0x2cd: {  	v22 =	vshll.u32 v22, v1  }
0x2ce: {  	v22 =	vbroadcast v22, $0x0  }
0x2cf: {  	[tilespmem:v19+s21+$0x0] =	vst.idx.msk $0xffff, v18  }
0x2d0: {  	s29 =	sadd.s32 $0xFFFFFFF5, s28;
	v19 =	vadd.s32 v4, v22;
	v18 =	vld [tilespmem:s26+$0xFFFFFF60]  }
0x2d1: {  	v23 =	vmov s29  }
0x2d2: {  	v23 =	vshrl.u32 v23, $0x3  }
0x2d3: {  	v23 =	vshll.u32 v23, v1  }
0x2d4: {  	v23 =	vbroadcast v23, $0x0  }
0x2d5: {  	[tilespmem:v19+s21+$0x0] =	vst.idx.msk $0xffff, v18  }
0x2d6: {  	s29 =	sadd.s32 $0xFFFFFFF6, s28;
	v19 =	vadd.s32 v5, v23;
	v18 =	vld [tilespmem:s26+$0xFFFFFF80]  }
0x2d7: {  	v24 =	vmov s29  }
0x2d8: {  	v24 =	vshrl.u32 v24, $0x3  }
0x2d9: {  	v24 =	vshll.u32 v24, v1  }
0x2da: {  	v24 =	vbroadcast v24, $0x0  }
0x2db: {  	[tilespmem:v19+s21+$0x0] =	vst.idx.msk $0xffff, v18  }
0x2dc: {  	s29 =	sadd.s32 $0xFFFFFFF7, s28;
	v19 =	vadd.s32 v6, v24;
	v18 =	vld [tilespmem:s26+$0xFFFFFFA0]  }
0x2dd: {  	v25 =	vmov s29  }
0x2de: {  	v25 =	vshrl.u32 v25, $0x3  }
0x2df: {  	v25 =	vshll.u32 v25, v1  }
0x2e0: {  	v25 =	vbroadcast v25, $0x0  }
0x2e1: {  	[tilespmem:v19+s21+$0x0] =	vst.idx.msk $0xffff, v18  }
0x2e2: {  	s29 =	sadd.s32 $0xFFFFFFF8, s28;
	v19 =	vadd.s32 v7, v25;
	v18 =	vld [tilespmem:s26+$0xFFFFFFC0]  }
0x2e3: {  	v26 =	vmov s29  }
0x2e4: {  	v26 =	vshrl.u32 v26, $0x3  }
0x2e5: {  	v26 =	vshll.u32 v26, v1  }
0x2e6: {  	v26 =	vbroadcast v26, $0x0  }
0x2e7: {  	[tilespmem:v19+s21+$0x0] =	vst.idx.msk $0xffff, v18  }
0x2e8: {  	s29 =	sadd.s32 $0xFFFFFFF9, s28;
	v19 =	vadd.s32 v8, v26;
	v18 =	vld [tilespmem:s26+$0xFFFFFFE0]  }
0x2e9: {  	v27 =	vmov s29  }
0x2ea: {  	v27 =	vshrl.u32 v27, $0x3  }
0x2eb: {  	v27 =	vshll.u32 v27, v1  }
0x2ec: {  	v27 =	vbroadcast v27, $0x0  }
0x2ed: {  	[tilespmem:v19+s21+$0x0] =	vst.idx.msk $0xffff, v18  }
0x2ee: {  	s29 =	sadd.s32 $0xFFFFFFFA, s28;
	v19 =	vadd.s32 v0, v27;
	v18 =	vld [tilespmem:s26+$0x0]  }
0x2ef: {  	v28 =	vmov s29  }
0x2f0: {  	v28 =	vshrl.u32 v28, $0x3  }
0x2f1: {  	v28 =	vshll.u32 v28, v1  }
0x2f2: {  	v28 =	vbroadcast v28, $0x0  }
0x2f3: {  	[tilespmem:v19+s21+$0x0] =	vst.idx.msk $0xffff, v18  }
0x2f4: {  	s29 =	sadd.s32 $0xFFFFFFFB, s28;
	v19 =	vadd.s32 v2, v28;
	v18 =	vld [tilespmem:s26+$0x20]  }
0x2f5: {  	v29 =	vmov s29  }
0x2f6: {  	v29 =	vshrl.u32 v29, $0x3  }
0x2f7: {  	v29 =	vshll.u32 v29, v1  }
0x2f8: {  	v29 =	vbroadcast v29, $0x0  }
0x2f9: {  	[tilespmem:v19+s21+$0x0] =	vst.idx.msk $0xffff, v18  }
0x2fa: {  	s29 =	sadd.s32 $0xFFFFFFFC, s28;
	v19 =	vadd.s32 v3, v29;
	v18 =	vld [tilespmem:s26+$0x40]  }
0x2fb: {  	v30 =	vmov s29  }
0x2fc: {  	v30 =	vshrl.u32 v30, $0x3  }
0x2fd: {  	v30 =	vshll.u32 v30, v1  }
0x2fe: {  	v30 =	vbroadcast v30, $0x0  }
0x2ff: {  	[tilespmem:v19+s21+$0x0] =	vst.idx.msk $0xffff, v18  }
0x300: {  	s29 =	sadd.s32 $0xFFFFFFFD, s28;
	v19 =	vadd.s32 v4, v30;
	v18 =	vld [tilespmem:s26+$0x60]  }
0x301: {  	v31 =	vmov s29  }
0x302: {  	v31 =	vshrl.u32 v31, $0x3  }
0x303: {  	v31 =	vshll.u32 v31, v1  }
0x304: {  	v31 =	vbroadcast v31, $0x0  }
0x305: {  	[tilespmem:v19+s21+$0x0] =	vst.idx.msk $0xffff, v18  }
0x306: {  	s29 =	sadd.s32 $0xFFFFFFFE, s28;
	v19 =	vadd.s32 v5, v31;
	v18 =	vld [tilespmem:s26+$0x80]  }
0x307: {  	v32 =	vmov s29  }
0x308: {  	v32 =	vshrl.u32 v32, $0x3  }
0x309: {  	v32 =	vshll.u32 v32, v1  }
0x30a: {  	v32 =	vbroadcast v32, $0x0  }
0x30b: {  	[tilespmem:v19+s21+$0x0] =	vst.idx.msk $0xffff, v18  }
0x30c: {  	s29 =	sadd.s32 $0xFFFFFFFF, s28;
	v19 =	vadd.s32 v6, v32;
	v18 =	vld [tilespmem:s26+$0xA0]  }
0x30d: {  	v33 =	vmov s29  }
0x30e: {  	v33 =	vshrl.u32 v33, $0x3  }
0x30f: {  	v33 =	vshll.u32 v33, v1  }
0x310: {  	v33 =	vbroadcast v33, $0x0  }
0x311: {  	[tilespmem:v19+s21+$0x0] =	vst.idx.msk $0xffff, v18  }
0x312: {  	v19 =	vadd.s32 v7, v33;
	v18 =	vld [tilespmem:s26+$0xC0]  }
0x313: {  	v34 =	vmov s28  }
0x314: {  	v34 =	vshrl.u32 v34, $0x3  }
0x315: {  	v34 =	vshll.u32 v34, v1  }
0x316: {  	v34 =	vbroadcast v34, $0x0  }
0x317: {  	[tilespmem:v19+s21+$0x0] =	vst.idx.msk $0xffff, v18  }
0x318: {  	v19 =	vadd.s32 v8, v34;
	v18 =	vld [tilespmem:s26+$0xE0];
	_ =	sdelay $0x4  }
0x319: {  	[tilespmem:v19+s21+$0x0] =	vst.idx.msk $0xffff, v18  }
0x31a: {  	v17 =	vadd.s32 v9, v17;
	v18 =	vld [tilespmem:s26+$0xFFFFFF10];
	_ =	sdelay $0x4  }
0x31b: {  	[tilespmem:v17+s21+$0x0] =	vst.idx.msk $0xffff, v18  }
0x31c: {  	v18 =	vadd.s32 v10, v20;
	v17 =	vld [tilespmem:s26+$0xFFFFFF30];
	_ =	sdelay $0x4  }
0x31d: {  	[tilespmem:v18+s21+$0x0] =	vst.idx.msk $0xffff, v17  }
0x31e: {  	v18 =	vadd.s32 v11, v21;
	v17 =	vld [tilespmem:s26+$0xFFFFFF50];
	_ =	sdelay $0x4  }
0x31f: {  	[tilespmem:v18+s21+$0x0] =	vst.idx.msk $0xffff, v17  }
0x320: {  	v18 =	vadd.s32 v12, v22;
	v17 =	vld [tilespmem:s26+$0xFFFFFF70];
	_ =	sdelay $0x4  }
0x321: {  	[tilespmem:v18+s21+$0x0] =	vst.idx.msk $0xffff, v17  }
0x322: {  	v18 =	vadd.s32 v13, v23;
	v17 =	vld [tilespmem:s26+$0xFFFFFF90];
	_ =	sdelay $0x4  }
0x323: {  	[tilespmem:v18+s21+$0x0] =	vst.idx.msk $0xffff, v17  }
0x324: {  	v18 =	vadd.s32 v14, v24;
	v17 =	vld [tilespmem:s26+$0xFFFFFFB0];
	_ =	sdelay $0x4  }
0x325: {  	[tilespmem:v18+s21+$0x0] =	vst.idx.msk $0xffff, v17  }
0x326: {  	v18 =	vadd.s32 v15, v25;
	v17 =	vld [tilespmem:s26+$0xFFFFFFD0];
	_ =	sdelay $0x4  }
0x327: {  	[tilespmem:v18+s21+$0x0] =	vst.idx.msk $0xffff, v17  }
0x328: {  	v18 =	vadd.s32 v16, v26;
	v17 =	vld [tilespmem:s26+$0xFFFFFFF0];
	_ =	sdelay $0x4  }
0x329: {  	[tilespmem:v18+s21+$0x0] =	vst.idx.msk $0xffff, v17  }
0x32a: {  	v18 =	vadd.s32 v9, v27;
	v17 =	vld [tilespmem:s26+$0x10];
	_ =	sdelay $0x4  }
0x32b: {  	[tilespmem:v18+s21+$0x0] =	vst.idx.msk $0xffff, v17  }
0x32c: {  	v18 =	vadd.s32 v10, v28;
	v17 =	vld [tilespmem:s26+$0x30];
	_ =	sdelay $0x4  }
0x32d: {  	[tilespmem:v18+s21+$0x0] =	vst.idx.msk $0xffff, v17  }
0x32e: {  	v18 =	vadd.s32 v11, v29;
	v17 =	vld [tilespmem:s26+$0x50];
	_ =	sdelay $0x4  }
0x32f: {  	[tilespmem:v18+s21+$0x0] =	vst.idx.msk $0xffff, v17  }
0x330: {  	v18 =	vadd.s32 v12, v30;
	v17 =	vld [tilespmem:s26+$0x70];
	_ =	sdelay $0x4  }
0x331: {  	[tilespmem:v18+s21+$0x0] =	vst.idx.msk $0xffff, v17  }
0x332: {  	v18 =	vadd.s32 v13, v31;
	v17 =	vld [tilespmem:s26+$0x90];
	_ =	sdelay $0x4  }
0x333: {  	[tilespmem:v18+s21+$0x0] =	vst.idx.msk $0xffff, v17  }
0x334: {  	v18 =	vadd.s32 v14, v32;
	v17 =	vld [tilespmem:s26+$0xB0];
	_ =	sdelay $0x4  }
0x335: {  	[tilespmem:v18+s21+$0x0] =	vst.idx.msk $0xffff, v17  }
0x336: {  	v18 =	vadd.s32 v15, v33;
	v17 =	vld [tilespmem:s26+$0xD0];
	_ =	sdelay $0x4  }
0x337: {  	[tilespmem:v18+s21+$0x0] =	vst.idx.msk $0xffff, v17  }
0x338: {  	v18 =	vadd.s32 v16, v34;
	v17 =	vld [tilespmem:s26+$0xF0];
	_ =	sdelay $0x2  }
0x339: {  	s24 =	sadd.s32 s24, s8  }
0x33a: {  	s30 =	sadd.s32 $0x0, s24  }
0x33b: {  	s28 =	simm.s32 $0x800;
	s29 =	simm.s32 $0x12708;
	s26 =	simm.s32 $0x12500;
	[tilespmem:v18+s21+$0x0] =	vst.idx.msk $0xffff, v17  }
.LBB2_13:
0x33c: {  	[hbm4b:s30+s2] =	stream.linear.scatter [tilespmem:s26], [sflag:$0x4], $0x200, $0x38;
	[tilespmem:$0x16600] =	vst v63  }
0x33d: {  	s30 =	smov.u32 s28;
	s26 =	smov.u32 s29;
	p0 =	sne.s32 s28, $0xF800  }
.Ltmp5:
0x33e: {  	s28 =	sadd.s32 $0x800, s28;
	(pc) =	sbr.rel @p0 .LBB2_13-.Ltmp5, $2  }
0x33f: {  	_ =	sdelay $0x2  }
0x340: {  	s29 =	sadd.s32 $0x208, s29;
	s30 =	sadd.s32 s30, s24  }
0x341: {  	s23 =	sadd.s32 $0x1, s23  }
0x342: {  	p0 =	sne.s32 s23, $0x18  }
.Ltmp6:
0x343: {  	_ = 	snop;
	(pc) =	sbr.rel @p0 .LBB2_6-.Ltmp6, $4  }
0x344: {  	_ = 	snop  }
0x345: {  	[hbm4b:s30+s2] =	stream.linear.scatter [tilespmem:s26], [sflag:$0x4], $0x200, $0x38;
	[tilespmem:$0x16600] =	vst v63  }
0x346: {  	s24 =	sadd.s32 $0x600, s25  }
0x347: {  	[tilespmem:s15], [sflag:$0x2] =	stream.indirect.gather [hbm4b:s5+s11], $0x20, s24, s11, $0xb8;
	[tilespmem:$0x16600] =	vst v63  }
0x348: {  	_ =	swait.ge [sflag:s16], $0x4000;
	s23 =	simm.s32 $0x0  }
0x349: {  	[sflag:s16] =	ssyncset.done $0x0;
	v17 =	vmov s23  }
0x34a: {  	[sflag:s16] =	ssyncadd.s32 $0xFFFFC000;
	v17 =	vshrl.u32 v17, $0x3  }
0x34b: {  	_ =	swait.ge [sflag:s17], $0x4000;
	v17 =	vshll.u32 v17, v1  }
0x34c: {  	[sflag:s17] =	ssyncset.done $0x0;
	v17 =	vbroadcast v17, $0x0  }
0x34d: {  	s23 =	simm.s32 $0x6500;
	[sflag:s17] =	ssyncadd.s32 $0xFFFFC000  }
0x34e: {  	s24 =	simm.s32 $0x1;
	v18 =	vld [tilespmem:s23+$0xFFFFFF00];
	v19 =	vadd.s32 v0, v17  }
0x34f: {  	v20 =	vmov s24  }
0x350: {  	v20 =	vshrl.u32 v20, $0x3  }
0x351: {  	v20 =	vshll.u32 v20, v1  }
0x352: {  	v20 =	vbroadcast v20, $0x0  }
0x353: {  	[tilespmem:v19+s18+$0x0] =	vst.idx.msk $0xffff, v18  }
0x354: {  	s30 =	simm.s32 $0x2;
	v19 =	vadd.s32 v2, v20;
	v18 =	vld [tilespmem:s23+$0xFFFFFF20]  }
0x355: {  	v21 =	vmov s30  }
0x356: {  	v21 =	vshrl.u32 v21, $0x3  }
0x357: {  	v21 =	vshll.u32 v21, v1  }
0x358: {  	v21 =	vbroadcast v21, $0x0  }
0x359: {  	[tilespmem:v19+s18+$0x0] =	vst.idx.msk $0xffff, v18  }
0x35a: {  	s31 =	simm.s32 $0x3;
	v19 =	vadd.s32 v3, v21;
	v18 =	vld [tilespmem:s23+$0xFFFFFF40]  }
0x35b: {  	v22 =	vmov s31  }
0x35c: {  	v22 =	vshrl.u32 v22, $0x3  }
0x35d: {  	v22 =	vshll.u32 v22, v1  }
0x35e: {  	v22 =	vbroadcast v22, $0x0  }
0x35f: {  	[tilespmem:v19+s18+$0x0] =	vst.idx.msk $0xffff, v18  }
0x360: {  	s25 =	simm.s32 $0x4;
	v19 =	vadd.s32 v4, v22;
	v18 =	vld [tilespmem:s23+$0xFFFFFF60]  }
0x361: {  	v23 =	vmov s25  }
0x362: {  	v23 =	vshrl.u32 v23, $0x3  }
0x363: {  	v23 =	vshll.u32 v23, v1  }
0x364: {  	v23 =	vbroadcast v23, $0x0  }
0x365: {  	[tilespmem:v19+s18+$0x0] =	vst.idx.msk $0xffff, v18  }
0x366: {  	s26 =	simm.s32 $0x5;
	v19 =	vadd.s32 v5, v23;
	v18 =	vld [tilespmem:s23+$0xFFFFFF80]  }
0x367: {  	v24 =	vmov s26  }
0x368: {  	v24 =	vshrl.u32 v24, $0x3  }
0x369: {  	v24 =	vshll.u32 v24, v1  }
0x36a: {  	v24 =	vbroadcast v24, $0x0  }
0x36b: {  	[tilespmem:v19+s18+$0x0] =	vst.idx.msk $0xffff, v18  }
0x36c: {  	s28 =	simm.s32 $0x6;
	v19 =	vadd.s32 v6, v24;
	v18 =	vld [tilespmem:s23+$0xFFFFFFA0]  }
0x36d: {  	v25 =	vmov s28  }
0x36e: {  	v25 =	vshrl.u32 v25, $0x3  }
0x36f: {  	v25 =	vshll.u32 v25, v1  }
0x370: {  	v25 =	vbroadcast v25, $0x0  }
0x371: {  	[tilespmem:v19+s18+$0x0] =	vst.idx.msk $0xffff, v18  }
0x372: {  	s29 =	simm.s32 $0x7;
	v19 =	vadd.s32 v7, v25;
	v18 =	vld [tilespmem:s23+$0xFFFFFFC0]  }
0x373: {  	v26 =	vmov s29  }
0x374: {  	v26 =	vshrl.u32 v26, $0x3  }
0x375: {  	v26 =	vshll.u32 v26, v1  }
0x376: {  	v26 =	vbroadcast v26, $0x0  }
0x377: {  	[tilespmem:v19+s18+$0x0] =	vst.idx.msk $0xffff, v18  }
0x378: {  	s30 =	simm.s32 $0x8;
	v19 =	vadd.s32 v8, v26;
	v18 =	vld [tilespmem:s23+$0xFFFFFFE0]  }
0x379: {  	v27 =	vmov s30  }
0x37a: {  	v27 =	vshrl.u32 v27, $0x3  }
0x37b: {  	v27 =	vshll.u32 v27, v1  }
0x37c: {  	v27 =	vbroadcast v27, $0x0  }
0x37d: {  	[tilespmem:v19+s18+$0x0] =	vst.idx.msk $0xffff, v18  }
0x37e: {  	s31 =	simm.s32 $0x9;
	v19 =	vadd.s32 v0, v27;
	v18 =	vld [tilespmem:s23+$0x0]  }
0x37f: {  	v28 =	vmov s31  }
0x380: {  	v28 =	vshrl.u32 v28, $0x3  }
0x381: {  	v28 =	vshll.u32 v28, v1  }
0x382: {  	v28 =	vbroadcast v28, $0x0  }
0x383: {  	[tilespmem:v19+s18+$0x0] =	vst.idx.msk $0xffff, v18  }
0x384: {  	s25 =	simm.s32 $0xA;
	v19 =	vadd.s32 v2, v28;
	v18 =	vld [tilespmem:s23+$0x20]  }
0x385: {  	v29 =	vmov s25  }
0x386: {  	v29 =	vshrl.u32 v29, $0x3  }
0x387: {  	v29 =	vshll.u32 v29, v1  }
0x388: {  	v29 =	vbroadcast v29, $0x0  }
0x389: {  	[tilespmem:v19+s18+$0x0] =	vst.idx.msk $0xffff, v18  }
0x38a: {  	s26 =	simm.s32 $0xB;
	v19 =	vadd.s32 v3, v29;
	v18 =	vld [tilespmem:s23+$0x40]  }
0x38b: {  	v30 =	vmov s26  }
0x38c: {  	v30 =	vshrl.u32 v30, $0x3  }
0x38d: {  	v30 =	vshll.u32 v30, v1  }
0x38e: {  	v30 =	vbroadcast v30, $0x0  }
0x38f: {  	[tilespmem:v19+s18+$0x0] =	vst.idx.msk $0xffff, v18  }
0x390: {  	s28 =	simm.s32 $0xC;
	v19 =	vadd.s32 v4, v30;
	v18 =	vld [tilespmem:s23+$0x60]  }
0x391: {  	v31 =	vmov s28  }
0x392: {  	v31 =	vshrl.u32 v31, $0x3  }
0x393: {  	v31 =	vshll.u32 v31, v1  }
0x394: {  	v31 =	vbroadcast v31, $0x0  }
0x395: {  	[tilespmem:v19+s18+$0x0] =	vst.idx.msk $0xffff, v18  }
0x396: {  	s29 =	simm.s32 $0xD;
	v19 =	vadd.s32 v5, v31;
	v18 =	vld [tilespmem:s23+$0x80]  }
0x397: {  	v32 =	vmov s29  }
0x398: {  	v32 =	vshrl.u32 v32, $0x3  }
0x399: {  	v32 =	vshll.u32 v32, v1  }
0x39a: {  	v32 =	vbroadcast v32, $0x0  }
0x39b: {  	[tilespmem:v19+s18+$0x0] =	vst.idx.msk $0xffff, v18  }
0x39c: {  	s30 =	simm.s32 $0xE;
	v19 =	vadd.s32 v6, v32;
	v18 =	vld [tilespmem:s23+$0xA0]  }
0x39d: {  	v33 =	vmov s30  }
0x39e: {  	v33 =	vshrl.u32 v33, $0x3  }
0x39f: {  	v33 =	vshll.u32 v33, v1  }
0x3a0: {  	v33 =	vbroadcast v33, $0x0  }
0x3a1: {  	[tilespmem:v19+s18+$0x0] =	vst.idx.msk $0xffff, v18  }
0x3a2: {  	s31 =	simm.s32 $0xF;
	v19 =	vadd.s32 v7, v33;
	v18 =	vld [tilespmem:s23+$0xC0]  }
0x3a3: {  	v34 =	vmov s31  }
0x3a4: {  	v34 =	vshrl.u32 v34, $0x3  }
0x3a5: {  	v34 =	vshll.u32 v34, v1  }
0x3a6: {  	v34 =	vbroadcast v34, $0x0  }
0x3a7: {  	[tilespmem:v19+s18+$0x0] =	vst.idx.msk $0xffff, v18  }
0x3a8: {  	v19 =	vadd.s32 v8, v34;
	v18 =	vld [tilespmem:s23+$0xE0];
	_ =	sdelay $0x4  }
0x3a9: {  	[tilespmem:v19+s18+$0x0] =	vst.idx.msk $0xffff, v18  }
0x3aa: {  	v17 =	vadd.s32 v9, v17;
	v18 =	vld [tilespmem:s23+$0xFFFFFF10];
	_ =	sdelay $0x4  }
0x3ab: {  	[tilespmem:v17+s18+$0x0] =	vst.idx.msk $0xffff, v18  }
0x3ac: {  	v18 =	vadd.s32 v10, v20;
	v17 =	vld [tilespmem:s23+$0xFFFFFF30];
	_ =	sdelay $0x4  }
0x3ad: {  	[tilespmem:v18+s18+$0x0] =	vst.idx.msk $0xffff, v17  }
0x3ae: {  	v18 =	vadd.s32 v11, v21;
	v17 =	vld [tilespmem:s23+$0xFFFFFF50];
	_ =	sdelay $0x4  }
0x3af: {  	[tilespmem:v18+s18+$0x0] =	vst.idx.msk $0xffff, v17  }
0x3b0: {  	v18 =	vadd.s32 v12, v22;
	v17 =	vld [tilespmem:s23+$0xFFFFFF70];
	_ =	sdelay $0x4  }
0x3b1: {  	[tilespmem:v18+s18+$0x0] =	vst.idx.msk $0xffff, v17  }
0x3b2: {  	v18 =	vadd.s32 v13, v23;
	v17 =	vld [tilespmem:s23+$0xFFFFFF90];
	_ =	sdelay $0x4  }
0x3b3: {  	[tilespmem:v18+s18+$0x0] =	vst.idx.msk $0xffff, v17  }
0x3b4: {  	v18 =	vadd.s32 v14, v24;
	v17 =	vld [tilespmem:s23+$0xFFFFFFB0];
	_ =	sdelay $0x4  }
0x3b5: {  	[tilespmem:v18+s18+$0x0] =	vst.idx.msk $0xffff, v17  }
0x3b6: {  	v18 =	vadd.s32 v15, v25;
	v17 =	vld [tilespmem:s23+$0xFFFFFFD0];
	_ =	sdelay $0x4  }
0x3b7: {  	[tilespmem:v18+s18+$0x0] =	vst.idx.msk $0xffff, v17  }
0x3b8: {  	v18 =	vadd.s32 v16, v26;
	v17 =	vld [tilespmem:s23+$0xFFFFFFF0];
	_ =	sdelay $0x4  }
0x3b9: {  	[tilespmem:v18+s18+$0x0] =	vst.idx.msk $0xffff, v17  }
0x3ba: {  	v18 =	vadd.s32 v9, v27;
	v17 =	vld [tilespmem:s23+$0x10];
	_ =	sdelay $0x4  }
0x3bb: {  	[tilespmem:v18+s18+$0x0] =	vst.idx.msk $0xffff, v17  }
0x3bc: {  	v18 =	vadd.s32 v10, v28;
	v17 =	vld [tilespmem:s23+$0x30];
	_ =	sdelay $0x4  }
0x3bd: {  	[tilespmem:v18+s18+$0x0] =	vst.idx.msk $0xffff, v17  }
0x3be: {  	v18 =	vadd.s32 v11, v29;
	v17 =	vld [tilespmem:s23+$0x50];
	_ =	sdelay $0x4  }
0x3bf: {  	[tilespmem:v18+s18+$0x0] =	vst.idx.msk $0xffff, v17  }
0x3c0: {  	v18 =	vadd.s32 v12, v30;
	v17 =	vld [tilespmem:s23+$0x70];
	_ =	sdelay $0x4  }
0x3c1: {  	[tilespmem:v18+s18+$0x0] =	vst.idx.msk $0xffff, v17  }
0x3c2: {  	v18 =	vadd.s32 v13, v31;
	v17 =	vld [tilespmem:s23+$0x90];
	_ =	sdelay $0x4  }
0x3c3: {  	[tilespmem:v18+s18+$0x0] =	vst.idx.msk $0xffff, v17  }
0x3c4: {  	v18 =	vadd.s32 v14, v32;
	v17 =	vld [tilespmem:s23+$0xB0];
	_ =	sdelay $0x4  }
0x3c5: {  	[tilespmem:v18+s18+$0x0] =	vst.idx.msk $0xffff, v17  }
0x3c6: {  	v18 =	vadd.s32 v15, v33;
	v17 =	vld [tilespmem:s23+$0xD0];
	_ =	sdelay $0x4  }
0x3c7: {  	[tilespmem:v18+s18+$0x0] =	vst.idx.msk $0xffff, v17  }
0x3c8: {  	s24 =	simm.s32 $0x1F;
	s26 =	simm.s32 $0x10;
	s25 =	simm.s32 $0x2F;
	v19 =	vadd.s32 v16, v34;
	v18 =	vld [tilespmem:s23+$0xF0]  }
.LBB2_16:
0x3c9: {  	p0 =	sne.s32 s25, $0x1FF;
	v17 =	vmov s26  }
0x3ca: {  	v17 =	vshrl.u32 v17, $0x3  }
0x3cb: {  	v17 =	vshll.u32 v17, v1  }
0x3cc: {  	v17 =	vbroadcast v17, $0x0  }
0x3cd: {  	s23 =	sadd.s32 $0x200, s23;
	[tilespmem:v19+s18+$0x0] =	vst.idx.msk $0xffff, v18  }
0x3ce: {  	s26 =	sadd.s32 $0xFFFFFFF2, s24;
	v19 =	vld [tilespmem:s23+$0xFFFFFF00];
	v20 =	vadd.s32 v0, v17  }
0x3cf: {  	v18 =	vmov s26  }
0x3d0: {  	v18 =	vshrl.u32 v18, $0x3  }
0x3d1: {  	v18 =	vshll.u32 v18, v1  }
0x3d2: {  	v18 =	vbroadcast v18, $0x0  }
0x3d3: {  	[tilespmem:v20+s18+$0x0] =	vst.idx.msk $0xffff, v19  }
0x3d4: {  	s26 =	sadd.s32 $0xFFFFFFF3, s24;
	v21 =	vadd.s32 v2, v18;
	v20 =	vld [tilespmem:s23+$0xFFFFFF20]  }
0x3d5: {  	v19 =	vmov s26  }
0x3d6: {  	v19 =	vshrl.u32 v19, $0x3  }
0x3d7: {  	v19 =	vshll.u32 v19, v1  }
0x3d8: {  	v19 =	vbroadcast v19, $0x0  }
0x3d9: {  	[tilespmem:v21+s18+$0x0] =	vst.idx.msk $0xffff, v20  }
0x3da: {  	s26 =	sadd.s32 $0xFFFFFFF4, s24;
	v22 =	vadd.s32 v3, v19;
	v21 =	vld [tilespmem:s23+$0xFFFFFF40]  }
0x3db: {  	v20 =	vmov s26  }
0x3dc: {  	v20 =	vshrl.u32 v20, $0x3  }
0x3dd: {  	v20 =	vshll.u32 v20, v1  }
0x3de: {  	v20 =	vbroadcast v20, $0x0  }
0x3df: {  	[tilespmem:v22+s18+$0x0] =	vst.idx.msk $0xffff, v21  }
0x3e0: {  	s26 =	sadd.s32 $0xFFFFFFF5, s24;
	v23 =	vadd.s32 v4, v20;
	v22 =	vld [tilespmem:s23+$0xFFFFFF60]  }
0x3e1: {  	v21 =	vmov s26  }
0x3e2: {  	v21 =	vshrl.u32 v21, $0x3  }
0x3e3: {  	v21 =	vshll.u32 v21, v1  }
0x3e4: {  	v21 =	vbroadcast v21, $0x0  }
0x3e5: {  	[tilespmem:v23+s18+$0x0] =	vst.idx.msk $0xffff, v22  }
0x3e6: {  	s26 =	sadd.s32 $0xFFFFFFF6, s24;
	v24 =	vadd.s32 v5, v21;
	v23 =	vld [tilespmem:s23+$0xFFFFFF80]  }
0x3e7: {  	v22 =	vmov s26  }
0x3e8: {  	v22 =	vshrl.u32 v22, $0x3  }
0x3e9: {  	v22 =	vshll.u32 v22, v1  }
0x3ea: {  	v22 =	vbroadcast v22, $0x0  }
0x3eb: {  	[tilespmem:v24+s18+$0x0] =	vst.idx.msk $0xffff, v23  }
0x3ec: {  	s26 =	sadd.s32 $0xFFFFFFF7, s24;
	v25 =	vadd.s32 v6, v22;
	v24 =	vld [tilespmem:s23+$0xFFFFFFA0]  }
0x3ed: {  	v23 =	vmov s26  }
0x3ee: {  	v23 =	vshrl.u32 v23, $0x3  }
0x3ef: {  	v23 =	vshll.u32 v23, v1  }
0x3f0: {  	v23 =	vbroadcast v23, $0x0  }
0x3f1: {  	[tilespmem:v25+s18+$0x0] =	vst.idx.msk $0xffff, v24  }
0x3f2: {  	s26 =	sadd.s32 $0xFFFFFFF8, s24;
	v26 =	vadd.s32 v7, v23;
	v25 =	vld [tilespmem:s23+$0xFFFFFFC0]  }
0x3f3: {  	v24 =	vmov s26  }
0x3f4: {  	v24 =	vshrl.u32 v24, $0x3  }
0x3f5: {  	v24 =	vshll.u32 v24, v1  }
0x3f6: {  	v24 =	vbroadcast v24, $0x0  }
0x3f7: {  	[tilespmem:v26+s18+$0x0] =	vst.idx.msk $0xffff, v25  }
0x3f8: {  	s26 =	sadd.s32 $0xFFFFFFF9, s24;
	v27 =	vadd.s32 v8, v24;
	v26 =	vld [tilespmem:s23+$0xFFFFFFE0]  }
0x3f9: {  	v25 =	vmov s26  }
0x3fa: {  	v25 =	vshrl.u32 v25, $0x3  }
0x3fb: {  	v25 =	vshll.u32 v25, v1  }
0x3fc: {  	v25 =	vbroadcast v25, $0x0  }
0x3fd: {  	[tilespmem:v27+s18+$0x0] =	vst.idx.msk $0xffff, v26  }
0x3fe: {  	s26 =	sadd.s32 $0xFFFFFFFA, s24;
	v28 =	vadd.s32 v0, v25;
	v27 =	vld [tilespmem:s23+$0x0]  }
0x3ff: {  	v26 =	vmov s26  }
0x400: {  	v26 =	vshrl.u32 v26, $0x3  }
0x401: {  	v26 =	vshll.u32 v26, v1  }
0x402: {  	v26 =	vbroadcast v26, $0x0  }
0x403: {  	[tilespmem:v28+s18+$0x0] =	vst.idx.msk $0xffff, v27  }
0x404: {  	s26 =	sadd.s32 $0xFFFFFFFB, s24;
	v29 =	vadd.s32 v2, v26;
	v28 =	vld [tilespmem:s23+$0x20]  }
0x405: {  	v27 =	vmov s26  }
0x406: {  	v27 =	vshrl.u32 v27, $0x3  }
0x407: {  	v27 =	vshll.u32 v27, v1  }
0x408: {  	v27 =	vbroadcast v27, $0x0  }
0x409: {  	[tilespmem:v29+s18+$0x0] =	vst.idx.msk $0xffff, v28  }
0x40a: {  	s26 =	sadd.s32 $0xFFFFFFFC, s24;
	v30 =	vadd.s32 v3, v27;
	v29 =	vld [tilespmem:s23+$0x40]  }
0x40b: {  	v28 =	vmov s26  }
0x40c: {  	v28 =	vshrl.u32 v28, $0x3  }
0x40d: {  	v28 =	vshll.u32 v28, v1  }
0x40e: {  	v28 =	vbroadcast v28, $0x0  }
0x40f: {  	[tilespmem:v30+s18+$0x0] =	vst.idx.msk $0xffff, v29  }
0x410: {  	s26 =	sadd.s32 $0xFFFFFFFD, s24;
	v31 =	vadd.s32 v4, v28;
	v30 =	vld [tilespmem:s23+$0x60]  }
0x411: {  	v29 =	vmov s26  }
0x412: {  	v29 =	vshrl.u32 v29, $0x3  }
0x413: {  	v29 =	vshll.u32 v29, v1  }
0x414: {  	v29 =	vbroadcast v29, $0x0  }
0x415: {  	[tilespmem:v31+s18+$0x0] =	vst.idx.msk $0xffff, v30  }
0x416: {  	s26 =	sadd.s32 $0xFFFFFFFE, s24;
	v32 =	vadd.s32 v5, v29;
	v31 =	vld [tilespmem:s23+$0x80]  }
0x417: {  	v30 =	vmov s26  }
0x418: {  	v30 =	vshrl.u32 v30, $0x3  }
0x419: {  	v30 =	vshll.u32 v30, v1  }
0x41a: {  	v30 =	vbroadcast v30, $0x0  }
0x41b: {  	[tilespmem:v32+s18+$0x0] =	vst.idx.msk $0xffff, v31  }
0x41c: {  	s26 =	sadd.s32 $0xFFFFFFFF, s24;
	v33 =	vadd.s32 v6, v30;
	v32 =	vld [tilespmem:s23+$0xA0]  }
0x41d: {  	v31 =	vmov s26  }
0x41e: {  	v31 =	vshrl.u32 v31, $0x3  }
0x41f: {  	v31 =	vshll.u32 v31, v1  }
0x420: {  	v31 =	vbroadcast v31, $0x0  }
0x421: {  	[tilespmem:v33+s18+$0x0] =	vst.idx.msk $0xffff, v32  }
0x422: {  	v34 =	vadd.s32 v7, v31;
	v33 =	vld [tilespmem:s23+$0xC0]  }
0x423: {  	v32 =	vmov s24;
	s24 =	smov.u32 s25  }
0x424: {  	v32 =	vshrl.u32 v32, $0x3  }
0x425: {  	v32 =	vshll.u32 v32, v1  }
0x426: {  	v32 =	vbroadcast v32, $0x0  }
0x427: {  	[tilespmem:v34+s18+$0x0] =	vst.idx.msk $0xffff, v33  }
0x428: {  	v34 =	vadd.s32 v8, v32;
	v33 =	vld [tilespmem:s23+$0xE0];
	_ =	sdelay $0x4  }
0x429: {  	[tilespmem:v34+s18+$0x0] =	vst.idx.msk $0xffff, v33  }
0x42a: {  	v17 =	vadd.s32 v9, v17;
	v33 =	vld [tilespmem:s23+$0xFFFFFF10];
	_ =	sdelay $0x4  }
0x42b: {  	[tilespmem:v17+s18+$0x0] =	vst.idx.msk $0xffff, v33  }
0x42c: {  	v18 =	vadd.s32 v10, v18;
	v17 =	vld [tilespmem:s23+$0xFFFFFF30];
	_ =	sdelay $0x4  }
0x42d: {  	[tilespmem:v18+s18+$0x0] =	vst.idx.msk $0xffff, v17  }
0x42e: {  	v18 =	vadd.s32 v11, v19;
	v17 =	vld [tilespmem:s23+$0xFFFFFF50];
	_ =	sdelay $0x4  }
0x42f: {  	[tilespmem:v18+s18+$0x0] =	vst.idx.msk $0xffff, v17  }
0x430: {  	v18 =	vadd.s32 v12, v20;
	v17 =	vld [tilespmem:s23+$0xFFFFFF70];
	_ =	sdelay $0x4  }
0x431: {  	[tilespmem:v18+s18+$0x0] =	vst.idx.msk $0xffff, v17  }
0x432: {  	v18 =	vadd.s32 v13, v21;
	v17 =	vld [tilespmem:s23+$0xFFFFFF90];
	_ =	sdelay $0x4  }
0x433: {  	[tilespmem:v18+s18+$0x0] =	vst.idx.msk $0xffff, v17  }
0x434: {  	v18 =	vadd.s32 v14, v22;
	v17 =	vld [tilespmem:s23+$0xFFFFFFB0];
	_ =	sdelay $0x4  }
0x435: {  	[tilespmem:v18+s18+$0x0] =	vst.idx.msk $0xffff, v17  }
0x436: {  	v18 =	vadd.s32 v15, v23;
	v17 =	vld [tilespmem:s23+$0xFFFFFFD0];
	_ =	sdelay $0x4  }
0x437: {  	[tilespmem:v18+s18+$0x0] =	vst.idx.msk $0xffff, v17  }
0x438: {  	v18 =	vadd.s32 v16, v24;
	v17 =	vld [tilespmem:s23+$0xFFFFFFF0];
	_ =	sdelay $0x4  }
0x439: {  	[tilespmem:v18+s18+$0x0] =	vst.idx.msk $0xffff, v17  }
0x43a: {  	v18 =	vadd.s32 v9, v25;
	v17 =	vld [tilespmem:s23+$0x10];
	_ =	sdelay $0x4  }
0x43b: {  	[tilespmem:v18+s18+$0x0] =	vst.idx.msk $0xffff, v17  }
0x43c: {  	v18 =	vadd.s32 v10, v26;
	v17 =	vld [tilespmem:s23+$0x30];
	_ =	sdelay $0x4  }
0x43d: {  	[tilespmem:v18+s18+$0x0] =	vst.idx.msk $0xffff, v17  }
0x43e: {  	v18 =	vadd.s32 v11, v27;
	v17 =	vld [tilespmem:s23+$0x50];
	_ =	sdelay $0x4  }
0x43f: {  	[tilespmem:v18+s18+$0x0] =	vst.idx.msk $0xffff, v17  }
0x440: {  	v18 =	vadd.s32 v12, v28;
	v17 =	vld [tilespmem:s23+$0x70];
	_ =	sdelay $0x4  }
0x441: {  	[tilespmem:v18+s18+$0x0] =	vst.idx.msk $0xffff, v17  }
0x442: {  	v18 =	vadd.s32 v13, v29;
	v17 =	vld [tilespmem:s23+$0x90];
	_ =	sdelay $0x4  }
0x443: {  	[tilespmem:v18+s18+$0x0] =	vst.idx.msk $0xffff, v17  }
0x444: {  	v18 =	vadd.s32 v14, v30;
	v17 =	vld [tilespmem:s23+$0xB0];
	_ =	sdelay $0x4  }
0x445: {  	[tilespmem:v18+s18+$0x0] =	vst.idx.msk $0xffff, v17  }
0x446: {  	v18 =	vadd.s32 v15, v31;
	v17 =	vld [tilespmem:s23+$0xD0];
	_ =	sdelay $0x1  }
.Ltmp7:
0x447: {  	(pc) =	sbr.rel @p0 .LBB2_16-.Ltmp7, $3  }
0x448: {  	_ =	sdelay $0x1  }
0x449: {  	[tilespmem:v18+s18+$0x0] =	vst.idx.msk $0xffff, v17  }
0x44a: {  	s25 =	sadd.s32 $0x10, s25;
	s26 =	sadd.s32 $0xFFFFFFF1, s24;
	v19 =	vadd.s32 v16, v32;
	v18 =	vld [tilespmem:s23+$0xF0]  }
0x44b: {  	v17 =	vmov s26  }
0x44c: {  	v17 =	vshrl.u32 v17, $0x3  }
0x44d: {  	v17 =	vshll.u32 v17, v1  }
0x44e: {  	v17 =	vbroadcast v17, $0x0  }
0x44f: {  	s23 =	sadd.s32 $0x200, s23;
	[tilespmem:v19+s18+$0x0] =	vst.idx.msk $0xffff, v18  }
0x450: {  	s25 =	sadd.s32 $0xFFFFFFF2, s24;
	v18 =	vld [tilespmem:s23+$0xFFFFFF00];
	v19 =	vadd.s32 v0, v17  }
0x451: {  	v20 =	vmov s25  }
0x452: {  	v20 =	vshrl.u32 v20, $0x3  }
0x453: {  	v20 =	vshll.u32 v20, v1  }
0x454: {  	v20 =	vbroadcast v20, $0x0  }
0x455: {  	[tilespmem:v19+s18+$0x0] =	vst.idx.msk $0xffff, v18  }
0x456: {  	s29 =	sadd.s32 $0xFFFFFFF3, s24;
	v19 =	vadd.s32 v2, v20;
	v18 =	vld [tilespmem:s23+$0xFFFFFF20]  }
0x457: {  	v21 =	vmov s29  }
0x458: {  	v21 =	vshrl.u32 v21, $0x3  }
0x459: {  	v21 =	vshll.u32 v21, v1  }
0x45a: {  	v21 =	vbroadcast v21, $0x0  }
0x45b: {  	[tilespmem:v19+s18+$0x0] =	vst.idx.msk $0xffff, v18  }
0x45c: {  	s30 =	sadd.s32 $0xFFFFFFF4, s24;
	v19 =	vadd.s32 v3, v21;
	v18 =	vld [tilespmem:s23+$0xFFFFFF40]  }
0x45d: {  	v22 =	vmov s30  }
0x45e: {  	v22 =	vshrl.u32 v22, $0x3  }
0x45f: {  	v22 =	vshll.u32 v22, v1  }
0x460: {  	v22 =	vbroadcast v22, $0x0  }
0x461: {  	[tilespmem:v19+s18+$0x0] =	vst.idx.msk $0xffff, v18  }
0x462: {  	s31 =	sadd.s32 $0xFFFFFFF5, s24;
	v19 =	vadd.s32 v4, v22;
	v18 =	vld [tilespmem:s23+$0xFFFFFF60]  }
0x463: {  	v23 =	vmov s31  }
0x464: {  	v23 =	vshrl.u32 v23, $0x3  }
0x465: {  	v23 =	vshll.u32 v23, v1  }
0x466: {  	v23 =	vbroadcast v23, $0x0  }
0x467: {  	[tilespmem:v19+s18+$0x0] =	vst.idx.msk $0xffff, v18  }
0x468: {  	s26 =	sadd.s32 $0xFFFFFFF6, s24;
	v19 =	vadd.s32 v5, v23;
	v18 =	vld [tilespmem:s23+$0xFFFFFF80]  }
0x469: {  	v24 =	vmov s26  }
0x46a: {  	v24 =	vshrl.u32 v24, $0x3  }
0x46b: {  	v24 =	vshll.u32 v24, v1  }
0x46c: {  	v24 =	vbroadcast v24, $0x0  }
0x46d: {  	[tilespmem:v19+s18+$0x0] =	vst.idx.msk $0xffff, v18  }
0x46e: {  	s28 =	sadd.s32 $0xFFFFFFF7, s24;
	v19 =	vadd.s32 v6, v24;
	v18 =	vld [tilespmem:s23+$0xFFFFFFA0]  }
0x46f: {  	v25 =	vmov s28  }
0x470: {  	v25 =	vshrl.u32 v25, $0x3  }
0x471: {  	v25 =	vshll.u32 v25, v1  }
0x472: {  	v25 =	vbroadcast v25, $0x0  }
0x473: {  	[tilespmem:v19+s18+$0x0] =	vst.idx.msk $0xffff, v18  }
0x474: {  	s29 =	sadd.s32 $0xFFFFFFF8, s24;
	v19 =	vadd.s32 v7, v25;
	v18 =	vld [tilespmem:s23+$0xFFFFFFC0]  }
0x475: {  	v26 =	vmov s29  }
0x476: {  	v26 =	vshrl.u32 v26, $0x3  }
0x477: {  	v26 =	vshll.u32 v26, v1  }
0x478: {  	v26 =	vbroadcast v26, $0x0  }
0x479: {  	[tilespmem:v19+s18+$0x0] =	vst.idx.msk $0xffff, v18  }
0x47a: {  	s30 =	sadd.s32 $0xFFFFFFF9, s24;
	v19 =	vadd.s32 v8, v26;
	v18 =	vld [tilespmem:s23+$0xFFFFFFE0]  }
0x47b: {  	v27 =	vmov s30  }
0x47c: {  	v27 =	vshrl.u32 v27, $0x3  }
0x47d: {  	v27 =	vshll.u32 v27, v1  }
0x47e: {  	v27 =	vbroadcast v27, $0x0  }
0x47f: {  	[tilespmem:v19+s18+$0x0] =	vst.idx.msk $0xffff, v18  }
0x480: {  	s31 =	sadd.s32 $0xFFFFFFFA, s24;
	v19 =	vadd.s32 v0, v27;
	v18 =	vld [tilespmem:s23+$0x0]  }
0x481: {  	v28 =	vmov s31  }
0x482: {  	v28 =	vshrl.u32 v28, $0x3  }
0x483: {  	v28 =	vshll.u32 v28, v1  }
0x484: {  	v28 =	vbroadcast v28, $0x0  }
0x485: {  	[tilespmem:v19+s18+$0x0] =	vst.idx.msk $0xffff, v18  }
0x486: {  	s26 =	sadd.s32 $0xFFFFFFFB, s24;
	v19 =	vadd.s32 v2, v28;
	v18 =	vld [tilespmem:s23+$0x20]  }
0x487: {  	v29 =	vmov s26  }
0x488: {  	v29 =	vshrl.u32 v29, $0x3  }
0x489: {  	v29 =	vshll.u32 v29, v1  }
0x48a: {  	v29 =	vbroadcast v29, $0x0  }
0x48b: {  	[tilespmem:v19+s18+$0x0] =	vst.idx.msk $0xffff, v18  }
0x48c: {  	s28 =	sadd.s32 $0xFFFFFFFC, s24;
	v19 =	vadd.s32 v3, v29;
	v18 =	vld [tilespmem:s23+$0x40]  }
0x48d: {  	v30 =	vmov s28  }
0x48e: {  	v30 =	vshrl.u32 v30, $0x3  }
0x48f: {  	v30 =	vshll.u32 v30, v1  }
0x490: {  	v30 =	vbroadcast v30, $0x0  }
0x491: {  	[tilespmem:v19+s18+$0x0] =	vst.idx.msk $0xffff, v18  }
0x492: {  	s29 =	sadd.s32 $0xFFFFFFFD, s24;
	v19 =	vadd.s32 v4, v30;
	v18 =	vld [tilespmem:s23+$0x60]  }
0x493: {  	v31 =	vmov s29  }
0x494: {  	v31 =	vshrl.u32 v31, $0x3  }
0x495: {  	v31 =	vshll.u32 v31, v1  }
0x496: {  	v31 =	vbroadcast v31, $0x0  }
0x497: {  	[tilespmem:v19+s18+$0x0] =	vst.idx.msk $0xffff, v18  }
0x498: {  	s30 =	sadd.s32 $0xFFFFFFFE, s24;
	v19 =	vadd.s32 v5, v31;
	v18 =	vld [tilespmem:s23+$0x80]  }
0x499: {  	v32 =	vmov s30  }
0x49a: {  	v32 =	vshrl.u32 v32, $0x3  }
0x49b: {  	v32 =	vshll.u32 v32, v1  }
0x49c: {  	v32 =	vbroadcast v32, $0x0  }
0x49d: {  	[tilespmem:v19+s18+$0x0] =	vst.idx.msk $0xffff, v18  }
0x49e: {  	s31 =	sadd.s32 $0xFFFFFFFF, s24;
	v19 =	vadd.s32 v6, v32;
	v18 =	vld [tilespmem:s23+$0xA0]  }
0x49f: {  	v33 =	vmov s31  }
0x4a0: {  	v33 =	vshrl.u32 v33, $0x3  }
0x4a1: {  	v33 =	vshll.u32 v33, v1  }
0x4a2: {  	v33 =	vbroadcast v33, $0x0  }
0x4a3: {  	[tilespmem:v19+s18+$0x0] =	vst.idx.msk $0xffff, v18  }
0x4a4: {  	v19 =	vadd.s32 v7, v33;
	v18 =	vld [tilespmem:s23+$0xC0]  }
0x4a5: {  	v34 =	vmov s24  }
0x4a6: {  	v34 =	vshrl.u32 v34, $0x3  }
0x4a7: {  	v34 =	vshll.u32 v34, v1  }
0x4a8: {  	v34 =	vbroadcast v34, $0x0  }
0x4a9: {  	[tilespmem:v19+s18+$0x0] =	vst.idx.msk $0xffff, v18  }
0x4aa: {  	v19 =	vadd.s32 v8, v34;
	v18 =	vld [tilespmem:s23+$0xE0];
	_ =	sdelay $0x4  }
0x4ab: {  	[tilespmem:v19+s18+$0x0] =	vst.idx.msk $0xffff, v18  }
0x4ac: {  	v17 =	vadd.s32 v9, v17;
	v18 =	vld [tilespmem:s23+$0xFFFFFF10];
	_ =	sdelay $0x4  }
0x4ad: {  	[tilespmem:v17+s18+$0x0] =	vst.idx.msk $0xffff, v18  }
0x4ae: {  	v18 =	vadd.s32 v10, v20;
	v17 =	vld [tilespmem:s23+$0xFFFFFF30];
	_ =	sdelay $0x4  }
0x4af: {  	[tilespmem:v18+s18+$0x0] =	vst.idx.msk $0xffff, v17  }
0x4b0: {  	v18 =	vadd.s32 v11, v21;
	v17 =	vld [tilespmem:s23+$0xFFFFFF50];
	_ =	sdelay $0x4  }
0x4b1: {  	[tilespmem:v18+s18+$0x0] =	vst.idx.msk $0xffff, v17  }
0x4b2: {  	v18 =	vadd.s32 v12, v22;
	v17 =	vld [tilespmem:s23+$0xFFFFFF70];
	_ =	sdelay $0x4  }
0x4b3: {  	[tilespmem:v18+s18+$0x0] =	vst.idx.msk $0xffff, v17  }
0x4b4: {  	v18 =	vadd.s32 v13, v23;
	v17 =	vld [tilespmem:s23+$0xFFFFFF90];
	_ =	sdelay $0x4  }
0x4b5: {  	[tilespmem:v18+s18+$0x0] =	vst.idx.msk $0xffff, v17  }
0x4b6: {  	v18 =	vadd.s32 v14, v24;
	v17 =	vld [tilespmem:s23+$0xFFFFFFB0];
	_ =	sdelay $0x4  }
0x4b7: {  	[tilespmem:v18+s18+$0x0] =	vst.idx.msk $0xffff, v17  }
0x4b8: {  	v18 =	vadd.s32 v15, v25;
	v17 =	vld [tilespmem:s23+$0xFFFFFFD0];
	_ =	sdelay $0x4  }
0x4b9: {  	[tilespmem:v18+s18+$0x0] =	vst.idx.msk $0xffff, v17  }
0x4ba: {  	v18 =	vadd.s32 v16, v26;
	v17 =	vld [tilespmem:s23+$0xFFFFFFF0];
	_ =	sdelay $0x4  }
0x4bb: {  	[tilespmem:v18+s18+$0x0] =	vst.idx.msk $0xffff, v17  }
0x4bc: {  	v18 =	vadd.s32 v9, v27;
	v17 =	vld [tilespmem:s23+$0x10];
	_ =	sdelay $0x4  }
0x4bd: {  	[tilespmem:v18+s18+$0x0] =	vst.idx.msk $0xffff, v17  }
0x4be: {  	v18 =	vadd.s32 v10, v28;
	v17 =	vld [tilespmem:s23+$0x30];
	_ =	sdelay $0x4  }
0x4bf: {  	[tilespmem:v18+s18+$0x0] =	vst.idx.msk $0xffff, v17  }
0x4c0: {  	v18 =	vadd.s32 v11, v29;
	v17 =	vld [tilespmem:s23+$0x50];
	_ =	sdelay $0x4  }
0x4c1: {  	[tilespmem:v18+s18+$0x0] =	vst.idx.msk $0xffff, v17  }
0x4c2: {  	v18 =	vadd.s32 v12, v30;
	v17 =	vld [tilespmem:s23+$0x70];
	_ =	sdelay $0x4  }
0x4c3: {  	[tilespmem:v18+s18+$0x0] =	vst.idx.msk $0xffff, v17  }
0x4c4: {  	v18 =	vadd.s32 v13, v31;
	v17 =	vld [tilespmem:s23+$0x90];
	_ =	sdelay $0x4  }
0x4c5: {  	[tilespmem:v18+s18+$0x0] =	vst.idx.msk $0xffff, v17  }
0x4c6: {  	v18 =	vadd.s32 v14, v32;
	v17 =	vld [tilespmem:s23+$0xB0];
	_ =	sdelay $0x4  }
0x4c7: {  	[tilespmem:v18+s18+$0x0] =	vst.idx.msk $0xffff, v17  }
0x4c8: {  	v18 =	vadd.s32 v15, v33;
	v17 =	vld [tilespmem:s23+$0xD0];
	_ =	sdelay $0x4  }
0x4c9: {  	[tilespmem:v18+s18+$0x0] =	vst.idx.msk $0xffff, v17  }
0x4ca: {  	v18 =	vadd.s32 v16, v34;
	v17 =	vld [tilespmem:s23+$0xF0];
	_ =	sdelay $0x3  }
0x4cb: {  	s25 =	simm.s32 $0xE608  }
0x4cc: {  	s24 =	simm.s32 $0x800;
	s26 =	sadd.s32 $0x0, s9;
	s23 =	simm.s32 $0xE400;
	[tilespmem:v18+s18+$0x0] =	vst.idx.msk $0xffff, v17  }
.LBB2_18:
0x4cd: {  	[hbm4b:s26+s2] =	stream.linear.scatter [tilespmem:s23], [sflag:$0x3], $0x200, $0x38;
	[tilespmem:$0x16600] =	vst v63  }
0x4ce: {  	s26 =	smov.u32 s24;
	s23 =	smov.u32 s25;
	p0 =	sne.s32 s24, $0xF800  }
.Ltmp8:
0x4cf: {  	s24 =	sadd.s32 $0x800, s24;
	(pc) =	sbr.rel @p0 .LBB2_18-.Ltmp8, $2  }
0x4d0: {  	_ =	sdelay $0x2  }
0x4d1: {  	s25 =	sadd.s32 $0x208, s25;
	s26 =	sadd.s32 s26, s9  }
0x4d2: {  	[hbm4b:s26+s2] =	stream.linear.scatter [tilespmem:s23], [sflag:$0x3], $0x200, $0x38;
	[tilespmem:$0x16600] =	vst v63  }
0x4d3: {  	s30 =	simm.s32 $0x0;
	_ =	swait.ge [sflag:s19], $0x4000  }
0x4d4: {  	v17 =	vmov s30;
	[sflag:s19] =	ssyncset.done $0x0  }
0x4d5: {  	v17 =	vshrl.u32 v17, $0x3;
	[sflag:s19] =	ssyncadd.s32 $0xFFFFC000  }
0x4d6: {  	v17 =	vshll.u32 v17, v1;
	_ =	swait.ge [sflag:s20], $0x4000  }
0x4d7: {  	v17 =	vbroadcast v17, $0x0;
	[sflag:s20] =	ssyncset.done $0x0  }
0x4d8: {  	s23 =	simm.s32 $0xA500;
	[sflag:s20] =	ssyncadd.s32 $0xFFFFC000  }
0x4d9: {  	s24 =	simm.s32 $0x1;
	v19 =	vadd.s32 v0, v17;
	v18 =	vld [tilespmem:s23+$0xFFFFFF00]  }
0x4da: {  	v20 =	vmov s24  }
0x4db: {  	v20 =	vshrl.u32 v20, $0x3  }
0x4dc: {  	v20 =	vshll.u32 v20, v1  }
0x4dd: {  	s24 =	simm.s32 $0x12500;
	v20 =	vbroadcast v20, $0x0  }
0x4de: {  	[tilespmem:v19+s24+$0x0] =	vst.idx.msk $0xffff, v18  }
0x4df: {  	s25 =	simm.s32 $0x2;
	v19 =	vadd.s32 v2, v20;
	v18 =	vld [tilespmem:s23+$0xFFFFFF20]  }
0x4e0: {  	v21 =	vmov s25  }
0x4e1: {  	v21 =	vshrl.u32 v21, $0x3  }
0x4e2: {  	v21 =	vshll.u32 v21, v1  }
0x4e3: {  	v21 =	vbroadcast v21, $0x0  }
0x4e4: {  	[tilespmem:v19+s24+$0x0] =	vst.idx.msk $0xffff, v18  }
0x4e5: {  	s31 =	simm.s32 $0x3;
	v19 =	vadd.s32 v3, v21;
	v18 =	vld [tilespmem:s23+$0xFFFFFF40]  }
0x4e6: {  	v22 =	vmov s31  }
0x4e7: {  	v22 =	vshrl.u32 v22, $0x3  }
0x4e8: {  	v22 =	vshll.u32 v22, v1  }
0x4e9: {  	v22 =	vbroadcast v22, $0x0  }
0x4ea: {  	[tilespmem:v19+s24+$0x0] =	vst.idx.msk $0xffff, v18  }
0x4eb: {  	s26 =	simm.s32 $0x4;
	v19 =	vadd.s32 v4, v22;
	v18 =	vld [tilespmem:s23+$0xFFFFFF60]  }
0x4ec: {  	v23 =	vmov s26  }
0x4ed: {  	v23 =	vshrl.u32 v23, $0x3  }
0x4ee: {  	v23 =	vshll.u32 v23, v1  }
0x4ef: {  	v23 =	vbroadcast v23, $0x0  }
0x4f0: {  	[tilespmem:v19+s24+$0x0] =	vst.idx.msk $0xffff, v18  }
0x4f1: {  	s29 =	simm.s32 $0x5;
	v19 =	vadd.s32 v5, v23;
	v18 =	vld [tilespmem:s23+$0xFFFFFF80]  }
0x4f2: {  	v24 =	vmov s29  }
0x4f3: {  	v24 =	vshrl.u32 v24, $0x3  }
0x4f4: {  	v24 =	vshll.u32 v24, v1  }
0x4f5: {  	v24 =	vbroadcast v24, $0x0  }
0x4f6: {  	[tilespmem:v19+s24+$0x0] =	vst.idx.msk $0xffff, v18  }
0x4f7: {  	s30 =	simm.s32 $0x6;
	v19 =	vadd.s32 v6, v24;
	v18 =	vld [tilespmem:s23+$0xFFFFFFA0]  }
0x4f8: {  	v25 =	vmov s30  }
0x4f9: {  	v25 =	vshrl.u32 v25, $0x3  }
0x4fa: {  	v25 =	vshll.u32 v25, v1  }
0x4fb: {  	v25 =	vbroadcast v25, $0x0  }
0x4fc: {  	[tilespmem:v19+s24+$0x0] =	vst.idx.msk $0xffff, v18  }
0x4fd: {  	s31 =	simm.s32 $0x7;
	v19 =	vadd.s32 v7, v25;
	v18 =	vld [tilespmem:s23+$0xFFFFFFC0]  }
0x4fe: {  	v26 =	vmov s31  }
0x4ff: {  	v26 =	vshrl.u32 v26, $0x3  }
0x500: {  	v26 =	vshll.u32 v26, v1  }
0x501: {  	v26 =	vbroadcast v26, $0x0  }
0x502: {  	[tilespmem:v19+s24+$0x0] =	vst.idx.msk $0xffff, v18  }
0x503: {  	s26 =	simm.s32 $0x8;
	v19 =	vadd.s32 v8, v26;
	v18 =	vld [tilespmem:s23+$0xFFFFFFE0]  }
0x504: {  	v27 =	vmov s26  }
0x505: {  	v27 =	vshrl.u32 v27, $0x3  }
0x506: {  	v27 =	vshll.u32 v27, v1  }
0x507: {  	v27 =	vbroadcast v27, $0x0  }
0x508: {  	[tilespmem:v19+s24+$0x0] =	vst.idx.msk $0xffff, v18  }
0x509: {  	s29 =	simm.s32 $0x9;
	v19 =	vadd.s32 v0, v27;
	v18 =	vld [tilespmem:s23+$0x0]  }
0x50a: {  	v28 =	vmov s29  }
0x50b: {  	v28 =	vshrl.u32 v28, $0x3  }
0x50c: {  	v28 =	vshll.u32 v28, v1  }
0x50d: {  	v28 =	vbroadcast v28, $0x0  }
0x50e: {  	[tilespmem:v19+s24+$0x0] =	vst.idx.msk $0xffff, v18  }
0x50f: {  	s30 =	simm.s32 $0xA;
	v19 =	vadd.s32 v2, v28;
	v18 =	vld [tilespmem:s23+$0x20]  }
0x510: {  	v29 =	vmov s30  }
0x511: {  	v29 =	vshrl.u32 v29, $0x3  }
0x512: {  	v29 =	vshll.u32 v29, v1  }
0x513: {  	v29 =	vbroadcast v29, $0x0  }
0x514: {  	[tilespmem:v19+s24+$0x0] =	vst.idx.msk $0xffff, v18  }
0x515: {  	s31 =	simm.s32 $0xB;
	v19 =	vadd.s32 v3, v29;
	v18 =	vld [tilespmem:s23+$0x40]  }
0x516: {  	v30 =	vmov s31  }
0x517: {  	v30 =	vshrl.u32 v30, $0x3  }
0x518: {  	v30 =	vshll.u32 v30, v1  }
0x519: {  	v30 =	vbroadcast v30, $0x0  }
0x51a: {  	[tilespmem:v19+s24+$0x0] =	vst.idx.msk $0xffff, v18  }
0x51b: {  	s26 =	simm.s32 $0xC;
	v19 =	vadd.s32 v4, v30;
	v18 =	vld [tilespmem:s23+$0x60]  }
0x51c: {  	v31 =	vmov s26  }
0x51d: {  	v31 =	vshrl.u32 v31, $0x3  }
0x51e: {  	v31 =	vshll.u32 v31, v1  }
0x51f: {  	v31 =	vbroadcast v31, $0x0  }
0x520: {  	[tilespmem:v19+s24+$0x0] =	vst.idx.msk $0xffff, v18  }
0x521: {  	s29 =	simm.s32 $0xD;
	v19 =	vadd.s32 v5, v31;
	v18 =	vld [tilespmem:s23+$0x80]  }
0x522: {  	v32 =	vmov s29  }
0x523: {  	v32 =	vshrl.u32 v32, $0x3  }
0x524: {  	v32 =	vshll.u32 v32, v1  }
0x525: {  	v32 =	vbroadcast v32, $0x0  }
0x526: {  	[tilespmem:v19+s24+$0x0] =	vst.idx.msk $0xffff, v18  }
0x527: {  	s30 =	simm.s32 $0xE;
	v19 =	vadd.s32 v6, v32;
	v18 =	vld [tilespmem:s23+$0xA0]  }
0x528: {  	v33 =	vmov s30  }
0x529: {  	v33 =	vshrl.u32 v33, $0x3  }
0x52a: {  	v33 =	vshll.u32 v33, v1  }
0x52b: {  	v33 =	vbroadcast v33, $0x0  }
0x52c: {  	[tilespmem:v19+s24+$0x0] =	vst.idx.msk $0xffff, v18  }
0x52d: {  	s31 =	simm.s32 $0xF;
	v19 =	vadd.s32 v7, v33;
	v18 =	vld [tilespmem:s23+$0xC0]  }
0x52e: {  	v34 =	vmov s31  }
0x52f: {  	v34 =	vshrl.u32 v34, $0x3  }
0x530: {  	v34 =	vshll.u32 v34, v1  }
0x531: {  	v34 =	vbroadcast v34, $0x0  }
0x532: {  	[tilespmem:v19+s24+$0x0] =	vst.idx.msk $0xffff, v18  }
0x533: {  	v19 =	vadd.s32 v8, v34;
	v18 =	vld [tilespmem:s23+$0xE0];
	_ =	sdelay $0x4  }
0x534: {  	[tilespmem:v19+s24+$0x0] =	vst.idx.msk $0xffff, v18  }
0x535: {  	v17 =	vadd.s32 v9, v17;
	v18 =	vld [tilespmem:s23+$0xFFFFFF10];
	_ =	sdelay $0x4  }
0x536: {  	[tilespmem:v17+s24+$0x0] =	vst.idx.msk $0xffff, v18  }
0x537: {  	v18 =	vadd.s32 v10, v20;
	v17 =	vld [tilespmem:s23+$0xFFFFFF30];
	_ =	sdelay $0x4  }
0x538: {  	[tilespmem:v18+s24+$0x0] =	vst.idx.msk $0xffff, v17  }
0x539: {  	v18 =	vadd.s32 v11, v21;
	v17 =	vld [tilespmem:s23+$0xFFFFFF50];
	_ =	sdelay $0x4  }
0x53a: {  	[tilespmem:v18+s24+$0x0] =	vst.idx.msk $0xffff, v17  }
0x53b: {  	v18 =	vadd.s32 v12, v22;
	v17 =	vld [tilespmem:s23+$0xFFFFFF70];
	_ =	sdelay $0x4  }
0x53c: {  	[tilespmem:v18+s24+$0x0] =	vst.idx.msk $0xffff, v17  }
0x53d: {  	v18 =	vadd.s32 v13, v23;
	v17 =	vld [tilespmem:s23+$0xFFFFFF90];
	_ =	sdelay $0x4  }
0x53e: {  	[tilespmem:v18+s24+$0x0] =	vst.idx.msk $0xffff, v17  }
0x53f: {  	v18 =	vadd.s32 v14, v24;
	v17 =	vld [tilespmem:s23+$0xFFFFFFB0];
	_ =	sdelay $0x4  }
0x540: {  	[tilespmem:v18+s24+$0x0] =	vst.idx.msk $0xffff, v17  }
0x541: {  	v18 =	vadd.s32 v15, v25;
	v17 =	vld [tilespmem:s23+$0xFFFFFFD0];
	_ =	sdelay $0x4  }
0x542: {  	[tilespmem:v18+s24+$0x0] =	vst.idx.msk $0xffff, v17  }
0x543: {  	v18 =	vadd.s32 v16, v26;
	v17 =	vld [tilespmem:s23+$0xFFFFFFF0];
	_ =	sdelay $0x4  }
0x544: {  	[tilespmem:v18+s24+$0x0] =	vst.idx.msk $0xffff, v17  }
0x545: {  	v18 =	vadd.s32 v9, v27;
	v17 =	vld [tilespmem:s23+$0x10];
	_ =	sdelay $0x4  }
0x546: {  	[tilespmem:v18+s24+$0x0] =	vst.idx.msk $0xffff, v17  }
0x547: {  	v18 =	vadd.s32 v10, v28;
	v17 =	vld [tilespmem:s23+$0x30];
	_ =	sdelay $0x4  }
0x548: {  	[tilespmem:v18+s24+$0x0] =	vst.idx.msk $0xffff, v17  }
0x549: {  	v18 =	vadd.s32 v11, v29;
	v17 =	vld [tilespmem:s23+$0x50];
	_ =	sdelay $0x4  }
0x54a: {  	[tilespmem:v18+s24+$0x0] =	vst.idx.msk $0xffff, v17  }
0x54b: {  	v18 =	vadd.s32 v12, v30;
	v17 =	vld [tilespmem:s23+$0x70];
	_ =	sdelay $0x4  }
0x54c: {  	[tilespmem:v18+s24+$0x0] =	vst.idx.msk $0xffff, v17  }
0x54d: {  	v18 =	vadd.s32 v13, v31;
	v17 =	vld [tilespmem:s23+$0x90];
	_ =	sdelay $0x4  }
0x54e: {  	[tilespmem:v18+s24+$0x0] =	vst.idx.msk $0xffff, v17  }
0x54f: {  	v18 =	vadd.s32 v14, v32;
	v17 =	vld [tilespmem:s23+$0xB0];
	_ =	sdelay $0x4  }
0x550: {  	[tilespmem:v18+s24+$0x0] =	vst.idx.msk $0xffff, v17  }
0x551: {  	v18 =	vadd.s32 v15, v33;
	v17 =	vld [tilespmem:s23+$0xD0];
	_ =	sdelay $0x4  }
0x552: {  	[tilespmem:v18+s24+$0x0] =	vst.idx.msk $0xffff, v17  }
0x553: {  	s28 =	simm.s32 $0x10;
	s25 =	simm.s32 $0x1F;
	s26 =	simm.s32 $0x2F;
	v19 =	vadd.s32 v16, v34;
	v18 =	vld [tilespmem:s23+$0xF0]  }
.LBB2_20:
0x554: {  	p0 =	sne.s32 s26, $0x1FF;
	v17 =	vmov s28  }
0x555: {  	v17 =	vshrl.u32 v17, $0x3  }
0x556: {  	v17 =	vshll.u32 v17, v1  }
0x557: {  	v17 =	vbroadcast v17, $0x0  }
0x558: {  	s23 =	sadd.s32 $0x200, s23;
	[tilespmem:v19+s24+$0x0] =	vst.idx.msk $0xffff, v18  }
0x559: {  	s28 =	sadd.s32 $0xFFFFFFF2, s25;
	v19 =	vld [tilespmem:s23+$0xFFFFFF00];
	v20 =	vadd.s32 v0, v17  }
0x55a: {  	v18 =	vmov s28  }
0x55b: {  	v18 =	vshrl.u32 v18, $0x3  }
0x55c: {  	v18 =	vshll.u32 v18, v1  }
0x55d: {  	v18 =	vbroadcast v18, $0x0  }
0x55e: {  	[tilespmem:v20+s24+$0x0] =	vst.idx.msk $0xffff, v19  }
0x55f: {  	s28 =	sadd.s32 $0xFFFFFFF3, s25;
	v21 =	vadd.s32 v2, v18;
	v20 =	vld [tilespmem:s23+$0xFFFFFF20]  }
0x560: {  	v19 =	vmov s28  }
0x561: {  	v19 =	vshrl.u32 v19, $0x3  }
0x562: {  	v19 =	vshll.u32 v19, v1  }
0x563: {  	v19 =	vbroadcast v19, $0x0  }
0x564: {  	[tilespmem:v21+s24+$0x0] =	vst.idx.msk $0xffff, v20  }
0x565: {  	s28 =	sadd.s32 $0xFFFFFFF4, s25;
	v22 =	vadd.s32 v3, v19;
	v21 =	vld [tilespmem:s23+$0xFFFFFF40]  }
0x566: {  	v20 =	vmov s28  }
0x567: {  	v20 =	vshrl.u32 v20, $0x3  }
0x568: {  	v20 =	vshll.u32 v20, v1  }
0x569: {  	v20 =	vbroadcast v20, $0x0  }
0x56a: {  	[tilespmem:v22+s24+$0x0] =	vst.idx.msk $0xffff, v21  }
0x56b: {  	s28 =	sadd.s32 $0xFFFFFFF5, s25;
	v23 =	vadd.s32 v4, v20;
	v22 =	vld [tilespmem:s23+$0xFFFFFF60]  }
0x56c: {  	v21 =	vmov s28  }
0x56d: {  	v21 =	vshrl.u32 v21, $0x3  }
0x56e: {  	v21 =	vshll.u32 v21, v1  }
0x56f: {  	v21 =	vbroadcast v21, $0x0  }
0x570: {  	[tilespmem:v23+s24+$0x0] =	vst.idx.msk $0xffff, v22  }
0x571: {  	s28 =	sadd.s32 $0xFFFFFFF6, s25;
	v24 =	vadd.s32 v5, v21;
	v23 =	vld [tilespmem:s23+$0xFFFFFF80]  }
0x572: {  	v22 =	vmov s28  }
0x573: {  	v22 =	vshrl.u32 v22, $0x3  }
0x574: {  	v22 =	vshll.u32 v22, v1  }
0x575: {  	v22 =	vbroadcast v22, $0x0  }
0x576: {  	[tilespmem:v24+s24+$0x0] =	vst.idx.msk $0xffff, v23  }
0x577: {  	s28 =	sadd.s32 $0xFFFFFFF7, s25;
	v25 =	vadd.s32 v6, v22;
	v24 =	vld [tilespmem:s23+$0xFFFFFFA0]  }
0x578: {  	v23 =	vmov s28  }
0x579: {  	v23 =	vshrl.u32 v23, $0x3  }
0x57a: {  	v23 =	vshll.u32 v23, v1  }
0x57b: {  	v23 =	vbroadcast v23, $0x0  }
0x57c: {  	[tilespmem:v25+s24+$0x0] =	vst.idx.msk $0xffff, v24  }
0x57d: {  	s28 =	sadd.s32 $0xFFFFFFF8, s25;
	v26 =	vadd.s32 v7, v23;
	v25 =	vld [tilespmem:s23+$0xFFFFFFC0]  }
0x57e: {  	v24 =	vmov s28  }
0x57f: {  	v24 =	vshrl.u32 v24, $0x3  }
0x580: {  	v24 =	vshll.u32 v24, v1  }
0x581: {  	v24 =	vbroadcast v24, $0x0  }
0x582: {  	[tilespmem:v26+s24+$0x0] =	vst.idx.msk $0xffff, v25  }
0x583: {  	s28 =	sadd.s32 $0xFFFFFFF9, s25;
	v27 =	vadd.s32 v8, v24;
	v26 =	vld [tilespmem:s23+$0xFFFFFFE0]  }
0x584: {  	v25 =	vmov s28  }
0x585: {  	v25 =	vshrl.u32 v25, $0x3  }
0x586: {  	v25 =	vshll.u32 v25, v1  }
0x587: {  	v25 =	vbroadcast v25, $0x0  }
0x588: {  	[tilespmem:v27+s24+$0x0] =	vst.idx.msk $0xffff, v26  }
0x589: {  	s28 =	sadd.s32 $0xFFFFFFFA, s25;
	v28 =	vadd.s32 v0, v25;
	v27 =	vld [tilespmem:s23+$0x0]  }
0x58a: {  	v26 =	vmov s28  }
0x58b: {  	v26 =	vshrl.u32 v26, $0x3  }
0x58c: {  	v26 =	vshll.u32 v26, v1  }
0x58d: {  	v26 =	vbroadcast v26, $0x0  }
0x58e: {  	[tilespmem:v28+s24+$0x0] =	vst.idx.msk $0xffff, v27  }
0x58f: {  	s28 =	sadd.s32 $0xFFFFFFFB, s25;
	v29 =	vadd.s32 v2, v26;
	v28 =	vld [tilespmem:s23+$0x20]  }
0x590: {  	v27 =	vmov s28  }
0x591: {  	v27 =	vshrl.u32 v27, $0x3  }
0x592: {  	v27 =	vshll.u32 v27, v1  }
0x593: {  	v27 =	vbroadcast v27, $0x0  }
0x594: {  	[tilespmem:v29+s24+$0x0] =	vst.idx.msk $0xffff, v28  }
0x595: {  	s28 =	sadd.s32 $0xFFFFFFFC, s25;
	v30 =	vadd.s32 v3, v27;
	v29 =	vld [tilespmem:s23+$0x40]  }
0x596: {  	v28 =	vmov s28  }
0x597: {  	v28 =	vshrl.u32 v28, $0x3  }
0x598: {  	v28 =	vshll.u32 v28, v1  }
0x599: {  	v28 =	vbroadcast v28, $0x0  }
0x59a: {  	[tilespmem:v30+s24+$0x0] =	vst.idx.msk $0xffff, v29  }
0x59b: {  	s28 =	sadd.s32 $0xFFFFFFFD, s25;
	v31 =	vadd.s32 v4, v28;
	v30 =	vld [tilespmem:s23+$0x60]  }
0x59c: {  	v29 =	vmov s28  }
0x59d: {  	v29 =	vshrl.u32 v29, $0x3  }
0x59e: {  	v29 =	vshll.u32 v29, v1  }
0x59f: {  	v29 =	vbroadcast v29, $0x0  }
0x5a0: {  	[tilespmem:v31+s24+$0x0] =	vst.idx.msk $0xffff, v30  }
0x5a1: {  	s28 =	sadd.s32 $0xFFFFFFFE, s25;
	v32 =	vadd.s32 v5, v29;
	v31 =	vld [tilespmem:s23+$0x80]  }
0x5a2: {  	v30 =	vmov s28  }
0x5a3: {  	v30 =	vshrl.u32 v30, $0x3  }
0x5a4: {  	v30 =	vshll.u32 v30, v1  }
0x5a5: {  	v30 =	vbroadcast v30, $0x0  }
0x5a6: {  	[tilespmem:v32+s24+$0x0] =	vst.idx.msk $0xffff, v31  }
0x5a7: {  	s28 =	sadd.s32 $0xFFFFFFFF, s25;
	v33 =	vadd.s32 v6, v30;
	v32 =	vld [tilespmem:s23+$0xA0]  }
0x5a8: {  	v31 =	vmov s28  }
0x5a9: {  	v31 =	vshrl.u32 v31, $0x3  }
0x5aa: {  	v31 =	vshll.u32 v31, v1  }
0x5ab: {  	v31 =	vbroadcast v31, $0x0  }
0x5ac: {  	[tilespmem:v33+s24+$0x0] =	vst.idx.msk $0xffff, v32  }
0x5ad: {  	v34 =	vadd.s32 v7, v31;
	v33 =	vld [tilespmem:s23+$0xC0]  }
0x5ae: {  	v32 =	vmov s25;
	s25 =	smov.u32 s26  }
0x5af: {  	v32 =	vshrl.u32 v32, $0x3  }
0x5b0: {  	v32 =	vshll.u32 v32, v1  }
0x5b1: {  	v32 =	vbroadcast v32, $0x0  }
0x5b2: {  	[tilespmem:v34+s24+$0x0] =	vst.idx.msk $0xffff, v33  }
0x5b3: {  	v34 =	vadd.s32 v8, v32;
	v33 =	vld [tilespmem:s23+$0xE0];
	_ =	sdelay $0x4  }
0x5b4: {  	[tilespmem:v34+s24+$0x0] =	vst.idx.msk $0xffff, v33  }
0x5b5: {  	v17 =	vadd.s32 v9, v17;
	v33 =	vld [tilespmem:s23+$0xFFFFFF10];
	_ =	sdelay $0x4  }
0x5b6: {  	[tilespmem:v17+s24+$0x0] =	vst.idx.msk $0xffff, v33  }
0x5b7: {  	v18 =	vadd.s32 v10, v18;
	v17 =	vld [tilespmem:s23+$0xFFFFFF30];
	_ =	sdelay $0x4  }
0x5b8: {  	[tilespmem:v18+s24+$0x0] =	vst.idx.msk $0xffff, v17  }
0x5b9: {  	v18 =	vadd.s32 v11, v19;
	v17 =	vld [tilespmem:s23+$0xFFFFFF50];
	_ =	sdelay $0x4  }
0x5ba: {  	[tilespmem:v18+s24+$0x0] =	vst.idx.msk $0xffff, v17  }
0x5bb: {  	v18 =	vadd.s32 v12, v20;
	v17 =	vld [tilespmem:s23+$0xFFFFFF70];
	_ =	sdelay $0x4  }
0x5bc: {  	[tilespmem:v18+s24+$0x0] =	vst.idx.msk $0xffff, v17  }
0x5bd: {  	v18 =	vadd.s32 v13, v21;
	v17 =	vld [tilespmem:s23+$0xFFFFFF90];
	_ =	sdelay $0x4  }
0x5be: {  	[tilespmem:v18+s24+$0x0] =	vst.idx.msk $0xffff, v17  }
0x5bf: {  	v18 =	vadd.s32 v14, v22;
	v17 =	vld [tilespmem:s23+$0xFFFFFFB0];
	_ =	sdelay $0x4  }
0x5c0: {  	[tilespmem:v18+s24+$0x0] =	vst.idx.msk $0xffff, v17  }
0x5c1: {  	v18 =	vadd.s32 v15, v23;
	v17 =	vld [tilespmem:s23+$0xFFFFFFD0];
	_ =	sdelay $0x4  }
0x5c2: {  	[tilespmem:v18+s24+$0x0] =	vst.idx.msk $0xffff, v17  }
0x5c3: {  	v18 =	vadd.s32 v16, v24;
	v17 =	vld [tilespmem:s23+$0xFFFFFFF0];
	_ =	sdelay $0x4  }
0x5c4: {  	[tilespmem:v18+s24+$0x0] =	vst.idx.msk $0xffff, v17  }
0x5c5: {  	v18 =	vadd.s32 v9, v25;
	v17 =	vld [tilespmem:s23+$0x10];
	_ =	sdelay $0x4  }
0x5c6: {  	[tilespmem:v18+s24+$0x0] =	vst.idx.msk $0xffff, v17  }
0x5c7: {  	v18 =	vadd.s32 v10, v26;
	v17 =	vld [tilespmem:s23+$0x30];
	_ =	sdelay $0x4  }
0x5c8: {  	[tilespmem:v18+s24+$0x0] =	vst.idx.msk $0xffff, v17  }
0x5c9: {  	v18 =	vadd.s32 v11, v27;
	v17 =	vld [tilespmem:s23+$0x50];
	_ =	sdelay $0x4  }
0x5ca: {  	[tilespmem:v18+s24+$0x0] =	vst.idx.msk $0xffff, v17  }
0x5cb: {  	v18 =	vadd.s32 v12, v28;
	v17 =	vld [tilespmem:s23+$0x70];
	_ =	sdelay $0x4  }
0x5cc: {  	[tilespmem:v18+s24+$0x0] =	vst.idx.msk $0xffff, v17  }
0x5cd: {  	v18 =	vadd.s32 v13, v29;
	v17 =	vld [tilespmem:s23+$0x90];
	_ =	sdelay $0x4  }
0x5ce: {  	[tilespmem:v18+s24+$0x0] =	vst.idx.msk $0xffff, v17  }
0x5cf: {  	v18 =	vadd.s32 v14, v30;
	v17 =	vld [tilespmem:s23+$0xB0];
	_ =	sdelay $0x4  }
0x5d0: {  	[tilespmem:v18+s24+$0x0] =	vst.idx.msk $0xffff, v17  }
0x5d1: {  	v18 =	vadd.s32 v15, v31;
	v17 =	vld [tilespmem:s23+$0xD0];
	_ =	sdelay $0x1  }
.Ltmp9:
0x5d2: {  	(pc) =	sbr.rel @p0 .LBB2_20-.Ltmp9, $3  }
0x5d3: {  	_ =	sdelay $0x1  }
0x5d4: {  	[tilespmem:v18+s24+$0x0] =	vst.idx.msk $0xffff, v17  }
0x5d5: {  	s26 =	sadd.s32 $0x10, s26;
	s28 =	sadd.s32 $0xFFFFFFF1, s25;
	v19 =	vadd.s32 v16, v32;
	v18 =	vld [tilespmem:s23+$0xF0]  }
0x5d6: {  	v17 =	vmov s28  }
0x5d7: {  	v17 =	vshrl.u32 v17, $0x3  }
0x5d8: {  	v17 =	vshll.u32 v17, v1  }
0x5d9: {  	v17 =	vbroadcast v17, $0x0  }
0x5da: {  	[tilespmem:v19+s24+$0x0] =	vst.idx.msk $0xffff, v18;
	s24 =	sadd.s32 $0x200, s23  }
0x5db: {  	s26 =	sadd.s32 $0xFFFFFFF2, s25;
	v18 =	vld [tilespmem:s24+$0xFFFFFF00];
	v19 =	vadd.s32 v0, v17  }
0x5dc: {  	v20 =	vmov s26  }
0x5dd: {  	v20 =	vshrl.u32 v20, $0x3  }
0x5de: {  	v20 =	vshll.u32 v20, v1  }
0x5df: {  	s23 =	simm.s32 $0x12500;
	v20 =	vbroadcast v20, $0x0  }
0x5e0: {  	[tilespmem:v19+s23+$0x0] =	vst.idx.msk $0xffff, v18  }
0x5e1: {  	s26 =	sadd.s32 $0xFFFFFFF3, s25;
	v19 =	vadd.s32 v2, v20;
	v18 =	vld [tilespmem:s24+$0xFFFFFF20]  }
0x5e2: {  	v21 =	vmov s26  }
0x5e3: {  	v21 =	vshrl.u32 v21, $0x3  }
0x5e4: {  	v21 =	vshll.u32 v21, v1  }
0x5e5: {  	v21 =	vbroadcast v21, $0x0  }
0x5e6: {  	[tilespmem:v19+s23+$0x0] =	vst.idx.msk $0xffff, v18  }
0x5e7: {  	s28 =	sadd.s32 $0xFFFFFFF4, s25;
	v19 =	vadd.s32 v3, v21;
	v18 =	vld [tilespmem:s24+$0xFFFFFF40]  }
0x5e8: {  	v22 =	vmov s28  }
0x5e9: {  	v22 =	vshrl.u32 v22, $0x3  }
0x5ea: {  	v22 =	vshll.u32 v22, v1  }
0x5eb: {  	v22 =	vbroadcast v22, $0x0  }
0x5ec: {  	[tilespmem:v19+s23+$0x0] =	vst.idx.msk $0xffff, v18  }
0x5ed: {  	s29 =	sadd.s32 $0xFFFFFFF5, s25;
	v19 =	vadd.s32 v4, v22;
	v18 =	vld [tilespmem:s24+$0xFFFFFF60]  }
0x5ee: {  	v23 =	vmov s29  }
0x5ef: {  	v23 =	vshrl.u32 v23, $0x3  }
0x5f0: {  	v23 =	vshll.u32 v23, v1  }
0x5f1: {  	v23 =	vbroadcast v23, $0x0  }
0x5f2: {  	[tilespmem:v19+s23+$0x0] =	vst.idx.msk $0xffff, v18  }
0x5f3: {  	s30 =	sadd.s32 $0xFFFFFFF6, s25;
	v19 =	vadd.s32 v5, v23;
	v18 =	vld [tilespmem:s24+$0xFFFFFF80]  }
0x5f4: {  	v24 =	vmov s30  }
0x5f5: {  	v24 =	vshrl.u32 v24, $0x3  }
0x5f6: {  	v24 =	vshll.u32 v24, v1  }
0x5f7: {  	v24 =	vbroadcast v24, $0x0  }
0x5f8: {  	[tilespmem:v19+s23+$0x0] =	vst.idx.msk $0xffff, v18  }
0x5f9: {  	s31 =	sadd.s32 $0xFFFFFFF7, s25;
	v19 =	vadd.s32 v6, v24;
	v18 =	vld [tilespmem:s24+$0xFFFFFFA0]  }
0x5fa: {  	v25 =	vmov s31  }
0x5fb: {  	v25 =	vshrl.u32 v25, $0x3  }
0x5fc: {  	v25 =	vshll.u32 v25, v1  }
0x5fd: {  	v25 =	vbroadcast v25, $0x0  }
0x5fe: {  	[tilespmem:v19+s23+$0x0] =	vst.idx.msk $0xffff, v18  }
0x5ff: {  	s28 =	sadd.s32 $0xFFFFFFF8, s25;
	v19 =	vadd.s32 v7, v25;
	v18 =	vld [tilespmem:s24+$0xFFFFFFC0]  }
0x600: {  	v26 =	vmov s28  }
0x601: {  	v26 =	vshrl.u32 v26, $0x3  }
0x602: {  	v26 =	vshll.u32 v26, v1  }
0x603: {  	v26 =	vbroadcast v26, $0x0  }
0x604: {  	[tilespmem:v19+s23+$0x0] =	vst.idx.msk $0xffff, v18  }
0x605: {  	s29 =	sadd.s32 $0xFFFFFFF9, s25;
	v19 =	vadd.s32 v8, v26;
	v18 =	vld [tilespmem:s24+$0xFFFFFFE0]  }
0x606: {  	v27 =	vmov s29  }
0x607: {  	v27 =	vshrl.u32 v27, $0x3  }
0x608: {  	v27 =	vshll.u32 v27, v1  }
0x609: {  	v27 =	vbroadcast v27, $0x0  }
0x60a: {  	[tilespmem:v19+s23+$0x0] =	vst.idx.msk $0xffff, v18  }
0x60b: {  	s30 =	sadd.s32 $0xFFFFFFFA, s25;
	v19 =	vadd.s32 v0, v27;
	v18 =	vld [tilespmem:s24+$0x0]  }
0x60c: {  	v28 =	vmov s30  }
0x60d: {  	v28 =	vshrl.u32 v28, $0x3  }
0x60e: {  	v28 =	vshll.u32 v28, v1  }
0x60f: {  	v28 =	vbroadcast v28, $0x0  }
0x610: {  	[tilespmem:v19+s23+$0x0] =	vst.idx.msk $0xffff, v18  }
0x611: {  	s31 =	sadd.s32 $0xFFFFFFFB, s25;
	v19 =	vadd.s32 v2, v28;
	v18 =	vld [tilespmem:s24+$0x20]  }
0x612: {  	v29 =	vmov s31  }
0x613: {  	v29 =	vshrl.u32 v29, $0x3  }
0x614: {  	v29 =	vshll.u32 v29, v1  }
0x615: {  	v29 =	vbroadcast v29, $0x0  }
0x616: {  	[tilespmem:v19+s23+$0x0] =	vst.idx.msk $0xffff, v18  }
0x617: {  	s28 =	sadd.s32 $0xFFFFFFFC, s25;
	v19 =	vadd.s32 v3, v29;
	v18 =	vld [tilespmem:s24+$0x40]  }
0x618: {  	v30 =	vmov s28  }
0x619: {  	v30 =	vshrl.u32 v30, $0x3  }
0x61a: {  	v30 =	vshll.u32 v30, v1  }
0x61b: {  	v30 =	vbroadcast v30, $0x0  }
0x61c: {  	[tilespmem:v19+s23+$0x0] =	vst.idx.msk $0xffff, v18  }
0x61d: {  	s29 =	sadd.s32 $0xFFFFFFFD, s25;
	v19 =	vadd.s32 v4, v30;
	v18 =	vld [tilespmem:s24+$0x60]  }
0x61e: {  	v31 =	vmov s29  }
0x61f: {  	v31 =	vshrl.u32 v31, $0x3  }
0x620: {  	v31 =	vshll.u32 v31, v1  }
0x621: {  	v31 =	vbroadcast v31, $0x0  }
0x622: {  	[tilespmem:v19+s23+$0x0] =	vst.idx.msk $0xffff, v18  }
0x623: {  	s30 =	sadd.s32 $0xFFFFFFFE, s25;
	v19 =	vadd.s32 v5, v31;
	v18 =	vld [tilespmem:s24+$0x80]  }
0x624: {  	v32 =	vmov s30  }
0x625: {  	v32 =	vshrl.u32 v32, $0x3  }
0x626: {  	v32 =	vshll.u32 v32, v1  }
0x627: {  	v32 =	vbroadcast v32, $0x0  }
0x628: {  	[tilespmem:v19+s23+$0x0] =	vst.idx.msk $0xffff, v18  }
0x629: {  	s31 =	sadd.s32 $0xFFFFFFFF, s25;
	v19 =	vadd.s32 v6, v32;
	v18 =	vld [tilespmem:s24+$0xA0]  }
0x62a: {  	v33 =	vmov s31  }
0x62b: {  	v33 =	vshrl.u32 v33, $0x3  }
0x62c: {  	v33 =	vshll.u32 v33, v1  }
0x62d: {  	v33 =	vbroadcast v33, $0x0  }
0x62e: {  	[tilespmem:v19+s23+$0x0] =	vst.idx.msk $0xffff, v18  }
0x62f: {  	v19 =	vadd.s32 v7, v33;
	v18 =	vld [tilespmem:s24+$0xC0]  }
0x630: {  	v34 =	vmov s25  }
0x631: {  	v34 =	vshrl.u32 v34, $0x3  }
0x632: {  	v34 =	vshll.u32 v34, v1  }
0x633: {  	v34 =	vbroadcast v34, $0x0  }
0x634: {  	[tilespmem:v19+s23+$0x0] =	vst.idx.msk $0xffff, v18  }
0x635: {  	v19 =	vadd.s32 v8, v34;
	v18 =	vld [tilespmem:s24+$0xE0];
	_ =	sdelay $0x4  }
0x636: {  	[tilespmem:v19+s23+$0x0] =	vst.idx.msk $0xffff, v18  }
0x637: {  	v17 =	vadd.s32 v9, v17;
	v18 =	vld [tilespmem:s24+$0xFFFFFF10];
	_ =	sdelay $0x4  }
0x638: {  	[tilespmem:v17+s23+$0x0] =	vst.idx.msk $0xffff, v18  }
0x639: {  	v18 =	vadd.s32 v10, v20;
	v17 =	vld [tilespmem:s24+$0xFFFFFF30];
	_ =	sdelay $0x4  }
0x63a: {  	[tilespmem:v18+s23+$0x0] =	vst.idx.msk $0xffff, v17  }
0x63b: {  	v18 =	vadd.s32 v11, v21;
	v17 =	vld [tilespmem:s24+$0xFFFFFF50];
	_ =	sdelay $0x4  }
0x63c: {  	[tilespmem:v18+s23+$0x0] =	vst.idx.msk $0xffff, v17  }
0x63d: {  	v18 =	vadd.s32 v12, v22;
	v17 =	vld [tilespmem:s24+$0xFFFFFF70];
	_ =	sdelay $0x4  }
0x63e: {  	[tilespmem:v18+s23+$0x0] =	vst.idx.msk $0xffff, v17  }
0x63f: {  	v18 =	vadd.s32 v13, v23;
	v17 =	vld [tilespmem:s24+$0xFFFFFF90];
	_ =	sdelay $0x4  }
0x640: {  	[tilespmem:v18+s23+$0x0] =	vst.idx.msk $0xffff, v17  }
0x641: {  	v18 =	vadd.s32 v14, v24;
	v17 =	vld [tilespmem:s24+$0xFFFFFFB0];
	_ =	sdelay $0x4  }
0x642: {  	[tilespmem:v18+s23+$0x0] =	vst.idx.msk $0xffff, v17  }
0x643: {  	v18 =	vadd.s32 v15, v25;
	v17 =	vld [tilespmem:s24+$0xFFFFFFD0];
	_ =	sdelay $0x4  }
0x644: {  	[tilespmem:v18+s23+$0x0] =	vst.idx.msk $0xffff, v17  }
0x645: {  	v18 =	vadd.s32 v16, v26;
	v17 =	vld [tilespmem:s24+$0xFFFFFFF0];
	_ =	sdelay $0x4  }
0x646: {  	[tilespmem:v18+s23+$0x0] =	vst.idx.msk $0xffff, v17  }
0x647: {  	v18 =	vadd.s32 v9, v27;
	v17 =	vld [tilespmem:s24+$0x10];
	_ =	sdelay $0x4  }
0x648: {  	[tilespmem:v18+s23+$0x0] =	vst.idx.msk $0xffff, v17  }
0x649: {  	v18 =	vadd.s32 v10, v28;
	v17 =	vld [tilespmem:s24+$0x30];
	_ =	sdelay $0x4  }
0x64a: {  	[tilespmem:v18+s23+$0x0] =	vst.idx.msk $0xffff, v17  }
0x64b: {  	v18 =	vadd.s32 v11, v29;
	v17 =	vld [tilespmem:s24+$0x50];
	_ =	sdelay $0x4  }
0x64c: {  	[tilespmem:v18+s23+$0x0] =	vst.idx.msk $0xffff, v17  }
0x64d: {  	v18 =	vadd.s32 v12, v30;
	v17 =	vld [tilespmem:s24+$0x70];
	_ =	sdelay $0x4  }
0x64e: {  	[tilespmem:v18+s23+$0x0] =	vst.idx.msk $0xffff, v17  }
0x64f: {  	v18 =	vadd.s32 v13, v31;
	v17 =	vld [tilespmem:s24+$0x90];
	_ =	sdelay $0x4  }
0x650: {  	[tilespmem:v18+s23+$0x0] =	vst.idx.msk $0xffff, v17  }
0x651: {  	v18 =	vadd.s32 v14, v32;
	v17 =	vld [tilespmem:s24+$0xB0];
	_ =	sdelay $0x4  }
0x652: {  	[tilespmem:v18+s23+$0x0] =	vst.idx.msk $0xffff, v17  }
0x653: {  	v18 =	vadd.s32 v15, v33;
	v17 =	vld [tilespmem:s24+$0xD0];
	_ =	sdelay $0x4  }
0x654: {  	[tilespmem:v18+s23+$0x0] =	vst.idx.msk $0xffff, v17  }
0x655: {  	v18 =	vadd.s32 v16, v34;
	v17 =	vld [tilespmem:s24+$0xF0];
	_ =	sdelay $0x4  }
0x656: {  	s26 =	sadd.s32 $0x0, s7;
	s25 =	simm.s32 $0x12708;
	s24 =	simm.s32 $0x800;
	[tilespmem:v18+s23+$0x0] =	vst.idx.msk $0xffff, v17  }
.LBB2_22:
0x657: {  	[hbm4b:s26+s2] =	stream.linear.scatter [tilespmem:s23], [sflag:$0x4], $0x200, $0x38;
	[tilespmem:$0x16600] =	vst v63  }
0x658: {  	s26 =	smov.u32 s24;
	s23 =	smov.u32 s25;
	p0 =	sne.s32 s24, $0xF800  }
.Ltmp10:
0x659: {  	s24 =	sadd.s32 $0x800, s24;
	(pc) =	sbr.rel @p0 .LBB2_22-.Ltmp10, $2  }
0x65a: {  	_ =	sdelay $0x2  }
0x65b: {  	s25 =	sadd.s32 $0x208, s25;
	s26 =	sadd.s32 s26, s7  }
0x65c: {  	[hbm4b:s26+s2] =	stream.linear.scatter [tilespmem:s23], [sflag:$0x4], $0x200, $0x38;
	[tilespmem:$0x16600] =	vst v63  }
0x65d: {  	s22 =	sadd.s32 $0x1, s22  }
0x65e: {  	_ =	swait.ge [sflag:s17], $0x4000;
	p0 =	sne.s32 s22, s10  }
.Ltmp11:
0x65f: {  	[sflag:s17] =	ssyncset.done $0x0;
	(pc) =	sbr.rel @p0 .LBB2_1-.Ltmp11, $4  }
0x660: {  	[sflag:s17] =	ssyncadd.s32 $0xFFFFC000  }
0x661: {  	_ =	swait.ge [sflag:s20], $0x4000  }
0x662: {  	[sflag:s20] =	ssyncset.done $0x0  }
0x663: {  	[sflag:s20] =	ssyncadd.s32 $0xFFFFC000  }
0x664: {  	_ =	sfence.sel $0x180000  }
0x665: {  	[bflag:$0x0] =	sbarrier.arrive $0xFFFF  }
0x666: {  	p0 =	sne.s32 s1, $0x0;
	_ =	strace $0x90000047  }
0x667: {  	s0 =	sadd.s32 @!p0 $0x100000, s0;
	[bflag:$0x2] =	sbarrier.arrive $0xFFFF  }
0x668: {  	[sflag:s0] =	ssyncadd.tile.s32 @!p0 $0x1;
	_ =	shalt  }
.Lfunc_end2:
_tile_overlayer_lowered:
.L_overlay_start_2:
0x669: {  	(tag) =	ssettag $0x2  }
0x66a: {  	s0 =	rddreg [dreg:$0x0];
	s2 =	stileid.u32  }
0x66b: {  	s1 =	rddreg [dreg:$0x1];
	p0 =	sne.s32 s2, $0x0  }
0x66c: {  	s3 =	rddreg [dreg:$0x2];
	[bflag:$0x3] =	sbarrier.arrive $0xFFFF;
	s2 =	simm.s32 @!p0 $0x1C05  }
0x66d: {  	[timem:s3], [sflag:s2] =	dma.local @!p0 [hbm:s0], s1  }
0x66e: {  	s0 =	simm.s32 @!p0 $0x5  }
0x66f: {  	_ =	swait.ge @!p0 [sflag:s0], s1  }
0x670: {  	s1 =	ssub.s32 @!p0 $0x0, s1;
	[sflag:s0] =	ssyncset.done @!p0 $0x0  }
0x671: {  	[sflag:s0] =	ssyncadd.s32 @!p0 s1  }
0x672: {  	[bflag:$0x3] =	sbarrier.arrive $0xFFFF  }
0x673: {  	_ =	shalt  }

</sc_bundles>
